<compile_context>
chip_gen: v7x
topology: tpu7x:2x2x1
jax: 0.10.2.dev20260603
libtpu: 0.0.44.dev20260713+nightly
codegen_flags: <defaults>
</compile_context>

<pallas_src>
import functools

import jax
import jax.numpy as jnp
from jax import lax
from jax.experimental import pallas as pl
from jax.experimental.pallas import tpu as pltpu
from jax.experimental.pallas import tpu_sc as plsc

NUM_SEG = 10000
PAD_SEG = 10240
D = 128
ROWS = 320000
G = 64
NBUF = 4
NGROUPS = ROWS // G
NWORK = 32
GMAIN = NGROUPS // NWORK
NEXTRA = NGROUPS - GMAIN * NWORK
SEG_PER_SUB = PAD_SEG // 16
CW = 8


def _sc_body(feat_hbm, seg_hbm, zs_hbm, zc_hbm, ones_hbm,
             out_s, out_c, acc, cnt, fbuf, ibuf, ones_v, zbuf,
             fsem, isem, csem, wsem):
    c = lax.axis_index("c")
    s = lax.axis_index("s")
    wid = c * 16 + s
    base = s * SEG_PER_SUB

    pltpu.sync_copy(zs_hbm, fbuf.at[0])
    pltpu.sync_copy(zc_hbm, zbuf)
    pltpu.sync_copy(ones_hbm, ones_v)
    for j in range(SEG_PER_SUB // G):
        pltpu.async_copy(fbuf.at[0], acc.at[pl.ds(base + j * G, G)], wsem)
        pltpu.async_copy(zbuf, cnt.at[pl.ds(base + j * G, G)], wsem)
    for j in range(SEG_PER_SUB // G):
        pltpu.make_async_copy(fbuf.at[0], acc.at[pl.ds(base + j * G, G)],
                              wsem).wait()
        pltpu.make_async_copy(zbuf, cnt.at[pl.ds(base + j * G, G)],
                              wsem).wait()

    g0 = wid * GMAIN

    def start_read(gabs, b):
        r0 = gabs * G
        pltpu.async_copy(feat_hbm.at[pl.ds(r0, G)], fbuf.at[b], fsem.at[b])
        pltpu.async_copy(seg_hbm.at[pl.ds(r0, G)], ibuf.at[b], isem.at[b])

    def wait_read(b):
        pltpu.make_async_copy(feat_hbm.at[pl.ds(0, G)], fbuf.at[b],
                              fsem.at[b]).wait()
        pltpu.make_async_copy(seg_hbm.at[pl.ds(0, G)], ibuf.at[b],
                              isem.at[b]).wait()

    def scatter(b):
        cdesc = pltpu.async_copy(ones_v, cnt.at[ibuf.at[b]], csem.at[b],
                                 add=True)
        pltpu.sync_copy(fbuf.at[b], acc.at[ibuf.at[b]], add=True)
        cdesc.wait()

    for b in range(NBUF):
        start_read(g0 + b, b)
    plsc.subcore_barrier()

    def body(i, carry):
        for b in range(NBUF):
            g = NBUF * i + b
            wait_read(b)
            scatter(b)
            start_read(g0 + g + NBUF, b)
        return carry

    lax.fori_loop(0, GMAIN // NBUF, body, 0)
    for b in range(NBUF):
        wait_read(b)

    @pl.when(wid >= NWORK - NEXTRA)
    def _():
        gabs = GMAIN * NWORK + (wid - (NWORK - NEXTRA))
        start_read(gabs, 0)
        wait_read(0)
        scatter(0)

    plsc.subcore_barrier()
    for j in range(SEG_PER_SUB // G):
        pltpu.async_copy(acc.at[pl.ds(base + j * G, G)],
                         out_s.at[c, pl.ds(base + j * G, G)], wsem)
        pltpu.async_copy(cnt.at[pl.ds(base + j * G, G)],
                         out_c.at[c, pl.ds(base + j * G, G)], wsem)
    for j in range(SEG_PER_SUB // G):
        pltpu.make_async_copy(acc.at[pl.ds(base + j * G, G)],
                              out_s.at[c, pl.ds(base + j * G, G)],
                              wsem).wait()
        pltpu.make_async_copy(cnt.at[pl.ds(base + j * G, G)],
                              out_c.at[c, pl.ds(base + j * G, G)],
                              wsem).wait()


_sc_partial = functools.partial(
    pl.kernel,
    out_type=(jax.ShapeDtypeStruct((2, PAD_SEG, D), jnp.float32),
              jax.ShapeDtypeStruct((2, PAD_SEG, CW), jnp.float32)),
    mesh=plsc.VectorSubcoreMesh(core_axis_name="c", subcore_axis_name="s"),
    compiler_params=pltpu.CompilerParams(use_tc_tiling_on_sc=False),
    scratch_types=[
        pltpu.VMEM_SHARED((PAD_SEG, D), jnp.float32),
        pltpu.VMEM_SHARED((PAD_SEG, CW), jnp.float32),
        pltpu.VMEM((NBUF, G, D), jnp.float32),
        pltpu.VMEM((NBUF, G), jnp.int32),
        pltpu.VMEM((G, CW), jnp.float32),
        pltpu.VMEM((G, CW), jnp.float32),
        pltpu.SemaphoreType.DMA((NBUF,)),
        pltpu.SemaphoreType.DMA((NBUF,)),
        pltpu.SemaphoreType.DMA((NBUF,)),
        pltpu.SemaphoreType.DMA,
    ],
)(_sc_body)


def _merge_body(s_ref, c_ref, o_ref):
    tot = s_ref[0] + s_ref[1]
    n = c_ref[0, :, 0:1] + c_ref[1, :, 0:1]
    o_ref[...] = tot / jnp.maximum(n, 1.0)


def _merge(sums, cnts):
    blk = 1000
    return pl.pallas_call(
        _merge_body,
        grid=(NUM_SEG // blk,),
        in_specs=[
            pl.BlockSpec((2, blk, D), lambda i: (0, i, 0)),
            pl.BlockSpec((2, blk, CW), lambda i: (0, i, 0)),
        ],
        out_specs=pl.BlockSpec((blk, D), lambda i: (i, 0)),
        out_shape=jax.ShapeDtypeStruct((NUM_SEG, D), jnp.float32),
    )(sums, cnts)


def kernel(features, segments):
    zs = jnp.zeros((G, D), jnp.float32)
    zc = jnp.zeros((G, CW), jnp.float32)
    ones = jnp.zeros((G, CW), jnp.float32).at[:, 0].set(1.0)
    sums, cnts = _sc_partial(features, segments.astype(jnp.int32),
                             zs, zc, ones)
    return _merge(sums, cnts)

# --- scband reference (transcript-rebuilt; emitter-appended) ---
"""Pipeline reference for scband-segmented-mean-11879879541356 (READ-ONLY COPY).

The authoritative reference and input builder live on the scoring server;
editing this copy changes nothing except your own understanding.
"""

import jax, jax.numpy as jnp
import numpy as np

NUM_SEGMENTS = 10000

def setup_inputs(seed: int = 0) -> dict:
    key = jax.random.key(seed)
    k1, k2 = jax.random.split(key)
    features = jax.random.normal(k1, (320000, 128), dtype=jnp.float32)
    segments = jnp.sort(jax.random.randint(k2, (320000,), 0, NUM_SEGMENTS, dtype=jnp.int32))
    return {"features": features, "segments": segments}

def reference(features, segments):
    # Faithful translation of tf.math.segment_mean: per-segment sum divided by per-segment count.
    # Empty segments yield 0 (as in TF, sum=0 and we guard the divide).
    sums = jax.ops.segment_sum(features, segments, num_segments=NUM_SEGMENTS)
    counts = jax.ops.segment_sum(jnp.ones((features.shape[0],), dtype=features.dtype), segments, num_segments=NUM_SEGMENTS)
    return sums / jnp.maximum(counts, 1.0)[:, None]

if __name__ == "__main__":
    import jax
    _d = setup_inputs()
    print(jax.jit(kernel)(*tuple(_d.values())))

</pallas_src>

<mosaic_0001>
#map = affine_map<(d0, d1) -> (0, 0)>
#map1 = affine_map<(d0, d1) -> (0)>
#map2 = affine_map<(d0, d1) -> (0, 0, 0)>
module attributes {stable_mosaic.version = 14 : i64} {
  func.func @_sc_body(%arg0: i32, %arg1: i32, %arg2: memref<320000x128xf32, #tpu.memory_space<hbm>>, %arg3: memref<320000xi32, #tpu.memory_space<hbm>>, %arg4: memref<64x128xf32, #tpu.memory_space<hbm>>, %arg5: memref<64x8xf32, #tpu.memory_space<hbm>>, %arg6: memref<64x8xf32, #tpu.memory_space<hbm>>, %arg7: memref<2x10240x128xf32, #tpu.memory_space<hbm>>, %arg8: memref<2x10240x8xf32, #tpu.memory_space<hbm>>, %arg9: memref<10240x128xf32, #tpu.memory_space<vmem_shared>>, %arg10: memref<10240x8xf32, #tpu.memory_space<vmem_shared>>, %arg11: memref<4x64x128xf32, #tpu.memory_space<vmem>>, %arg12: memref<4x64xi32, #tpu.memory_space<vmem>>, %arg13: memref<64x8xf32, #tpu.memory_space<vmem>>, %arg14: memref<64x8xf32, #tpu.memory_space<vmem>>, %arg15: memref<4x!tpu.dma_semaphore, #tpu.memory_space<semaphore_mem>>, %arg16: memref<4x!tpu.dma_semaphore, #tpu.memory_space<semaphore_mem>>, %arg17: memref<4x!tpu.dma_semaphore, #tpu.memory_space<semaphore_mem>>, %arg18: memref<!tpu.dma_semaphore, #tpu.memory_space<semaphore_mem>>) attributes {dimension_semantics = [#tpu.dimension_semantics<core_parallel>, #tpu.dimension_semantics<subcore_parallel>], iteration_bounds = array<i64: 2, 16>, scalar_prefetch = 0 : i64, scratch_operands = 10 : i64, tpu.core_type = #tpu.core_type<sc_vector_subcore>, window_params = [{transform_indices = #map}, {transform_indices = #map1}, {transform_indices = #map}, {transform_indices = #map}, {transform_indices = #map}, {transform_indices = #map2}, {transform_indices = #map2}]} {
    %mul3A = arith.constant 16 : i32
    %mul3A_0 = arith.muli %arg0, %mul3A : i32
    %add3A = arith.addi %mul3A_0, %arg1 : i32
    %mul3A_1 = arith.constant 640 : i32
    %mul3A_2 = arith.muli %arg1, %mul3A_1 : i32
    %run_scoped3A = arith.constant 0 : i32
    "tpu.region"() ({
      %run_scoped3A_1047 = tpu.sem_alloc : memref<!tpu.dma_semaphore, #tpu.memory_space<semaphore_mem>>
      %dma_start3A_1048 = arith.constant 0 : i32
      %dma_start3A_1049 = arith.constant 0 : i32
      %dma_start3A_1050 = tpu.memref_slice %arg11[%run_scoped3A, %dma_start3A_1048, %dma_start3A_1049] : memref<4x64x128xf32, #tpu.memory_space<vmem>> -> memref<1x64x128xf32, #tpu.memory_space<vmem>>
      %dma_start3A_1051 = tpu.memref_squeeze %dma_start3A_1050 : memref<1x64x128xf32, #tpu.memory_space<vmem>> -> memref<64x128xf32, #tpu.memory_space<vmem>>
      %dma_start3A_1052 = arith.constant 0 : i32
      %dma_start3A_1053 = arith.constant 0 : i32
      %dma_start3A_1054 = tpu.memref_slice %arg11[%run_scoped3A, %dma_start3A_1052, %dma_start3A_1053] : memref<4x64x128xf32, #tpu.memory_space<vmem>> -> memref<1x64x128xf32, #tpu.memory_space<vmem>>
      %dma_start3A_1055 = tpu.memref_squeeze %dma_start3A_1054 : memref<1x64x128xf32, #tpu.memory_space<vmem>> -> memref<64x128xf32, #tpu.memory_space<vmem>>
      tpu.enqueue_dma source(%arg4 : memref<64x128xf32, #tpu.memory_space<hbm>>) target(%dma_start3A_1055 : memref<64x128xf32, #tpu.memory_space<vmem>>) target_semaphore(%run_scoped3A_1047 : memref<!tpu.dma_semaphore, #tpu.memory_space<semaphore_mem>>)
      %dma_wait3A_1056 = arith.constant 0 : i32
      %dma_wait3A_1057 = arith.constant 0 : i32
      %dma_wait3A_1058 = tpu.memref_slice %arg11[%run_scoped3A, %dma_wait3A_1056, %dma_wait3A_1057] : memref<4x64x128xf32, #tpu.memory_space<vmem>> -> memref<1x64x128xf32, #tpu.memory_space<vmem>>
      %dma_wait3A_1059 = tpu.memref_squeeze %dma_wait3A_1058 : memref<1x64x128xf32, #tpu.memory_space<vmem>> -> memref<64x128xf32, #tpu.memory_space<vmem>>
      %dma_wait3A_1060 = arith.constant 0 : i32
      %dma_wait3A_1061 = arith.constant 0 : i32
      %dma_wait3A_1062 = tpu.memref_slice %arg11[%run_scoped3A, %dma_wait3A_1060, %dma_wait3A_1061] : memref<4x64x128xf32, #tpu.memory_space<vmem>> -> memref<1x64x128xf32, #tpu.memory_space<vmem>>
      %dma_wait3A_1063 = tpu.memref_squeeze %dma_wait3A_1062 : memref<1x64x128xf32, #tpu.memory_space<vmem>> -> memref<64x128xf32, #tpu.memory_space<vmem>>
      tpu.wait_dma2 semaphore(%run_scoped3A_1047 : memref<!tpu.dma_semaphore, #tpu.memory_space<semaphore_mem>>) src(%arg4 : memref<64x128xf32, #tpu.memory_space<hbm>>) dst(%dma_wait3A_1063 : memref<64x128xf32, #tpu.memory_space<vmem>>)
      tpu.yield
    }) : () -> ()
    "tpu.region"() ({
      %run_scoped3A_1047 = tpu.sem_alloc : memref<!tpu.dma_semaphore, #tpu.memory_space<semaphore_mem>>
      tpu.enqueue_dma source(%arg5 : memref<64x8xf32, #tpu.memory_space<hbm>>) target(%arg14 : memref<64x8xf32, #tpu.memory_space<vmem>>) target_semaphore(%run_scoped3A_1047 : memref<!tpu.dma_semaphore, #tpu.memory_space<semaphore_mem>>)
      tpu.wait_dma2 semaphore(%run_scoped3A_1047 : memref<!tpu.dma_semaphore, #tpu.memory_space<semaphore_mem>>) src(%arg5 : memref<64x8xf32, #tpu.memory_space<hbm>>) dst(%arg14 : memref<64x8xf32, #tpu.memory_space<vmem>>)
      tpu.yield
    }) : () -> ()
    "tpu.region"() ({
      %run_scoped3A_1047 = tpu.sem_alloc : memref<!tpu.dma_semaphore, #tpu.memory_space<semaphore_mem>>
      tpu.enqueue_dma source(%arg6 : memref<64x8xf32, #tpu.memory_space<hbm>>) target(%arg13 : memref<64x8xf32, #tpu.memory_space<vmem>>) target_semaphore(%run_scoped3A_1047 : memref<!tpu.dma_semaphore, #tpu.memory_space<semaphore_mem>>)
      tpu.wait_dma2 semaphore(%run_scoped3A_1047 : memref<!tpu.dma_semaphore, #tpu.memory_space<semaphore_mem>>) src(%arg6 : memref<64x8xf32, #tpu.memory_space<hbm>>) dst(%arg13 : memref<64x8xf32, #tpu.memory_space<vmem>>)
      tpu.yield
    }) : () -> ()
    %add3A_3 = arith.constant 0 : i32
    %add3A_4 = arith.addi %mul3A_2, %add3A_3 : i32
    %dma_start3A = arith.constant 0 : i32
    %dma_start3A_5 = arith.constant 0 : i32
    %dma_start3A_6 = arith.constant 0 : i32
    %dma_start3A_7 = tpu.memref_slice %arg11[%dma_start3A, %dma_start3A_5, %dma_start3A_6] : memref<4x64x128xf32, #tpu.memory_space<vmem>> -> memref<1x64x128xf32, #tpu.memory_space<vmem>>
    %dma_start3A_8 = tpu.memref_squeeze %dma_start3A_7 : memref<1x64x128xf32, #tpu.memory_space<vmem>> -> memref<64x128xf32, #tpu.memory_space<vmem>>
    %dma_start3A_9 = arith.constant 0 : i32
    %dma_start3A_10 = tpu.memref_slice %arg9[%add3A_4, %dma_start3A_9] : memref<10240x128xf32, #tpu.memory_space<vmem_shared>> -> memref<64x128xf32, #tpu.memory_space<vmem_shared>>
    %dma_start3A_11 = arith.constant 0 : i32
    %dma_start3A_12 = tpu.memref_slice %arg9[%add3A_4, %dma_start3A_11] : memref<10240x128xf32, #tpu.memory_space<vmem_shared>> -> memref<64x128xf32, #tpu.memory_space<vmem_shared>>
    %dma_start3A_13 = arith.constant 0 : i32
    %dma_start3A_14 = arith.constant 0 : i32
    %dma_start3A_15 = tpu.memref_slice %arg11[%dma_start3A, %dma_start3A_13, %dma_start3A_14] : memref<4x64x128xf32, #tpu.memory_space<vmem>> -> memref<1x64x128xf32, #tpu.memory_space<vmem>>
    %dma_start3A_16 = tpu.memref_squeeze %dma_start3A_15 : memref<1x64x128xf32, #tpu.memory_space<vmem>> -> memref<64x128xf32, #tpu.memory_space<vmem>>
    tpu.enqueue_dma source(%dma_start3A_16 : memref<64x128xf32, #tpu.memory_space<vmem>>) target(%dma_start3A_12 : memref<64x128xf32, #tpu.memory_space<vmem_shared>>) target_semaphore(%arg18 : memref<!tpu.dma_semaphore, #tpu.memory_space<semaphore_mem>>)
    %add3A_17 = arith.constant 0 : i32
    %add3A_18 = arith.addi %mul3A_2, %add3A_17 : i32
    %dma_start3A_19 = arith.constant 0 : i32
    %dma_start3A_20 = tpu.memref_slice %arg10[%add3A_18, %dma_start3A_19] : memref<10240x8xf32, #tpu.memory_space<vmem_shared>> -> memref<64x8xf32, #tpu.memory_space<vmem_shared>>
    %dma_start3A_21 = arith.constant 0 : i32
    %dma_start3A_22 = tpu.memref_slice %arg10[%add3A_18, %dma_start3A_21] : memref<10240x8xf32, #tpu.memory_space<vmem_shared>> -> memref<64x8xf32, #tpu.memory_space<vmem_shared>>
    tpu.enqueue_dma source(%arg14 : memref<64x8xf32, #tpu.memory_space<vmem>>) target(%dma_start3A_22 : memref<64x8xf32, #tpu.memory_space<vmem_shared>>) target_semaphore(%arg18 : memref<!tpu.dma_semaphore, #tpu.memory_space<semaphore_mem>>)
    %add3A_23 = arith.constant 64 : i32
    %add3A_24 = arith.addi %mul3A_2, %add3A_23 : i32
    %dma_start3A_25 = arith.constant 0 : i32
    %dma_start3A_26 = arith.constant 0 : i32
    %dma_start3A_27 = arith.constant 0 : i32
    %dma_start3A_28 = tpu.memref_slice %arg11[%dma_start3A_25, %dma_start3A_26, %dma_start3A_27] : memref<4x64x128xf32, #tpu.memory_space<vmem>> -> memref<1x64x128xf32, #tpu.memory_space<vmem>>
    %dma_start3A_29 = tpu.memref_squeeze %dma_start3A_28 : memref<1x64x128xf32, #tpu.memory_space<vmem>> -> memref<64x128xf32, #tpu.memory_space<vmem>>
    %dma_start3A_30 = arith.constant 0 : i32
    %dma_start3A_31 = tpu.memref_slice %arg9[%add3A_24, %dma_start3A_30] : memref<10240x128xf32, #tpu.memory_space<vmem_shared>> -> memref<64x128xf32, #tpu.memory_space<vmem_shared>>
    %dma_start3A_32 = arith.constant 0 : i32
    %dma_start3A_33 = tpu.memref_slice %arg9[%add3A_24, %dma_start3A_32] : memref<10240x128xf32, #tpu.memory_space<vmem_shared>> -> memref<64x128xf32, #tpu.memory_space<vmem_shared>>
    %dma_start3A_34 = arith.constant 0 : i32
    %dma_start3A_35 = arith.constant 0 : i32
    %dma_start3A_36 = tpu.memref_slice %arg11[%dma_start3A_25, %dma_start3A_34, %dma_start3A_35] : memref<4x64x128xf32, #tpu.memory_space<vmem>> -> memref<1x64x128xf32, #tpu.memory_space<vmem>>
    %dma_start3A_37 = tpu.memref_squeeze %dma_start3A_36 : memref<1x64x128xf32, #tpu.memory_space<vmem>> -> memref<64x128xf32, #tpu.memory_space<vmem>>
    tpu.enqueue_dma source(%dma_start3A_37 : memref<64x128xf32, #tpu.memory_space<vmem>>) target(%dma_start3A_33 : memref<64x128xf32, #tpu.memory_space<vmem_shared>>) target_semaphore(%arg18 : memref<!tpu.dma_semaphore, #tpu.memory_space<semaphore_mem>>)
    %add3A_38 = arith.constant 64 : i32
    %add3A_39 = arith.addi %mul3A_2, %add3A_38 : i32
    %dma_start3A_40 = arith.constant 0 : i32
    %dma_start3A_41 = tpu.memref_slice %arg10[%add3A_39, %dma_start3A_40] : memref<10240x8xf32, #tpu.memory_space<vmem_shared>> -> memref<64x8xf32, #tpu.memory_space<vmem_shared>>
    %dma_start3A_42 = arith.constant 0 : i32
    %dma_start3A_43 = tpu.memref_slice %arg10[%add3A_39, %dma_start3A_42] : memref<10240x8xf32, #tpu.memory_space<vmem_shared>> -> memref<64x8xf32, #tpu.memory_space<vmem_shared>>
    tpu.enqueue_dma source(%arg14 : memref<64x8xf32, #tpu.memory_space<vmem>>) target(%dma_start3A_43 : memref<64x8xf32, #tpu.memory_space<vmem_shared>>) target_semaphore(%arg18 : memref<!tpu.dma_semaphore, #tpu.memory_space<semaphore_mem>>)
    %add3A_44 = arith.constant 128 : i32
    %add3A_45 = arith.addi %mul3A_2, %add3A_44 : i32
    %dma_start3A_46 = arith.constant 0 : i32
    %dma_start3A_47 = arith.constant 0 : i32
    %dma_start3A_48 = arith.constant 0 : i32
    %dma_start3A_49 = tpu.memref_slice %arg11[%dma_start3A_46, %dma_start3A_47, %dma_start3A_48] : memref<4x64x128xf32, #tpu.memory_space<vmem>> -> memref<1x64x128xf32, #tpu.memory_space<vmem>>
    %dma_start3A_50 = tpu.memref_squeeze %dma_start3A_49 : memref<1x64x128xf32, #tpu.memory_space<vmem>> -> memref<64x128xf32, #tpu.memory_space<vmem>>
    %dma_start3A_51 = arith.constant 0 : i32
    %dma_start3A_52 = tpu.memref_slice %arg9[%add3A_45, %dma_start3A_51] : memref<10240x128xf32, #tpu.memory_space<vmem_shared>> -> memref<64x128xf32, #tpu.memory_space<vmem_shared>>
    %dma_start3A_53 = arith.constant 0 : i32
    %dma_start3A_54 = tpu.memref_slice %arg9[%add3A_45, %dma_start3A_53] : memref<10240x128xf32, #tpu.memory_space<vmem_shared>> -> memref<64x128xf32, #tpu.memory_space<vmem_shared>>
    %dma_start3A_55 = arith.constant 0 : i32
    %dma_start3A_56 = arith.constant 0 : i32
    %dma_start3A_57 = tpu.memref_slice %arg11[%dma_start3A_46, %dma_start3A_55, %dma_start3A_56] : memref<4x64x128xf32, #tpu.memory_space<vmem>> -> memref<1x64x128xf32, #tpu.memory_space<vmem>>
    %dma_start3A_58 = tpu.memref_squeeze %dma_start3A_57 : memref<1x64x128xf32, #tpu.memory_space<vmem>> -> memref<64x128xf32, #tpu.memory_space<vmem>>
    tpu.enqueue_dma source(%dma_start3A_58 : memref<64x128xf32, #tpu.memory_space<vmem>>) target(%dma_start3A_54 : memref<64x128xf32, #tpu.memory_space<vmem_shared>>) target_semaphore(%arg18 : memref<!tpu.dma_semaphore, #tpu.memory_space<semaphore_mem>>)
    %add3A_59 = arith.constant 128 : i32
    %add3A_60 = arith.addi %mul3A_2, %add3A_59 : i32
    %dma_start3A_61 = arith.constant 0 : i32
    %dma_start3A_62 = tpu.memref_slice %arg10[%add3A_60, %dma_start3A_61] : memref<10240x8xf32, #tpu.memory_space<vmem_shared>> -> memref<64x8xf32, #tpu.memory_space<vmem_shared>>
    %dma_start3A_63 = arith.constant 0 : i32
    %dma_start3A_64 = tpu.memref_slice %arg10[%add3A_60, %dma_start3A_63] : memref<10240x8xf32, #tpu.memory_space<vmem_shared>> -> memref<64x8xf32, #tpu.memory_space<vmem_shared>>
    tpu.enqueue_dma source(%arg14 : memref<64x8xf32, #tpu.memory_space<vmem>>) target(%dma_start3A_64 : memref<64x8xf32, #tpu.memory_space<vmem_shared>>) target_semaphore(%arg18 : memref<!tpu.dma_semaphore, #tpu.memory_space<semaphore_mem>>)
    %add3A_65 = arith.constant 192 : i32
    %add3A_66 = arith.addi %mul3A_2, %add3A_65 : i32
    %dma_start3A_67 = arith.constant 0 : i32
    %dma_start3A_68 = arith.constant 0 : i32
    %dma_start3A_69 = arith.constant 0 : i32
    %dma_start3A_70 = tpu.memref_slice %arg11[%dma_start3A_67, %dma_start3A_68, %dma_start3A_69] : memref<4x64x128xf32, #tpu.memory_space<vmem>> -> memref<1x64x128xf32, #tpu.memory_space<vmem>>
    %dma_start3A_71 = tpu.memref_squeeze %dma_start3A_70 : memref<1x64x128xf32, #tpu.memory_space<vmem>> -> memref<64x128xf32, #tpu.memory_space<vmem>>
    %dma_start3A_72 = arith.constant 0 : i32
    %dma_start3A_73 = tpu.memref_slice %arg9[%add3A_66, %dma_start3A_72] : memref<10240x128xf32, #tpu.memory_space<vmem_shared>> -> memref<64x128xf32, #tpu.memory_space<vmem_shared>>
    %dma_start3A_74 = arith.constant 0 : i32
    %dma_start3A_75 = tpu.memref_slice %arg9[%add3A_66, %dma_start3A_74] : memref<10240x128xf32, #tpu.memory_space<vmem_shared>> -> memref<64x128xf32, #tpu.memory_space<vmem_shared>>
    %dma_start3A_76 = arith.constant 0 : i32
    %dma_start3A_77 = arith.constant 0 : i32
    %dma_start3A_78 = tpu.memref_slice %arg11[%dma_start3A_67, %dma_start3A_76, %dma_start3A_77] : memref<4x64x128xf32, #tpu.memory_space<vmem>> -> memref<1x64x128xf32, #tpu.memory_space<vmem>>
    %dma_start3A_79 = tpu.memref_squeeze %dma_start3A_78 : memref<1x64x128xf32, #tpu.memory_space<vmem>> -> memref<64x128xf32, #tpu.memory_space<vmem>>
    tpu.enqueue_dma source(%dma_start3A_79 : memref<64x128xf32, #tpu.memory_space<vmem>>) target(%dma_start3A_75 : memref<64x128xf32, #tpu.memory_space<vmem_shared>>) target_semaphore(%arg18 : memref<!tpu.dma_semaphore, #tpu.memory_space<semaphore_mem>>)
    %add3A_80 = arith.constant 192 : i32
    %add3A_81 = arith.addi %mul3A_2, %add3A_80 : i32
    %dma_start3A_82 = arith.constant 0 : i32
    %dma_start3A_83 = tpu.memref_slice %arg10[%add3A_81, %dma_start3A_82] : memref<10240x8xf32, #tpu.memory_space<vmem_shared>> -> memref<64x8xf32, #tpu.memory_space<vmem_shared>>
    %dma_start3A_84 = arith.constant 0 : i32
    %dma_start3A_85 = tpu.memref_slice %arg10[%add3A_81, %dma_start3A_84] : memref<10240x8xf32, #tpu.memory_space<vmem_shared>> -> memref<64x8xf32, #tpu.memory_space<vmem_shared>>
    tpu.enqueue_dma source(%arg14 : memref<64x8xf32, #tpu.memory_space<vmem>>) target(%dma_start3A_85 : memref<64x8xf32, #tpu.memory_space<vmem_shared>>) target_semaphore(%arg18 : memref<!tpu.dma_semaphore, #tpu.memory_space<semaphore_mem>>)
    %add3A_86 = arith.constant 256 : i32
    %add3A_87 = arith.addi %mul3A_2, %add3A_86 : i32
    %dma_start3A_88 = arith.constant 0 : i32
    %dma_start3A_89 = arith.constant 0 : i32
    %dma_start3A_90 = arith.constant 0 : i32
    %dma_start3A_91 = tpu.memref_slice %arg11[%dma_start3A_88, %dma_start3A_89, %dma_start3A_90] : memref<4x64x128xf32, #tpu.memory_space<vmem>> -> memref<1x64x128xf32, #tpu.memory_space<vmem>>
    %dma_start3A_92 = tpu.memref_squeeze %dma_start3A_91 : memref<1x64x128xf32, #tpu.memory_space<vmem>> -> memref<64x128xf32, #tpu.memory_space<vmem>>
    %dma_start3A_93 = arith.constant 0 : i32
    %dma_start3A_94 = tpu.memref_slice %arg9[%add3A_87, %dma_start3A_93] : memref<10240x128xf32, #tpu.memory_space<vmem_shared>> -> memref<64x128xf32, #tpu.memory_space<vmem_shared>>
    %dma_start3A_95 = arith.constant 0 : i32
    %dma_start3A_96 = tpu.memref_slice %arg9[%add3A_87, %dma_start3A_95] : memref<10240x128xf32, #tpu.memory_space<vmem_shared>> -> memref<64x128xf32, #tpu.memory_space<vmem_shared>>
    %dma_start3A_97 = arith.constant 0 : i32
    %dma_start3A_98 = arith.constant 0 : i32
    %dma_start3A_99 = tpu.memref_slice %arg11[%dma_start3A_88, %dma_start3A_97, %dma_start3A_98] : memref<4x64x128xf32, #tpu.memory_space<vmem>> -> memref<1x64x128xf32, #tpu.memory_space<vmem>>
    %dma_start3A_100 = tpu.memref_squeeze %dma_start3A_99 : memref<1x64x128xf32, #tpu.memory_space<vmem>> -> memref<64x128xf32, #tpu.memory_space<vmem>>
    tpu.enqueue_dma source(%dma_start3A_100 : memref<64x128xf32, #tpu.memory_space<vmem>>) target(%dma_start3A_96 : memref<64x128xf32, #tpu.memory_space<vmem_shared>>) target_semaphore(%arg18 : memref<!tpu.dma_semaphore, #tpu.memory_space<semaphore_mem>>)
    %add3A_101 = arith.constant 256 : i32
    %add3A_102 = arith.addi %mul3A_2, %add3A_101 : i32
    %dma_start3A_103 = arith.constant 0 : i32
    %dma_start3A_104 = tpu.memref_slice %arg10[%add3A_102, %dma_start3A_103] : memref<10240x8xf32, #tpu.memory_space<vmem_shared>> -> memref<64x8xf32, #tpu.memory_space<vmem_shared>>
    %dma_start3A_105 = arith.constant 0 : i32
    %dma_start3A_106 = tpu.memref_slice %arg10[%add3A_102, %dma_start3A_105] : memref<10240x8xf32, #tpu.memory_space<vmem_shared>> -> memref<64x8xf32, #tpu.memory_space<vmem_shared>>
    tpu.enqueue_dma source(%arg14 : memref<64x8xf32, #tpu.memory_space<vmem>>) target(%dma_start3A_106 : memref<64x8xf32, #tpu.memory_space<vmem_shared>>) target_semaphore(%arg18 : memref<!tpu.dma_semaphore, #tpu.memory_space<semaphore_mem>>)
    %add3A_107 = arith.constant 320 : i32
    %add3A_108 = arith.addi %mul3A_2, %add3A_107 : i32
    %dma_start3A_109 = arith.constant 0 : i32
    %dma_start3A_110 = arith.constant 0 : i32
    %dma_start3A_111 = arith.constant 0 : i32
    %dma_start3A_112 = tpu.memref_slice %arg11[%dma_start3A_109, %dma_start3A_110, %dma_start3A_111] : memref<4x64x128xf32, #tpu.memory_space<vmem>> -> memref<1x64x128xf32, #tpu.memory_space<vmem>>
    %dma_start3A_113 = tpu.memref_squeeze %dma_start3A_112 : memref<1x64x128xf32, #tpu.memory_space<vmem>> -> memref<64x128xf32, #tpu.memory_space<vmem>>
    %dma_start3A_114 = arith.constant 0 : i32
    %dma_start3A_115 = tpu.memref_slice %arg9[%add3A_108, %dma_start3A_114] : memref<10240x128xf32, #tpu.memory_space<vmem_shared>> -> memref<64x128xf32, #tpu.memory_space<vmem_shared>>
    %dma_start3A_116 = arith.constant 0 : i32
    %dma_start3A_117 = tpu.memref_slice %arg9[%add3A_108, %dma_start3A_116] : memref<10240x128xf32, #tpu.memory_space<vmem_shared>> -> memref<64x128xf32, #tpu.memory_space<vmem_shared>>
    %dma_start3A_118 = arith.constant 0 : i32
    %dma_start3A_119 = arith.constant 0 : i32
    %dma_start3A_120 = tpu.memref_slice %arg11[%dma_start3A_109, %dma_start3A_118, %dma_start3A_119] : memref<4x64x128xf32, #tpu.memory_space<vmem>> -> memref<1x64x128xf32, #tpu.memory_space<vmem>>
    %dma_start3A_121 = tpu.memref_squeeze %dma_start3A_120 : memref<1x64x128xf32, #tpu.memory_space<vmem>> -> memref<64x128xf32, #tpu.memory_space<vmem>>
    tpu.enqueue_dma source(%dma_start3A_121 : memref<64x128xf32, #tpu.memory_space<vmem>>) target(%dma_start3A_117 : memref<64x128xf32, #tpu.memory_space<vmem_shared>>) target_semaphore(%arg18 : memref<!tpu.dma_semaphore, #tpu.memory_space<semaphore_mem>>)
    %add3A_122 = arith.constant 320 : i32
    %add3A_123 = arith.addi %mul3A_2, %add3A_122 : i32
    %dma_start3A_124 = arith.constant 0 : i32
    %dma_start3A_125 = tpu.memref_slice %arg10[%add3A_123, %dma_start3A_124] : memref<10240x8xf32, #tpu.memory_space<vmem_shared>> -> memref<64x8xf32, #tpu.memory_space<vmem_shared>>
    %dma_start3A_126 = arith.constant 0 : i32
    %dma_start3A_127 = tpu.memref_slice %arg10[%add3A_123, %dma_start3A_126] : memref<10240x8xf32, #tpu.memory_space<vmem_shared>> -> memref<64x8xf32, #tpu.memory_space<vmem_shared>>
    tpu.enqueue_dma source(%arg14 : memref<64x8xf32, #tpu.memory_space<vmem>>) target(%dma_start3A_127 : memref<64x8xf32, #tpu.memory_space<vmem_shared>>) target_semaphore(%arg18 : memref<!tpu.dma_semaphore, #tpu.memory_space<semaphore_mem>>)
    %add3A_128 = arith.constant 384 : i32
    %add3A_129 = arith.addi %mul3A_2, %add3A_128 : i32
    %dma_start3A_130 = arith.constant 0 : i32
    %dma_start3A_131 = arith.constant 0 : i32
    %dma_start3A_132 = arith.constant 0 : i32
    %dma_start3A_133 = tpu.memref_slice %arg11[%dma_start3A_130, %dma_start3A_131, %dma_start3A_132] : memref<4x64x128xf32, #tpu.memory_space<vmem>> -> memref<1x64x128xf32, #tpu.memory_space<vmem>>
    %dma_start3A_134 = tpu.memref_squeeze %dma_start3A_133 : memref<1x64x128xf32, #tpu.memory_space<vmem>> -> memref<64x128xf32, #tpu.memory_space<vmem>>
    %dma_start3A_135 = arith.constant 0 : i32
    %dma_start3A_136 = tpu.memref_slice %arg9[%add3A_129, %dma_start3A_135] : memref<10240x128xf32, #tpu.memory_space<vmem_shared>> -> memref<64x128xf32, #tpu.memory_space<vmem_shared>>
    %dma_start3A_137 = arith.constant 0 : i32
    %dma_start3A_138 = tpu.memref_slice %arg9[%add3A_129, %dma_start3A_137] : memref<10240x128xf32, #tpu.memory_space<vmem_shared>> -> memref<64x128xf32, #tpu.memory_space<vmem_shared>>
    %dma_start3A_139 = arith.constant 0 : i32
    %dma_start3A_140 = arith.constant 0 : i32
    %dma_start3A_141 = tpu.memref_slice %arg11[%dma_start3A_130, %dma_start3A_139, %dma_start3A_140] : memref<4x64x128xf32, #tpu.memory_space<vmem>> -> memref<1x64x128xf32, #tpu.memory_space<vmem>>
    %dma_start3A_142 = tpu.memref_squeeze %dma_start3A_141 : memref<1x64x128xf32, #tpu.memory_space<vmem>> -> memref<64x128xf32, #tpu.memory_space<vmem>>
    tpu.enqueue_dma source(%dma_start3A_142 : memref<64x128xf32, #tpu.memory_space<vmem>>) target(%dma_start3A_138 : memref<64x128xf32, #tpu.memory_space<vmem_shared>>) target_semaphore(%arg18 : memref<!tpu.dma_semaphore, #tpu.memory_space<semaphore_mem>>)
    %add3A_143 = arith.constant 384 : i32
    %add3A_144 = arith.addi %mul3A_2, %add3A_143 : i32
    %dma_start3A_145 = arith.constant 0 : i32
    %dma_start3A_146 = tpu.memref_slice %arg10[%add3A_144, %dma_start3A_145] : memref<10240x8xf32, #tpu.memory_space<vmem_shared>> -> memref<64x8xf32, #tpu.memory_space<vmem_shared>>
    %dma_start3A_147 = arith.constant 0 : i32
    %dma_start3A_148 = tpu.memref_slice %arg10[%add3A_144, %dma_start3A_147] : memref<10240x8xf32, #tpu.memory_space<vmem_shared>> -> memref<64x8xf32, #tpu.memory_space<vmem_shared>>
    tpu.enqueue_dma source(%arg14 : memref<64x8xf32, #tpu.memory_space<vmem>>) target(%dma_start3A_148 : memref<64x8xf32, #tpu.memory_space<vmem_shared>>) target_semaphore(%arg18 : memref<!tpu.dma_semaphore, #tpu.memory_space<semaphore_mem>>)
    %add3A_149 = arith.constant 448 : i32
    %add3A_150 = arith.addi %mul3A_2, %add3A_149 : i32
    %dma_start3A_151 = arith.constant 0 : i32
    %dma_start3A_152 = arith.constant 0 : i32
    %dma_start3A_153 = arith.constant 0 : i32
    %dma_start3A_154 = tpu.memref_slice %arg11[%dma_start3A_151, %dma_start3A_152, %dma_start3A_153] : memref<4x64x128xf32, #tpu.memory_space<vmem>> -> memref<1x64x128xf32, #tpu.memory_space<vmem>>
    %dma_start3A_155 = tpu.memref_squeeze %dma_start3A_154 : memref<1x64x128xf32, #tpu.memory_space<vmem>> -> memref<64x128xf32, #tpu.memory_space<vmem>>
    %dma_start3A_156 = arith.constant 0 : i32
    %dma_start3A_157 = tpu.memref_slice %arg9[%add3A_150, %dma_start3A_156] : memref<10240x128xf32, #tpu.memory_space<vmem_shared>> -> memref<64x128xf32, #tpu.memory_space<vmem_shared>>
    %dma_start3A_158 = arith.constant 0 : i32
    %dma_start3A_159 = tpu.memref_slice %arg9[%add3A_150, %dma_start3A_158] : memref<10240x128xf32, #tpu.memory_space<vmem_shared>> -> memref<64x128xf32, #tpu.memory_space<vmem_shared>>
    %dma_start3A_160 = arith.constant 0 : i32
    %dma_start3A_161 = arith.constant 0 : i32
    %dma_start3A_162 = tpu.memref_slice %arg11[%dma_start3A_151, %dma_start3A_160, %dma_start3A_161] : memref<4x64x128xf32, #tpu.memory_space<vmem>> -> memref<1x64x128xf32, #tpu.memory_space<vmem>>
    %dma_start3A_163 = tpu.memref_squeeze %dma_start3A_162 : memref<1x64x128xf32, #tpu.memory_space<vmem>> -> memref<64x128xf32, #tpu.memory_space<vmem>>
    tpu.enqueue_dma source(%dma_start3A_163 : memref<64x128xf32, #tpu.memory_space<vmem>>) target(%dma_start3A_159 : memref<64x128xf32, #tpu.memory_space<vmem_shared>>) target_semaphore(%arg18 : memref<!tpu.dma_semaphore, #tpu.memory_space<semaphore_mem>>)
    %add3A_164 = arith.constant 448 : i32
    %add3A_165 = arith.addi %mul3A_2, %add3A_164 : i32
    %dma_start3A_166 = arith.constant 0 : i32
    %dma_start3A_167 = tpu.memref_slice %arg10[%add3A_165, %dma_start3A_166] : memref<10240x8xf32, #tpu.memory_space<vmem_shared>> -> memref<64x8xf32, #tpu.memory_space<vmem_shared>>
    %dma_start3A_168 = arith.constant 0 : i32
    %dma_start3A_169 = tpu.memref_slice %arg10[%add3A_165, %dma_start3A_168] : memref<10240x8xf32, #tpu.memory_space<vmem_shared>> -> memref<64x8xf32, #tpu.memory_space<vmem_shared>>
    tpu.enqueue_dma source(%arg14 : memref<64x8xf32, #tpu.memory_space<vmem>>) target(%dma_start3A_169 : memref<64x8xf32, #tpu.memory_space<vmem_shared>>) target_semaphore(%arg18 : memref<!tpu.dma_semaphore, #tpu.memory_space<semaphore_mem>>)
    %add3A_170 = arith.constant 512 : i32
    %add3A_171 = arith.addi %mul3A_2, %add3A_170 : i32
    %dma_start3A_172 = arith.constant 0 : i32
    %dma_start3A_173 = arith.constant 0 : i32
    %dma_start3A_174 = arith.constant 0 : i32
    %dma_start3A_175 = tpu.memref_slice %arg11[%dma_start3A_172, %dma_start3A_173, %dma_start3A_174] : memref<4x64x128xf32, #tpu.memory_space<vmem>> -> memref<1x64x128xf32, #tpu.memory_space<vmem>>
    %dma_start3A_176 = tpu.memref_squeeze %dma_start3A_175 : memref<1x64x128xf32, #tpu.memory_space<vmem>> -> memref<64x128xf32, #tpu.memory_space<vmem>>
    %dma_start3A_177 = arith.constant 0 : i32
    %dma_start3A_178 = tpu.memref_slice %arg9[%add3A_171, %dma_start3A_177] : memref<10240x128xf32, #tpu.memory_space<vmem_shared>> -> memref<64x128xf32, #tpu.memory_space<vmem_shared>>
    %dma_start3A_179 = arith.constant 0 : i32
    %dma_start3A_180 = tpu.memref_slice %arg9[%add3A_171, %dma_start3A_179] : memref<10240x128xf32, #tpu.memory_space<vmem_shared>> -> memref<64x128xf32, #tpu.memory_space<vmem_shared>>
    %dma_start3A_181 = arith.constant 0 : i32
    %dma_start3A_182 = arith.constant 0 : i32
    %dma_start3A_183 = tpu.memref_slice %arg11[%dma_start3A_172, %dma_start3A_181, %dma_start3A_182] : memref<4x64x128xf32, #tpu.memory_space<vmem>> -> memref<1x64x128xf32, #tpu.memory_space<vmem>>
    %dma_start3A_184 = tpu.memref_squeeze %dma_start3A_183 : memref<1x64x128xf32, #tpu.memory_space<vmem>> -> memref<64x128xf32, #tpu.memory_space<vmem>>
    tpu.enqueue_dma source(%dma_start3A_184 : memref<64x128xf32, #tpu.memory_space<vmem>>) target(%dma_start3A_180 : memref<64x128xf32, #tpu.memory_space<vmem_shared>>) target_semaphore(%arg18 : memref<!tpu.dma_semaphore, #tpu.memory_space<semaphore_mem>>)
    %add3A_185 = arith.constant 512 : i32
    %add3A_186 = arith.addi %mul3A_2, %add3A_185 : i32
    %dma_start3A_187 = arith.constant 0 : i32
    %dma_start3A_188 = tpu.memref_slice %arg10[%add3A_186, %dma_start3A_187] : memref<10240x8xf32, #tpu.memory_space<vmem_shared>> -> memref<64x8xf32, #tpu.memory_space<vmem_shared>>
    %dma_start3A_189 = arith.constant 0 : i32
    %dma_start3A_190 = tpu.memref_slice %arg10[%add3A_186, %dma_start3A_189] : memref<10240x8xf32, #tpu.memory_space<vmem_shared>> -> memref<64x8xf32, #tpu.memory_space<vmem_shared>>
    tpu.enqueue_dma source(%arg14 : memref<64x8xf32, #tpu.memory_space<vmem>>) target(%dma_start3A_190 : memref<64x8xf32, #tpu.memory_space<vmem_shared>>) target_semaphore(%arg18 : memref<!tpu.dma_semaphore, #tpu.memory_space<semaphore_mem>>)
    %add3A_191 = arith.constant 576 : i32
    %add3A_192 = arith.addi %mul3A_2, %add3A_191 : i32
    %dma_start3A_193 = arith.constant 0 : i32
    %dma_start3A_194 = arith.constant 0 : i32
    %dma_start3A_195 = arith.constant 0 : i32
    %dma_start3A_196 = tpu.memref_slice %arg11[%dma_start3A_193, %dma_start3A_194, %dma_start3A_195] : memref<4x64x128xf32, #tpu.memory_space<vmem>> -> memref<1x64x128xf32, #tpu.memory_space<vmem>>
    %dma_start3A_197 = tpu.memref_squeeze %dma_start3A_196 : memref<1x64x128xf32, #tpu.memory_space<vmem>> -> memref<64x128xf32, #tpu.memory_space<vmem>>
    %dma_start3A_198 = arith.constant 0 : i32
    %dma_start3A_199 = tpu.memref_slice %arg9[%add3A_192, %dma_start3A_198] : memref<10240x128xf32, #tpu.memory_space<vmem_shared>> -> memref<64x128xf32, #tpu.memory_space<vmem_shared>>
    %dma_start3A_200 = arith.constant 0 : i32
    %dma_start3A_201 = tpu.memref_slice %arg9[%add3A_192, %dma_start3A_200] : memref<10240x128xf32, #tpu.memory_space<vmem_shared>> -> memref<64x128xf32, #tpu.memory_space<vmem_shared>>
    %dma_start3A_202 = arith.constant 0 : i32
    %dma_start3A_203 = arith.constant 0 : i32
    %dma_start3A_204 = tpu.memref_slice %arg11[%dma_start3A_193, %dma_start3A_202, %dma_start3A_203] : memref<4x64x128xf32, #tpu.memory_space<vmem>> -> memref<1x64x128xf32, #tpu.memory_space<vmem>>
    %dma_start3A_205 = tpu.memref_squeeze %dma_start3A_204 : memref<1x64x128xf32, #tpu.memory_space<vmem>> -> memref<64x128xf32, #tpu.memory_space<vmem>>
    tpu.enqueue_dma source(%dma_start3A_205 : memref<64x128xf32, #tpu.memory_space<vmem>>) target(%dma_start3A_201 : memref<64x128xf32, #tpu.memory_space<vmem_shared>>) target_semaphore(%arg18 : memref<!tpu.dma_semaphore, #tpu.memory_space<semaphore_mem>>)
    %add3A_206 = arith.constant 576 : i32
    %add3A_207 = arith.addi %mul3A_2, %add3A_206 : i32
    %dma_start3A_208 = arith.constant 0 : i32
    %dma_start3A_209 = tpu.memref_slice %arg10[%add3A_207, %dma_start3A_208] : memref<10240x8xf32, #tpu.memory_space<vmem_shared>> -> memref<64x8xf32, #tpu.memory_space<vmem_shared>>
    %dma_start3A_210 = arith.constant 0 : i32
    %dma_start3A_211 = tpu.memref_slice %arg10[%add3A_207, %dma_start3A_210] : memref<10240x8xf32, #tpu.memory_space<vmem_shared>> -> memref<64x8xf32, #tpu.memory_space<vmem_shared>>
    tpu.enqueue_dma source(%arg14 : memref<64x8xf32, #tpu.memory_space<vmem>>) target(%dma_start3A_211 : memref<64x8xf32, #tpu.memory_space<vmem_shared>>) target_semaphore(%arg18 : memref<!tpu.dma_semaphore, #tpu.memory_space<semaphore_mem>>)
    %add3A_212 = arith.constant 0 : i32
    %add3A_213 = arith.addi %mul3A_2, %add3A_212 : i32
    %dma_wait3A = arith.constant 0 : i32
    %dma_wait3A_214 = arith.constant 0 : i32
    %dma_wait3A_215 = arith.constant 0 : i32
    %dma_wait3A_216 = tpu.memref_slice %arg11[%dma_wait3A, %dma_wait3A_214, %dma_wait3A_215] : memref<4x64x128xf32, #tpu.memory_space<vmem>> -> memref<1x64x128xf32, #tpu.memory_space<vmem>>
    %dma_wait3A_217 = tpu.memref_squeeze %dma_wait3A_216 : memref<1x64x128xf32, #tpu.memory_space<vmem>> -> memref<64x128xf32, #tpu.memory_space<vmem>>
    %dma_wait3A_218 = arith.constant 0 : i32
    %dma_wait3A_219 = tpu.memref_slice %arg9[%add3A_213, %dma_wait3A_218] : memref<10240x128xf32, #tpu.memory_space<vmem_shared>> -> memref<64x128xf32, #tpu.memory_space<vmem_shared>>
    %dma_wait3A_220 = arith.constant 0 : i32
    %dma_wait3A_221 = tpu.memref_slice %arg9[%add3A_213, %dma_wait3A_220] : memref<10240x128xf32, #tpu.memory_space<vmem_shared>> -> memref<64x128xf32, #tpu.memory_space<vmem_shared>>
    %dma_wait3A_222 = arith.constant 0 : i32
    %dma_wait3A_223 = arith.constant 0 : i32
    %dma_wait3A_224 = tpu.memref_slice %arg11[%dma_wait3A, %dma_wait3A_222, %dma_wait3A_223] : memref<4x64x128xf32, #tpu.memory_space<vmem>> -> memref<1x64x128xf32, #tpu.memory_space<vmem>>
    %dma_wait3A_225 = tpu.memref_squeeze %dma_wait3A_224 : memref<1x64x128xf32, #tpu.memory_space<vmem>> -> memref<64x128xf32, #tpu.memory_space<vmem>>
    tpu.wait_dma2 semaphore(%arg18 : memref<!tpu.dma_semaphore, #tpu.memory_space<semaphore_mem>>) src(%dma_wait3A_225 : memref<64x128xf32, #tpu.memory_space<vmem>>) dst(%dma_wait3A_221 : memref<64x128xf32, #tpu.memory_space<vmem_shared>>)
    %add3A_226 = arith.constant 0 : i32
    %add3A_227 = arith.addi %mul3A_2, %add3A_226 : i32
    %dma_wait3A_228 = arith.constant 0 : i32
    %dma_wait3A_229 = tpu.memref_slice %arg10[%add3A_227, %dma_wait3A_228] : memref<10240x8xf32, #tpu.memory_space<vmem_shared>> -> memref<64x8xf32, #tpu.memory_space<vmem_shared>>
    %dma_wait3A_230 = arith.constant 0 : i32
    %dma_wait3A_231 = tpu.memref_slice %arg10[%add3A_227, %dma_wait3A_230] : memref<10240x8xf32, #tpu.memory_space<vmem_shared>> -> memref<64x8xf32, #tpu.memory_space<vmem_shared>>
    tpu.wait_dma2 semaphore(%arg18 : memref<!tpu.dma_semaphore, #tpu.memory_space<semaphore_mem>>) src(%arg14 : memref<64x8xf32, #tpu.memory_space<vmem>>) dst(%dma_wait3A_231 : memref<64x8xf32, #tpu.memory_space<vmem_shared>>)
    %add3A_232 = arith.constant 64 : i32
    %add3A_233 = arith.addi %mul3A_2, %add3A_232 : i32
    %dma_wait3A_234 = arith.constant 0 : i32
    %dma_wait3A_235 = arith.constant 0 : i32
    %dma_wait3A_236 = arith.constant 0 : i32
    %dma_wait3A_237 = tpu.memref_slice %arg11[%dma_wait3A_234, %dma_wait3A_235, %dma_wait3A_236] : memref<4x64x128xf32, #tpu.memory_space<vmem>> -> memref<1x64x128xf32, #tpu.memory_space<vmem>>
    %dma_wait3A_238 = tpu.memref_squeeze %dma_wait3A_237 : memref<1x64x128xf32, #tpu.memory_space<vmem>> -> memref<64x128xf32, #tpu.memory_space<vmem>>
    %dma_wait3A_239 = arith.constant 0 : i32
    %dma_wait3A_240 = tpu.memref_slice %arg9[%add3A_233, %dma_wait3A_239] : memref<10240x128xf32, #tpu.memory_space<vmem_shared>> -> memref<64x128xf32, #tpu.memory_space<vmem_shared>>
    %dma_wait3A_241 = arith.constant 0 : i32
    %dma_wait3A_242 = tpu.memref_slice %arg9[%add3A_233, %dma_wait3A_241] : memref<10240x128xf32, #tpu.memory_space<vmem_shared>> -> memref<64x128xf32, #tpu.memory_space<vmem_shared>>
    %dma_wait3A_243 = arith.constant 0 : i32
    %dma_wait3A_244 = arith.constant 0 : i32
    %dma_wait3A_245 = tpu.memref_slice %arg11[%dma_wait3A_234, %dma_wait3A_243, %dma_wait3A_244] : memref<4x64x128xf32, #tpu.memory_space<vmem>> -> memref<1x64x128xf32, #tpu.memory_space<vmem>>
    %dma_wait3A_246 = tpu.memref_squeeze %dma_wait3A_245 : memref<1x64x128xf32, #tpu.memory_space<vmem>> -> memref<64x128xf32, #tpu.memory_space<vmem>>
    tpu.wait_dma2 semaphore(%arg18 : memref<!tpu.dma_semaphore, #tpu.memory_space<semaphore_mem>>) src(%dma_wait3A_246 : memref<64x128xf32, #tpu.memory_space<vmem>>) dst(%dma_wait3A_242 : memref<64x128xf32, #tpu.memory_space<vmem_shared>>)
    %add3A_247 = arith.constant 64 : i32
    %add3A_248 = arith.addi %mul3A_2, %add3A_247 : i32
    %dma_wait3A_249 = arith.constant 0 : i32
    %dma_wait3A_250 = tpu.memref_slice %arg10[%add3A_248, %dma_wait3A_249] : memref<10240x8xf32, #tpu.memory_space<vmem_shared>> -> memref<64x8xf32, #tpu.memory_space<vmem_shared>>
    %dma_wait3A_251 = arith.constant 0 : i32
    %dma_wait3A_252 = tpu.memref_slice %arg10[%add3A_248, %dma_wait3A_251] : memref<10240x8xf32, #tpu.memory_space<vmem_shared>> -> memref<64x8xf32, #tpu.memory_space<vmem_shared>>
    tpu.wait_dma2 semaphore(%arg18 : memref<!tpu.dma_semaphore, #tpu.memory_space<semaphore_mem>>) src(%arg14 : memref<64x8xf32, #tpu.memory_space<vmem>>) dst(%dma_wait3A_252 : memref<64x8xf32, #tpu.memory_space<vmem_shared>>)
    %add3A_253 = arith.constant 128 : i32
    %add3A_254 = arith.addi %mul3A_2, %add3A_253 : i32
    %dma_wait3A_255 = arith.constant 0 : i32
    %dma_wait3A_256 = arith.constant 0 : i32
    %dma_wait3A_257 = arith.constant 0 : i32
    %dma_wait3A_258 = tpu.memref_slice %arg11[%dma_wait3A_255, %dma_wait3A_256, %dma_wait3A_257] : memref<4x64x128xf32, #tpu.memory_space<vmem>> -> memref<1x64x128xf32, #tpu.memory_space<vmem>>
    %dma_wait3A_259 = tpu.memref_squeeze %dma_wait3A_258 : memref<1x64x128xf32, #tpu.memory_space<vmem>> -> memref<64x128xf32, #tpu.memory_space<vmem>>
    %dma_wait3A_260 = arith.constant 0 : i32
    %dma_wait3A_261 = tpu.memref_slice %arg9[%add3A_254, %dma_wait3A_260] : memref<10240x128xf32, #tpu.memory_space<vmem_shared>> -> memref<64x128xf32, #tpu.memory_space<vmem_shared>>
    %dma_wait3A_262 = arith.constant 0 : i32
    %dma_wait3A_263 = tpu.memref_slice %arg9[%add3A_254, %dma_wait3A_262] : memref<10240x128xf32, #tpu.memory_space<vmem_shared>> -> memref<64x128xf32, #tpu.memory_space<vmem_shared>>
    %dma_wait3A_264 = arith.constant 0 : i32
    %dma_wait3A_265 = arith.constant 0 : i32
    %dma_wait3A_266 = tpu.memref_slice %arg11[%dma_wait3A_255, %dma_wait3A_264, %dma_wait3A_265] : memref<4x64x128xf32, #tpu.memory_space<vmem>> -> memref<1x64x128xf32, #tpu.memory_space<vmem>>
    %dma_wait3A_267 = tpu.memref_squeeze %dma_wait3A_266 : memref<1x64x128xf32, #tpu.memory_space<vmem>> -> memref<64x128xf32, #tpu.memory_space<vmem>>
    tpu.wait_dma2 semaphore(%arg18 : memref<!tpu.dma_semaphore, #tpu.memory_space<semaphore_mem>>) src(%dma_wait3A_267 : memref<64x128xf32, #tpu.memory_space<vmem>>) dst(%dma_wait3A_263 : memref<64x128xf32, #tpu.memory_space<vmem_shared>>)
    %add3A_268 = arith.constant 128 : i32
    %add3A_269 = arith.addi %mul3A_2, %add3A_268 : i32
    %dma_wait3A_270 = arith.constant 0 : i32
    %dma_wait3A_271 = tpu.memref_slice %arg10[%add3A_269, %dma_wait3A_270] : memref<10240x8xf32, #tpu.memory_space<vmem_shared>> -> memref<64x8xf32, #tpu.memory_space<vmem_shared>>
    %dma_wait3A_272 = arith.constant 0 : i32
    %dma_wait3A_273 = tpu.memref_slice %arg10[%add3A_269, %dma_wait3A_272] : memref<10240x8xf32, #tpu.memory_space<vmem_shared>> -> memref<64x8xf32, #tpu.memory_space<vmem_shared>>
    tpu.wait_dma2 semaphore(%arg18 : memref<!tpu.dma_semaphore, #tpu.memory_space<semaphore_mem>>) src(%arg14 : memref<64x8xf32, #tpu.memory_space<vmem>>) dst(%dma_wait3A_273 : memref<64x8xf32, #tpu.memory_space<vmem_shared>>)
    %add3A_274 = arith.constant 192 : i32
    %add3A_275 = arith.addi %mul3A_2, %add3A_274 : i32
    %dma_wait3A_276 = arith.constant 0 : i32
    %dma_wait3A_277 = arith.constant 0 : i32
    %dma_wait3A_278 = arith.constant 0 : i32
    %dma_wait3A_279 = tpu.memref_slice %arg11[%dma_wait3A_276, %dma_wait3A_277, %dma_wait3A_278] : memref<4x64x128xf32, #tpu.memory_space<vmem>> -> memref<1x64x128xf32, #tpu.memory_space<vmem>>
    %dma_wait3A_280 = tpu.memref_squeeze %dma_wait3A_279 : memref<1x64x128xf32, #tpu.memory_space<vmem>> -> memref<64x128xf32, #tpu.memory_space<vmem>>
    %dma_wait3A_281 = arith.constant 0 : i32
    %dma_wait3A_282 = tpu.memref_slice %arg9[%add3A_275, %dma_wait3A_281] : memref<10240x128xf32, #tpu.memory_space<vmem_shared>> -> memref<64x128xf32, #tpu.memory_space<vmem_shared>>
    %dma_wait3A_283 = arith.constant 0 : i32
    %dma_wait3A_284 = tpu.memref_slice %arg9[%add3A_275, %dma_wait3A_283] : memref<10240x128xf32, #tpu.memory_space<vmem_shared>> -> memref<64x128xf32, #tpu.memory_space<vmem_shared>>
    %dma_wait3A_285 = arith.constant 0 : i32
    %dma_wait3A_286 = arith.constant 0 : i32
    %dma_wait3A_287 = tpu.memref_slice %arg11[%dma_wait3A_276, %dma_wait3A_285, %dma_wait3A_286] : memref<4x64x128xf32, #tpu.memory_space<vmem>> -> memref<1x64x128xf32, #tpu.memory_space<vmem>>
    %dma_wait3A_288 = tpu.memref_squeeze %dma_wait3A_287 : memref<1x64x128xf32, #tpu.memory_space<vmem>> -> memref<64x128xf32, #tpu.memory_space<vmem>>
    tpu.wait_dma2 semaphore(%arg18 : memref<!tpu.dma_semaphore, #tpu.memory_space<semaphore_mem>>) src(%dma_wait3A_288 : memref<64x128xf32, #tpu.memory_space<vmem>>) dst(%dma_wait3A_284 : memref<64x128xf32, #tpu.memory_space<vmem_shared>>)
    %add3A_289 = arith.constant 192 : i32
    %add3A_290 = arith.addi %mul3A_2, %add3A_289 : i32
    %dma_wait3A_291 = arith.constant 0 : i32
    %dma_wait3A_292 = tpu.memref_slice %arg10[%add3A_290, %dma_wait3A_291] : memref<10240x8xf32, #tpu.memory_space<vmem_shared>> -> memref<64x8xf32, #tpu.memory_space<vmem_shared>>
    %dma_wait3A_293 = arith.constant 0 : i32
    %dma_wait3A_294 = tpu.memref_slice %arg10[%add3A_290, %dma_wait3A_293] : memref<10240x8xf32, #tpu.memory_space<vmem_shared>> -> memref<64x8xf32, #tpu.memory_space<vmem_shared>>
    tpu.wait_dma2 semaphore(%arg18 : memref<!tpu.dma_semaphore, #tpu.memory_space<semaphore_mem>>) src(%arg14 : memref<64x8xf32, #tpu.memory_space<vmem>>) dst(%dma_wait3A_294 : memref<64x8xf32, #tpu.memory_space<vmem_shared>>)
    %add3A_295 = arith.constant 256 : i32
    %add3A_296 = arith.addi %mul3A_2, %add3A_295 : i32
    %dma_wait3A_297 = arith.constant 0 : i32
    %dma_wait3A_298 = arith.constant 0 : i32
    %dma_wait3A_299 = arith.constant 0 : i32
    %dma_wait3A_300 = tpu.memref_slice %arg11[%dma_wait3A_297, %dma_wait3A_298, %dma_wait3A_299] : memref<4x64x128xf32, #tpu.memory_space<vmem>> -> memref<1x64x128xf32, #tpu.memory_space<vmem>>
    %dma_wait3A_301 = tpu.memref_squeeze %dma_wait3A_300 : memref<1x64x128xf32, #tpu.memory_space<vmem>> -> memref<64x128xf32, #tpu.memory_space<vmem>>
    %dma_wait3A_302 = arith.constant 0 : i32
    %dma_wait3A_303 = tpu.memref_slice %arg9[%add3A_296, %dma_wait3A_302] : memref<10240x128xf32, #tpu.memory_space<vmem_shared>> -> memref<64x128xf32, #tpu.memory_space<vmem_shared>>
    %dma_wait3A_304 = arith.constant 0 : i32
    %dma_wait3A_305 = tpu.memref_slice %arg9[%add3A_296, %dma_wait3A_304] : memref<10240x128xf32, #tpu.memory_space<vmem_shared>> -> memref<64x128xf32, #tpu.memory_space<vmem_shared>>
    %dma_wait3A_306 = arith.constant 0 : i32
    %dma_wait3A_307 = arith.constant 0 : i32
    %dma_wait3A_308 = tpu.memref_slice %arg11[%dma_wait3A_297, %dma_wait3A_306, %dma_wait3A_307] : memref<4x64x128xf32, #tpu.memory_space<vmem>> -> memref<1x64x128xf32, #tpu.memory_space<vmem>>
    %dma_wait3A_309 = tpu.memref_squeeze %dma_wait3A_308 : memref<1x64x128xf32, #tpu.memory_space<vmem>> -> memref<64x128xf32, #tpu.memory_space<vmem>>
    tpu.wait_dma2 semaphore(%arg18 : memref<!tpu.dma_semaphore, #tpu.memory_space<semaphore_mem>>) src(%dma_wait3A_309 : memref<64x128xf32, #tpu.memory_space<vmem>>) dst(%dma_wait3A_305 : memref<64x128xf32, #tpu.memory_space<vmem_shared>>)
    %add3A_310 = arith.constant 256 : i32
    %add3A_311 = arith.addi %mul3A_2, %add3A_310 : i32
    %dma_wait3A_312 = arith.constant 0 : i32
    %dma_wait3A_313 = tpu.memref_slice %arg10[%add3A_311, %dma_wait3A_312] : memref<10240x8xf32, #tpu.memory_space<vmem_shared>> -> memref<64x8xf32, #tpu.memory_space<vmem_shared>>
    %dma_wait3A_314 = arith.constant 0 : i32
    %dma_wait3A_315 = tpu.memref_slice %arg10[%add3A_311, %dma_wait3A_314] : memref<10240x8xf32, #tpu.memory_space<vmem_shared>> -> memref<64x8xf32, #tpu.memory_space<vmem_shared>>
    tpu.wait_dma2 semaphore(%arg18 : memref<!tpu.dma_semaphore, #tpu.memory_space<semaphore_mem>>) src(%arg14 : memref<64x8xf32, #tpu.memory_space<vmem>>) dst(%dma_wait3A_315 : memref<64x8xf32, #tpu.memory_space<vmem_shared>>)
    %add3A_316 = arith.constant 320 : i32
    %add3A_317 = arith.addi %mul3A_2, %add3A_316 : i32
    %dma_wait3A_318 = arith.constant 0 : i32
    %dma_wait3A_319 = arith.constant 0 : i32
    %dma_wait3A_320 = arith.constant 0 : i32
    %dma_wait3A_321 = tpu.memref_slice %arg11[%dma_wait3A_318, %dma_wait3A_319, %dma_wait3A_320] : memref<4x64x128xf32, #tpu.memory_space<vmem>> -> memref<1x64x128xf32, #tpu.memory_space<vmem>>
    %dma_wait3A_322 = tpu.memref_squeeze %dma_wait3A_321 : memref<1x64x128xf32, #tpu.memory_space<vmem>> -> memref<64x128xf32, #tpu.memory_space<vmem>>
    %dma_wait3A_323 = arith.constant 0 : i32
    %dma_wait3A_324 = tpu.memref_slice %arg9[%add3A_317, %dma_wait3A_323] : memref<10240x128xf32, #tpu.memory_space<vmem_shared>> -> memref<64x128xf32, #tpu.memory_space<vmem_shared>>
    %dma_wait3A_325 = arith.constant 0 : i32
    %dma_wait3A_326 = tpu.memref_slice %arg9[%add3A_317, %dma_wait3A_325] : memref<10240x128xf32, #tpu.memory_space<vmem_shared>> -> memref<64x128xf32, #tpu.memory_space<vmem_shared>>
    %dma_wait3A_327 = arith.constant 0 : i32
    %dma_wait3A_328 = arith.constant 0 : i32
    %dma_wait3A_329 = tpu.memref_slice %arg11[%dma_wait3A_318, %dma_wait3A_327, %dma_wait3A_328] : memref<4x64x128xf32, #tpu.memory_space<vmem>> -> memref<1x64x128xf32, #tpu.memory_space<vmem>>
    %dma_wait3A_330 = tpu.memref_squeeze %dma_wait3A_329 : memref<1x64x128xf32, #tpu.memory_space<vmem>> -> memref<64x128xf32, #tpu.memory_space<vmem>>
    tpu.wait_dma2 semaphore(%arg18 : memref<!tpu.dma_semaphore, #tpu.memory_space<semaphore_mem>>) src(%dma_wait3A_330 : memref<64x128xf32, #tpu.memory_space<vmem>>) dst(%dma_wait3A_326 : memref<64x128xf32, #tpu.memory_space<vmem_shared>>)
    %add3A_331 = arith.constant 320 : i32
    %add3A_332 = arith.addi %mul3A_2, %add3A_331 : i32
    %dma_wait3A_333 = arith.constant 0 : i32
    %dma_wait3A_334 = tpu.memref_slice %arg10[%add3A_332, %dma_wait3A_333] : memref<10240x8xf32, #tpu.memory_space<vmem_shared>> -> memref<64x8xf32, #tpu.memory_space<vmem_shared>>
    %dma_wait3A_335 = arith.constant 0 : i32
    %dma_wait3A_336 = tpu.memref_slice %arg10[%add3A_332, %dma_wait3A_335] : memref<10240x8xf32, #tpu.memory_space<vmem_shared>> -> memref<64x8xf32, #tpu.memory_space<vmem_shared>>
    tpu.wait_dma2 semaphore(%arg18 : memref<!tpu.dma_semaphore, #tpu.memory_space<semaphore_mem>>) src(%arg14 : memref<64x8xf32, #tpu.memory_space<vmem>>) dst(%dma_wait3A_336 : memref<64x8xf32, #tpu.memory_space<vmem_shared>>)
    %add3A_337 = arith.constant 384 : i32
    %add3A_338 = arith.addi %mul3A_2, %add3A_337 : i32
    %dma_wait3A_339 = arith.constant 0 : i32
    %dma_wait3A_340 = arith.constant 0 : i32
    %dma_wait3A_341 = arith.constant 0 : i32
    %dma_wait3A_342 = tpu.memref_slice %arg11[%dma_wait3A_339, %dma_wait3A_340, %dma_wait3A_341] : memref<4x64x128xf32, #tpu.memory_space<vmem>> -> memref<1x64x128xf32, #tpu.memory_space<vmem>>
    %dma_wait3A_343 = tpu.memref_squeeze %dma_wait3A_342 : memref<1x64x128xf32, #tpu.memory_space<vmem>> -> memref<64x128xf32, #tpu.memory_space<vmem>>
    %dma_wait3A_344 = arith.constant 0 : i32
    %dma_wait3A_345 = tpu.memref_slice %arg9[%add3A_338, %dma_wait3A_344] : memref<10240x128xf32, #tpu.memory_space<vmem_shared>> -> memref<64x128xf32, #tpu.memory_space<vmem_shared>>
    %dma_wait3A_346 = arith.constant 0 : i32
    %dma_wait3A_347 = tpu.memref_slice %arg9[%add3A_338, %dma_wait3A_346] : memref<10240x128xf32, #tpu.memory_space<vmem_shared>> -> memref<64x128xf32, #tpu.memory_space<vmem_shared>>
    %dma_wait3A_348 = arith.constant 0 : i32
    %dma_wait3A_349 = arith.constant 0 : i32
    %dma_wait3A_350 = tpu.memref_slice %arg11[%dma_wait3A_339, %dma_wait3A_348, %dma_wait3A_349] : memref<4x64x128xf32, #tpu.memory_space<vmem>> -> memref<1x64x128xf32, #tpu.memory_space<vmem>>
    %dma_wait3A_351 = tpu.memref_squeeze %dma_wait3A_350 : memref<1x64x128xf32, #tpu.memory_space<vmem>> -> memref<64x128xf32, #tpu.memory_space<vmem>>
    tpu.wait_dma2 semaphore(%arg18 : memref<!tpu.dma_semaphore, #tpu.memory_space<semaphore_mem>>) src(%dma_wait3A_351 : memref<64x128xf32, #tpu.memory_space<vmem>>) dst(%dma_wait3A_347 : memref<64x128xf32, #tpu.memory_space<vmem_shared>>)
    %add3A_352 = arith.constant 384 : i32
    %add3A_353 = arith.addi %mul3A_2, %add3A_352 : i32
    %dma_wait3A_354 = arith.constant 0 : i32
    %dma_wait3A_355 = tpu.memref_slice %arg10[%add3A_353, %dma_wait3A_354] : memref<10240x8xf32, #tpu.memory_space<vmem_shared>> -> memref<64x8xf32, #tpu.memory_space<vmem_shared>>
    %dma_wait3A_356 = arith.constant 0 : i32
    %dma_wait3A_357 = tpu.memref_slice %arg10[%add3A_353, %dma_wait3A_356] : memref<10240x8xf32, #tpu.memory_space<vmem_shared>> -> memref<64x8xf32, #tpu.memory_space<vmem_shared>>
    tpu.wait_dma2 semaphore(%arg18 : memref<!tpu.dma_semaphore, #tpu.memory_space<semaphore_mem>>) src(%arg14 : memref<64x8xf32, #tpu.memory_space<vmem>>) dst(%dma_wait3A_357 : memref<64x8xf32, #tpu.memory_space<vmem_shared>>)
    %add3A_358 = arith.constant 448 : i32
    %add3A_359 = arith.addi %mul3A_2, %add3A_358 : i32
    %dma_wait3A_360 = arith.constant 0 : i32
    %dma_wait3A_361 = arith.constant 0 : i32
    %dma_wait3A_362 = arith.constant 0 : i32
    %dma_wait3A_363 = tpu.memref_slice %arg11[%dma_wait3A_360, %dma_wait3A_361, %dma_wait3A_362] : memref<4x64x128xf32, #tpu.memory_space<vmem>> -> memref<1x64x128xf32, #tpu.memory_space<vmem>>
    %dma_wait3A_364 = tpu.memref_squeeze %dma_wait3A_363 : memref<1x64x128xf32, #tpu.memory_space<vmem>> -> memref<64x128xf32, #tpu.memory_space<vmem>>
    %dma_wait3A_365 = arith.constant 0 : i32
    %dma_wait3A_366 = tpu.memref_slice %arg9[%add3A_359, %dma_wait3A_365] : memref<10240x128xf32, #tpu.memory_space<vmem_shared>> -> memref<64x128xf32, #tpu.memory_space<vmem_shared>>
    %dma_wait3A_367 = arith.constant 0 : i32
    %dma_wait3A_368 = tpu.memref_slice %arg9[%add3A_359, %dma_wait3A_367] : memref<10240x128xf32, #tpu.memory_space<vmem_shared>> -> memref<64x128xf32, #tpu.memory_space<vmem_shared>>
    %dma_wait3A_369 = arith.constant 0 : i32
    %dma_wait3A_370 = arith.constant 0 : i32
    %dma_wait3A_371 = tpu.memref_slice %arg11[%dma_wait3A_360, %dma_wait3A_369, %dma_wait3A_370] : memref<4x64x128xf32, #tpu.memory_space<vmem>> -> memref<1x64x128xf32, #tpu.memory_space<vmem>>
    %dma_wait3A_372 = tpu.memref_squeeze %dma_wait3A_371 : memref<1x64x128xf32, #tpu.memory_space<vmem>> -> memref<64x128xf32, #tpu.memory_space<vmem>>
    tpu.wait_dma2 semaphore(%arg18 : memref<!tpu.dma_semaphore, #tpu.memory_space<semaphore_mem>>) src(%dma_wait3A_372 : memref<64x128xf32, #tpu.memory_space<vmem>>) dst(%dma_wait3A_368 : memref<64x128xf32, #tpu.memory_space<vmem_shared>>)
    %add3A_373 = arith.constant 448 : i32
    %add3A_374 = arith.addi %mul3A_2, %add3A_373 : i32
    %dma_wait3A_375 = arith.constant 0 : i32
    %dma_wait3A_376 = tpu.memref_slice %arg10[%add3A_374, %dma_wait3A_375] : memref<10240x8xf32, #tpu.memory_space<vmem_shared>> -> memref<64x8xf32, #tpu.memory_space<vmem_shared>>
    %dma_wait3A_377 = arith.constant 0 : i32
    %dma_wait3A_378 = tpu.memref_slice %arg10[%add3A_374, %dma_wait3A_377] : memref<10240x8xf32, #tpu.memory_space<vmem_shared>> -> memref<64x8xf32, #tpu.memory_space<vmem_shared>>
    tpu.wait_dma2 semaphore(%arg18 : memref<!tpu.dma_semaphore, #tpu.memory_space<semaphore_mem>>) src(%arg14 : memref<64x8xf32, #tpu.memory_space<vmem>>) dst(%dma_wait3A_378 : memref<64x8xf32, #tpu.memory_space<vmem_shared>>)
    %add3A_379 = arith.constant 512 : i32
    %add3A_380 = arith.addi %mul3A_2, %add3A_379 : i32
    %dma_wait3A_381 = arith.constant 0 : i32
    %dma_wait3A_382 = arith.constant 0 : i32
    %dma_wait3A_383 = arith.constant 0 : i32
    %dma_wait3A_384 = tpu.memref_slice %arg11[%dma_wait3A_381, %dma_wait3A_382, %dma_wait3A_383] : memref<4x64x128xf32, #tpu.memory_space<vmem>> -> memref<1x64x128xf32, #tpu.memory_space<vmem>>
    %dma_wait3A_385 = tpu.memref_squeeze %dma_wait3A_384 : memref<1x64x128xf32, #tpu.memory_space<vmem>> -> memref<64x128xf32, #tpu.memory_space<vmem>>
    %dma_wait3A_386 = arith.constant 0 : i32
    %dma_wait3A_387 = tpu.memref_slice %arg9[%add3A_380, %dma_wait3A_386] : memref<10240x128xf32, #tpu.memory_space<vmem_shared>> -> memref<64x128xf32, #tpu.memory_space<vmem_shared>>
    %dma_wait3A_388 = arith.constant 0 : i32
    %dma_wait3A_389 = tpu.memref_slice %arg9[%add3A_380, %dma_wait3A_388] : memref<10240x128xf32, #tpu.memory_space<vmem_shared>> -> memref<64x128xf32, #tpu.memory_space<vmem_shared>>
    %dma_wait3A_390 = arith.constant 0 : i32
    %dma_wait3A_391 = arith.constant 0 : i32
    %dma_wait3A_392 = tpu.memref_slice %arg11[%dma_wait3A_381, %dma_wait3A_390, %dma_wait3A_391] : memref<4x64x128xf32, #tpu.memory_space<vmem>> -> memref<1x64x128xf32, #tpu.memory_space<vmem>>
    %dma_wait3A_393 = tpu.memref_squeeze %dma_wait3A_392 : memref<1x64x128xf32, #tpu.memory_space<vmem>> -> memref<64x128xf32, #tpu.memory_space<vmem>>
    tpu.wait_dma2 semaphore(%arg18 : memref<!tpu.dma_semaphore, #tpu.memory_space<semaphore_mem>>) src(%dma_wait3A_393 : memref<64x128xf32, #tpu.memory_space<vmem>>) dst(%dma_wait3A_389 : memref<64x128xf32, #tpu.memory_space<vmem_shared>>)
    %add3A_394 = arith.constant 512 : i32
    %add3A_395 = arith.addi %mul3A_2, %add3A_394 : i32
    %dma_wait3A_396 = arith.constant 0 : i32
    %dma_wait3A_397 = tpu.memref_slice %arg10[%add3A_395, %dma_wait3A_396] : memref<10240x8xf32, #tpu.memory_space<vmem_shared>> -> memref<64x8xf32, #tpu.memory_space<vmem_shared>>
    %dma_wait3A_398 = arith.constant 0 : i32
    %dma_wait3A_399 = tpu.memref_slice %arg10[%add3A_395, %dma_wait3A_398] : memref<10240x8xf32, #tpu.memory_space<vmem_shared>> -> memref<64x8xf32, #tpu.memory_space<vmem_shared>>
    tpu.wait_dma2 semaphore(%arg18 : memref<!tpu.dma_semaphore, #tpu.memory_space<semaphore_mem>>) src(%arg14 : memref<64x8xf32, #tpu.memory_space<vmem>>) dst(%dma_wait3A_399 : memref<64x8xf32, #tpu.memory_space<vmem_shared>>)
    %add3A_400 = arith.constant 576 : i32
    %add3A_401 = arith.addi %mul3A_2, %add3A_400 : i32
    %dma_wait3A_402 = arith.constant 0 : i32
    %dma_wait3A_403 = arith.constant 0 : i32
    %dma_wait3A_404 = arith.constant 0 : i32
    %dma_wait3A_405 = tpu.memref_slice %arg11[%dma_wait3A_402, %dma_wait3A_403, %dma_wait3A_404] : memref<4x64x128xf32, #tpu.memory_space<vmem>> -> memref<1x64x128xf32, #tpu.memory_space<vmem>>
    %dma_wait3A_406 = tpu.memref_squeeze %dma_wait3A_405 : memref<1x64x128xf32, #tpu.memory_space<vmem>> -> memref<64x128xf32, #tpu.memory_space<vmem>>
    %dma_wait3A_407 = arith.constant 0 : i32
    %dma_wait3A_408 = tpu.memref_slice %arg9[%add3A_401, %dma_wait3A_407] : memref<10240x128xf32, #tpu.memory_space<vmem_shared>> -> memref<64x128xf32, #tpu.memory_space<vmem_shared>>
    %dma_wait3A_409 = arith.constant 0 : i32
    %dma_wait3A_410 = tpu.memref_slice %arg9[%add3A_401, %dma_wait3A_409] : memref<10240x128xf32, #tpu.memory_space<vmem_shared>> -> memref<64x128xf32, #tpu.memory_space<vmem_shared>>
    %dma_wait3A_411 = arith.constant 0 : i32
    %dma_wait3A_412 = arith.constant 0 : i32
    %dma_wait3A_413 = tpu.memref_slice %arg11[%dma_wait3A_402, %dma_wait3A_411, %dma_wait3A_412] : memref<4x64x128xf32, #tpu.memory_space<vmem>> -> memref<1x64x128xf32, #tpu.memory_space<vmem>>
    %dma_wait3A_414 = tpu.memref_squeeze %dma_wait3A_413 : memref<1x64x128xf32, #tpu.memory_space<vmem>> -> memref<64x128xf32, #tpu.memory_space<vmem>>
    tpu.wait_dma2 semaphore(%arg18 : memref<!tpu.dma_semaphore, #tpu.memory_space<semaphore_mem>>) src(%dma_wait3A_414 : memref<64x128xf32, #tpu.memory_space<vmem>>) dst(%dma_wait3A_410 : memref<64x128xf32, #tpu.memory_space<vmem_shared>>)
    %add3A_415 = arith.constant 576 : i32
    %add3A_416 = arith.addi %mul3A_2, %add3A_415 : i32
    %dma_wait3A_417 = arith.constant 0 : i32
    %dma_wait3A_418 = tpu.memref_slice %arg10[%add3A_416, %dma_wait3A_417] : memref<10240x8xf32, #tpu.memory_space<vmem_shared>> -> memref<64x8xf32, #tpu.memory_space<vmem_shared>>
    %dma_wait3A_419 = arith.constant 0 : i32
    %dma_wait3A_420 = tpu.memref_slice %arg10[%add3A_416, %dma_wait3A_419] : memref<10240x8xf32, #tpu.memory_space<vmem_shared>> -> memref<64x8xf32, #tpu.memory_space<vmem_shared>>
    tpu.wait_dma2 semaphore(%arg18 : memref<!tpu.dma_semaphore, #tpu.memory_space<semaphore_mem>>) src(%arg14 : memref<64x8xf32, #tpu.memory_space<vmem>>) dst(%dma_wait3A_420 : memref<64x8xf32, #tpu.memory_space<vmem_shared>>)
    %mul3A_421 = arith.constant 156 : i32
    %mul3A_422 = arith.muli %add3A, %mul3A_421 : i32
    %add3A_423 = arith.constant 0 : i32
    %add3A_424 = arith.addi %mul3A_422, %add3A_423 : i32
    %mul3A_425 = arith.constant 64 : i32
    %mul3A_426 = arith.muli %add3A_424, %mul3A_425 : i32
    %dma_start3A_427 = arith.constant 0 : i32
    %dma_start3A_428 = arith.constant 0 : i32
    %dma_start3A_429 = arith.constant 0 : i32
    %dma_start3A_430 = arith.constant 0 : i32
    %dma_start3A_431 = tpu.memref_slice %arg11[%dma_start3A_427, %dma_start3A_429, %dma_start3A_430] : memref<4x64x128xf32, #tpu.memory_space<vmem>> -> memref<1x64x128xf32, #tpu.memory_space<vmem>>
    %dma_start3A_432 = tpu.memref_squeeze %dma_start3A_431 : memref<1x64x128xf32, #tpu.memory_space<vmem>> -> memref<64x128xf32, #tpu.memory_space<vmem>>
    %dma_start3A_433 = arith.constant 0 : i32
    %dma_start3A_434 = tpu.memref_slice %arg2[%mul3A_426, %dma_start3A_433] : memref<320000x128xf32, #tpu.memory_space<hbm>> -> memref<64x128xf32, #tpu.memory_space<hbm>>
    %dma_start3A_435 = tpu.memref_slice %arg15[%dma_start3A_428] : memref<4x!tpu.dma_semaphore, #tpu.memory_space<semaphore_mem>> -> memref<1x!tpu.dma_semaphore, #tpu.memory_space<semaphore_mem>>
    %dma_start3A_436 = tpu.memref_squeeze %dma_start3A_435 : memref<1x!tpu.dma_semaphore, #tpu.memory_space<semaphore_mem>> -> memref<!tpu.dma_semaphore, #tpu.memory_space<semaphore_mem>>
    %dma_start3A_437 = arith.constant 0 : i32
    %dma_start3A_438 = arith.constant 0 : i32
    %dma_start3A_439 = tpu.memref_slice %arg11[%dma_start3A_427, %dma_start3A_437, %dma_start3A_438] : memref<4x64x128xf32, #tpu.memory_space<vmem>> -> memref<1x64x128xf32, #tpu.memory_space<vmem>>
    %dma_start3A_440 = tpu.memref_squeeze %dma_start3A_439 : memref<1x64x128xf32, #tpu.memory_space<vmem>> -> memref<64x128xf32, #tpu.memory_space<vmem>>
    %dma_start3A_441 = arith.constant 0 : i32
    %dma_start3A_442 = tpu.memref_slice %arg2[%mul3A_426, %dma_start3A_441] : memref<320000x128xf32, #tpu.memory_space<hbm>> -> memref<64x128xf32, #tpu.memory_space<hbm>>
    tpu.enqueue_dma source(%dma_start3A_442 : memref<64x128xf32, #tpu.memory_space<hbm>>) target(%dma_start3A_440 : memref<64x128xf32, #tpu.memory_space<vmem>>) target_semaphore(%dma_start3A_436 : memref<!tpu.dma_semaphore, #tpu.memory_space<semaphore_mem>>)
    %dma_start3A_443 = arith.constant 0 : i32
    %dma_start3A_444 = arith.constant 0 : i32
    %dma_start3A_445 = arith.constant 0 : i32
    %dma_start3A_446 = tpu.memref_slice %arg12[%dma_start3A_443, %dma_start3A_445] : memref<4x64xi32, #tpu.memory_space<vmem>> -> memref<1x64xi32, #tpu.memory_space<vmem>>
    %dma_start3A_447 = tpu.memref_squeeze %dma_start3A_446 : memref<1x64xi32, #tpu.memory_space<vmem>> -> memref<64xi32, #tpu.memory_space<vmem>>
    %dma_start3A_448 = tpu.memref_slice %arg3[%mul3A_426] : memref<320000xi32, #tpu.memory_space<hbm>> -> memref<64xi32, #tpu.memory_space<hbm>>
    %dma_start3A_449 = tpu.memref_slice %arg16[%dma_start3A_444] : memref<4x!tpu.dma_semaphore, #tpu.memory_space<semaphore_mem>> -> memref<1x!tpu.dma_semaphore, #tpu.memory_space<semaphore_mem>>
    %dma_start3A_450 = tpu.memref_squeeze %dma_start3A_449 : memref<1x!tpu.dma_semaphore, #tpu.memory_space<semaphore_mem>> -> memref<!tpu.dma_semaphore, #tpu.memory_space<semaphore_mem>>
    %dma_start3A_451 = arith.constant 0 : i32
    %dma_start3A_452 = tpu.memref_slice %arg12[%dma_start3A_443, %dma_start3A_451] : memref<4x64xi32, #tpu.memory_space<vmem>> -> memref<1x64xi32, #tpu.memory_space<vmem>>
    %dma_start3A_453 = tpu.memref_squeeze %dma_start3A_452 : memref<1x64xi32, #tpu.memory_space<vmem>> -> memref<64xi32, #tpu.memory_space<vmem>>
    %dma_start3A_454 = tpu.memref_slice %arg3[%mul3A_426] : memref<320000xi32, #tpu.memory_space<hbm>> -> memref<64xi32, #tpu.memory_space<hbm>>
    tpu.enqueue_dma source(%dma_start3A_454 : memref<64xi32, #tpu.memory_space<hbm>>) target(%dma_start3A_453 : memref<64xi32, #tpu.memory_space<vmem>>) target_semaphore(%dma_start3A_450 : memref<!tpu.dma_semaphore, #tpu.memory_space<semaphore_mem>>)
    %add3A_455 = arith.constant 1 : i32
    %add3A_456 = arith.addi %mul3A_422, %add3A_455 : i32
    %mul3A_457 = arith.constant 64 : i32
    %mul3A_458 = arith.muli %add3A_456, %mul3A_457 : i32
    %dma_start3A_459 = arith.constant 1 : i32
    %dma_start3A_460 = arith.constant 1 : i32
    %dma_start3A_461 = arith.constant 0 : i32
    %dma_start3A_462 = arith.constant 0 : i32
    %dma_start3A_463 = tpu.memref_slice %arg11[%dma_start3A_459, %dma_start3A_461, %dma_start3A_462] : memref<4x64x128xf32, #tpu.memory_space<vmem>> -> memref<1x64x128xf32, #tpu.memory_space<vmem>>
    %dma_start3A_464 = tpu.memref_squeeze %dma_start3A_463 : memref<1x64x128xf32, #tpu.memory_space<vmem>> -> memref<64x128xf32, #tpu.memory_space<vmem>>
    %dma_start3A_465 = arith.constant 0 : i32
    %dma_start3A_466 = tpu.memref_slice %arg2[%mul3A_458, %dma_start3A_465] : memref<320000x128xf32, #tpu.memory_space<hbm>> -> memref<64x128xf32, #tpu.memory_space<hbm>>
    %dma_start3A_467 = tpu.memref_slice %arg15[%dma_start3A_460] : memref<4x!tpu.dma_semaphore, #tpu.memory_space<semaphore_mem>> -> memref<1x!tpu.dma_semaphore, #tpu.memory_space<semaphore_mem>>
    %dma_start3A_468 = tpu.memref_squeeze %dma_start3A_467 : memref<1x!tpu.dma_semaphore, #tpu.memory_space<semaphore_mem>> -> memref<!tpu.dma_semaphore, #tpu.memory_space<semaphore_mem>>
    %dma_start3A_469 = arith.constant 0 : i32
    %dma_start3A_470 = arith.constant 0 : i32
    %dma_start3A_471 = tpu.memref_slice %arg11[%dma_start3A_459, %dma_start3A_469, %dma_start3A_470] : memref<4x64x128xf32, #tpu.memory_space<vmem>> -> memref<1x64x128xf32, #tpu.memory_space<vmem>>
    %dma_start3A_472 = tpu.memref_squeeze %dma_start3A_471 : memref<1x64x128xf32, #tpu.memory_space<vmem>> -> memref<64x128xf32, #tpu.memory_space<vmem>>
    %dma_start3A_473 = arith.constant 0 : i32
    %dma_start3A_474 = tpu.memref_slice %arg2[%mul3A_458, %dma_start3A_473] : memref<320000x128xf32, #tpu.memory_space<hbm>> -> memref<64x128xf32, #tpu.memory_space<hbm>>
    tpu.enqueue_dma source(%dma_start3A_474 : memref<64x128xf32, #tpu.memory_space<hbm>>) target(%dma_start3A_472 : memref<64x128xf32, #tpu.memory_space<vmem>>) target_semaphore(%dma_start3A_468 : memref<!tpu.dma_semaphore, #tpu.memory_space<semaphore_mem>>)
    %dma_start3A_475 = arith.constant 1 : i32
    %dma_start3A_476 = arith.constant 1 : i32
    %dma_start3A_477 = arith.constant 0 : i32
    %dma_start3A_478 = tpu.memref_slice %arg12[%dma_start3A_475, %dma_start3A_477] : memref<4x64xi32, #tpu.memory_space<vmem>> -> memref<1x64xi32, #tpu.memory_space<vmem>>
    %dma_start3A_479 = tpu.memref_squeeze %dma_start3A_478 : memref<1x64xi32, #tpu.memory_space<vmem>> -> memref<64xi32, #tpu.memory_space<vmem>>
    %dma_start3A_480 = tpu.memref_slice %arg3[%mul3A_458] : memref<320000xi32, #tpu.memory_space<hbm>> -> memref<64xi32, #tpu.memory_space<hbm>>
    %dma_start3A_481 = tpu.memref_slice %arg16[%dma_start3A_476] : memref<4x!tpu.dma_semaphore, #tpu.memory_space<semaphore_mem>> -> memref<1x!tpu.dma_semaphore, #tpu.memory_space<semaphore_mem>>
    %dma_start3A_482 = tpu.memref_squeeze %dma_start3A_481 : memref<1x!tpu.dma_semaphore, #tpu.memory_space<semaphore_mem>> -> memref<!tpu.dma_semaphore, #tpu.memory_space<semaphore_mem>>
    %dma_start3A_483 = arith.constant 0 : i32
    %dma_start3A_484 = tpu.memref_slice %arg12[%dma_start3A_475, %dma_start3A_483] : memref<4x64xi32, #tpu.memory_space<vmem>> -> memref<1x64xi32, #tpu.memory_space<vmem>>
    %dma_start3A_485 = tpu.memref_squeeze %dma_start3A_484 : memref<1x64xi32, #tpu.memory_space<vmem>> -> memref<64xi32, #tpu.memory_space<vmem>>
    %dma_start3A_486 = tpu.memref_slice %arg3[%mul3A_458] : memref<320000xi32, #tpu.memory_space<hbm>> -> memref<64xi32, #tpu.memory_space<hbm>>
    tpu.enqueue_dma source(%dma_start3A_486 : memref<64xi32, #tpu.memory_space<hbm>>) target(%dma_start3A_485 : memref<64xi32, #tpu.memory_space<vmem>>) target_semaphore(%dma_start3A_482 : memref<!tpu.dma_semaphore, #tpu.memory_space<semaphore_mem>>)
    %add3A_487 = arith.constant 2 : i32
    %add3A_488 = arith.addi %mul3A_422, %add3A_487 : i32
    %mul3A_489 = arith.constant 64 : i32
    %mul3A_490 = arith.muli %add3A_488, %mul3A_489 : i32
    %dma_start3A_491 = arith.constant 2 : i32
    %dma_start3A_492 = arith.constant 2 : i32
    %dma_start3A_493 = arith.constant 0 : i32
    %dma_start3A_494 = arith.constant 0 : i32
    %dma_start3A_495 = tpu.memref_slice %arg11[%dma_start3A_491, %dma_start3A_493, %dma_start3A_494] : memref<4x64x128xf32, #tpu.memory_space<vmem>> -> memref<1x64x128xf32, #tpu.memory_space<vmem>>
    %dma_start3A_496 = tpu.memref_squeeze %dma_start3A_495 : memref<1x64x128xf32, #tpu.memory_space<vmem>> -> memref<64x128xf32, #tpu.memory_space<vmem>>
    %dma_start3A_497 = arith.constant 0 : i32
    %dma_start3A_498 = tpu.memref_slice %arg2[%mul3A_490, %dma_start3A_497] : memref<320000x128xf32, #tpu.memory_space<hbm>> -> memref<64x128xf32, #tpu.memory_space<hbm>>
    %dma_start3A_499 = tpu.memref_slice %arg15[%dma_start3A_492] : memref<4x!tpu.dma_semaphore, #tpu.memory_space<semaphore_mem>> -> memref<1x!tpu.dma_semaphore, #tpu.memory_space<semaphore_mem>>
    %dma_start3A_500 = tpu.memref_squeeze %dma_start3A_499 : memref<1x!tpu.dma_semaphore, #tpu.memory_space<semaphore_mem>> -> memref<!tpu.dma_semaphore, #tpu.memory_space<semaphore_mem>>
    %dma_start3A_501 = arith.constant 0 : i32
    %dma_start3A_502 = arith.constant 0 : i32
    %dma_start3A_503 = tpu.memref_slice %arg11[%dma_start3A_491, %dma_start3A_501, %dma_start3A_502] : memref<4x64x128xf32, #tpu.memory_space<vmem>> -> memref<1x64x128xf32, #tpu.memory_space<vmem>>
    %dma_start3A_504 = tpu.memref_squeeze %dma_start3A_503 : memref<1x64x128xf32, #tpu.memory_space<vmem>> -> memref<64x128xf32, #tpu.memory_space<vmem>>
    %dma_start3A_505 = arith.constant 0 : i32
    %dma_start3A_506 = tpu.memref_slice %arg2[%mul3A_490, %dma_start3A_505] : memref<320000x128xf32, #tpu.memory_space<hbm>> -> memref<64x128xf32, #tpu.memory_space<hbm>>
    tpu.enqueue_dma source(%dma_start3A_506 : memref<64x128xf32, #tpu.memory_space<hbm>>) target(%dma_start3A_504 : memref<64x128xf32, #tpu.memory_space<vmem>>) target_semaphore(%dma_start3A_500 : memref<!tpu.dma_semaphore, #tpu.memory_space<semaphore_mem>>)
    %dma_start3A_507 = arith.constant 2 : i32
    %dma_start3A_508 = arith.constant 2 : i32
    %dma_start3A_509 = arith.constant 0 : i32
    %dma_start3A_510 = tpu.memref_slice %arg12[%dma_start3A_507, %dma_start3A_509] : memref<4x64xi32, #tpu.memory_space<vmem>> -> memref<1x64xi32, #tpu.memory_space<vmem>>
    %dma_start3A_511 = tpu.memref_squeeze %dma_start3A_510 : memref<1x64xi32, #tpu.memory_space<vmem>> -> memref<64xi32, #tpu.memory_space<vmem>>
    %dma_start3A_512 = tpu.memref_slice %arg3[%mul3A_490] : memref<320000xi32, #tpu.memory_space<hbm>> -> memref<64xi32, #tpu.memory_space<hbm>>
    %dma_start3A_513 = tpu.memref_slice %arg16[%dma_start3A_508] : memref<4x!tpu.dma_semaphore, #tpu.memory_space<semaphore_mem>> -> memref<1x!tpu.dma_semaphore, #tpu.memory_space<semaphore_mem>>
    %dma_start3A_514 = tpu.memref_squeeze %dma_start3A_513 : memref<1x!tpu.dma_semaphore, #tpu.memory_space<semaphore_mem>> -> memref<!tpu.dma_semaphore, #tpu.memory_space<semaphore_mem>>
    %dma_start3A_515 = arith.constant 0 : i32
    %dma_start3A_516 = tpu.memref_slice %arg12[%dma_start3A_507, %dma_start3A_515] : memref<4x64xi32, #tpu.memory_space<vmem>> -> memref<1x64xi32, #tpu.memory_space<vmem>>
    %dma_start3A_517 = tpu.memref_squeeze %dma_start3A_516 : memref<1x64xi32, #tpu.memory_space<vmem>> -> memref<64xi32, #tpu.memory_space<vmem>>
    %dma_start3A_518 = tpu.memref_slice %arg3[%mul3A_490] : memref<320000xi32, #tpu.memory_space<hbm>> -> memref<64xi32, #tpu.memory_space<hbm>>
    tpu.enqueue_dma source(%dma_start3A_518 : memref<64xi32, #tpu.memory_space<hbm>>) target(%dma_start3A_517 : memref<64xi32, #tpu.memory_space<vmem>>) target_semaphore(%dma_start3A_514 : memref<!tpu.dma_semaphore, #tpu.memory_space<semaphore_mem>>)
    %add3A_519 = arith.constant 3 : i32
    %add3A_520 = arith.addi %mul3A_422, %add3A_519 : i32
    %mul3A_521 = arith.constant 64 : i32
    %mul3A_522 = arith.muli %add3A_520, %mul3A_521 : i32
    %dma_start3A_523 = arith.constant 3 : i32
    %dma_start3A_524 = arith.constant 3 : i32
    %dma_start3A_525 = arith.constant 0 : i32
    %dma_start3A_526 = arith.constant 0 : i32
    %dma_start3A_527 = tpu.memref_slice %arg11[%dma_start3A_523, %dma_start3A_525, %dma_start3A_526] : memref<4x64x128xf32, #tpu.memory_space<vmem>> -> memref<1x64x128xf32, #tpu.memory_space<vmem>>
    %dma_start3A_528 = tpu.memref_squeeze %dma_start3A_527 : memref<1x64x128xf32, #tpu.memory_space<vmem>> -> memref<64x128xf32, #tpu.memory_space<vmem>>
    %dma_start3A_529 = arith.constant 0 : i32
    %dma_start3A_530 = tpu.memref_slice %arg2[%mul3A_522, %dma_start3A_529] : memref<320000x128xf32, #tpu.memory_space<hbm>> -> memref<64x128xf32, #tpu.memory_space<hbm>>
    %dma_start3A_531 = tpu.memref_slice %arg15[%dma_start3A_524] : memref<4x!tpu.dma_semaphore, #tpu.memory_space<semaphore_mem>> -> memref<1x!tpu.dma_semaphore, #tpu.memory_space<semaphore_mem>>
    %dma_start3A_532 = tpu.memref_squeeze %dma_start3A_531 : memref<1x!tpu.dma_semaphore, #tpu.memory_space<semaphore_mem>> -> memref<!tpu.dma_semaphore, #tpu.memory_space<semaphore_mem>>
    %dma_start3A_533 = arith.constant 0 : i32
    %dma_start3A_534 = arith.constant 0 : i32
    %dma_start3A_535 = tpu.memref_slice %arg11[%dma_start3A_523, %dma_start3A_533, %dma_start3A_534] : memref<4x64x128xf32, #tpu.memory_space<vmem>> -> memref<1x64x128xf32, #tpu.memory_space<vmem>>
    %dma_start3A_536 = tpu.memref_squeeze %dma_start3A_535 : memref<1x64x128xf32, #tpu.memory_space<vmem>> -> memref<64x128xf32, #tpu.memory_space<vmem>>
    %dma_start3A_537 = arith.constant 0 : i32
    %dma_start3A_538 = tpu.memref_slice %arg2[%mul3A_522, %dma_start3A_537] : memref<320000x128xf32, #tpu.memory_space<hbm>> -> memref<64x128xf32, #tpu.memory_space<hbm>>
    tpu.enqueue_dma source(%dma_start3A_538 : memref<64x128xf32, #tpu.memory_space<hbm>>) target(%dma_start3A_536 : memref<64x128xf32, #tpu.memory_space<vmem>>) target_semaphore(%dma_start3A_532 : memref<!tpu.dma_semaphore, #tpu.memory_space<semaphore_mem>>)
    %dma_start3A_539 = arith.constant 3 : i32
    %dma_start3A_540 = arith.constant 3 : i32
    %dma_start3A_541 = arith.constant 0 : i32
    %dma_start3A_542 = tpu.memref_slice %arg12[%dma_start3A_539, %dma_start3A_541] : memref<4x64xi32, #tpu.memory_space<vmem>> -> memref<1x64xi32, #tpu.memory_space<vmem>>
    %dma_start3A_543 = tpu.memref_squeeze %dma_start3A_542 : memref<1x64xi32, #tpu.memory_space<vmem>> -> memref<64xi32, #tpu.memory_space<vmem>>
    %dma_start3A_544 = tpu.memref_slice %arg3[%mul3A_522] : memref<320000xi32, #tpu.memory_space<hbm>> -> memref<64xi32, #tpu.memory_space<hbm>>
    %dma_start3A_545 = tpu.memref_slice %arg16[%dma_start3A_540] : memref<4x!tpu.dma_semaphore, #tpu.memory_space<semaphore_mem>> -> memref<1x!tpu.dma_semaphore, #tpu.memory_space<semaphore_mem>>
    %dma_start3A_546 = tpu.memref_squeeze %dma_start3A_545 : memref<1x!tpu.dma_semaphore, #tpu.memory_space<semaphore_mem>> -> memref<!tpu.dma_semaphore, #tpu.memory_space<semaphore_mem>>
    %dma_start3A_547 = arith.constant 0 : i32
    %dma_start3A_548 = tpu.memref_slice %arg12[%dma_start3A_539, %dma_start3A_547] : memref<4x64xi32, #tpu.memory_space<vmem>> -> memref<1x64xi32, #tpu.memory_space<vmem>>
    %dma_start3A_549 = tpu.memref_squeeze %dma_start3A_548 : memref<1x64xi32, #tpu.memory_space<vmem>> -> memref<64xi32, #tpu.memory_space<vmem>>
    %dma_start3A_550 = tpu.memref_slice %arg3[%mul3A_522] : memref<320000xi32, #tpu.memory_space<hbm>> -> memref<64xi32, #tpu.memory_space<hbm>>
    tpu.enqueue_dma source(%dma_start3A_550 : memref<64xi32, #tpu.memory_space<hbm>>) target(%dma_start3A_549 : memref<64xi32, #tpu.memory_space<vmem>>) target_semaphore(%dma_start3A_546 : memref<!tpu.dma_semaphore, #tpu.memory_space<semaphore_mem>>)
    %barrier3A = arith.constant 0 : index
    tpu.barrier barrier_id(%barrier3A)
    %scan3A = arith.constant 0 : i32
    %scan3A_551 = arith.constant 0 : i32
    %scan3A_552 = arith.constant 39 : i32
    %scan3A_553 = arith.addi %scan3A_551, %scan3A_552 : i32
    %scan3A_554 = arith.constant 1 : i32
    scf.for %scan3A_1047 = %scan3A_551 to %scan3A_553 step %scan3A_554  : i32 {
      %mul3A_1048 = arith.constant 4 : i32
      %mul3A_1049 = arith.muli %mul3A_1048, %scan3A_1047 : i32
      %add3A_1050 = arith.constant 0 : i32
      %add3A_1051 = arith.addi %mul3A_1049, %add3A_1050 : i32
      %dma_wait3A_1052 = arith.constant 0 : i32
      %dma_wait3A_1053 = arith.constant 0 : i32
      %dma_wait3A_1054 = arith.constant 0 : i32
      %dma_wait3A_1055 = arith.constant 0 : i32
      %dma_wait3A_1056 = tpu.memref_slice %arg11[%dma_wait3A_1052, %dma_wait3A_1054, %dma_wait3A_1055] : memref<4x64x128xf32, #tpu.memory_space<vmem>> -> memref<1x64x128xf32, #tpu.memory_space<vmem>>
      %dma_wait3A_1057 = tpu.memref_squeeze %dma_wait3A_1056 : memref<1x64x128xf32, #tpu.memory_space<vmem>> -> memref<64x128xf32, #tpu.memory_space<vmem>>
      %dma_wait3A_1058 = arith.constant 0 : i32
      %dma_wait3A_1059 = arith.constant 0 : i32
      %dma_wait3A_1060 = tpu.memref_slice %arg2[%dma_wait3A_1058, %dma_wait3A_1059] : memref<320000x128xf32, #tpu.memory_space<hbm>> -> memref<64x128xf32, #tpu.memory_space<hbm>>
      %dma_wait3A_1061 = tpu.memref_slice %arg15[%dma_wait3A_1053] : memref<4x!tpu.dma_semaphore, #tpu.memory_space<semaphore_mem>> -> memref<1x!tpu.dma_semaphore, #tpu.memory_space<semaphore_mem>>
      %dma_wait3A_1062 = tpu.memref_squeeze %dma_wait3A_1061 : memref<1x!tpu.dma_semaphore, #tpu.memory_space<semaphore_mem>> -> memref<!tpu.dma_semaphore, #tpu.memory_space<semaphore_mem>>
      %dma_wait3A_1063 = arith.constant 0 : i32
      %dma_wait3A_1064 = arith.constant 0 : i32
      %dma_wait3A_1065 = tpu.memref_slice %arg11[%dma_wait3A_1052, %dma_wait3A_1063, %dma_wait3A_1064] : memref<4x64x128xf32, #tpu.memory_space<vmem>> -> memref<1x64x128xf32, #tpu.memory_space<vmem>>
      %dma_wait3A_1066 = tpu.memref_squeeze %dma_wait3A_1065 : memref<1x64x128xf32, #tpu.memory_space<vmem>> -> memref<64x128xf32, #tpu.memory_space<vmem>>
      %dma_wait3A_1067 = arith.constant 0 : i32
      %dma_wait3A_1068 = arith.constant 0 : i32
      %dma_wait3A_1069 = tpu.memref_slice %arg2[%dma_wait3A_1067, %dma_wait3A_1068] : memref<320000x128xf32, #tpu.memory_space<hbm>> -> memref<64x128xf32, #tpu.memory_space<hbm>>
      tpu.wait_dma2 semaphore(%dma_wait3A_1062 : memref<!tpu.dma_semaphore, #tpu.memory_space<semaphore_mem>>) src(%dma_wait3A_1069 : memref<64x128xf32, #tpu.memory_space<hbm>>) dst(%dma_wait3A_1066 : memref<64x128xf32, #tpu.memory_space<vmem>>)
      %dma_wait3A_1070 = arith.constant 0 : i32
      %dma_wait3A_1071 = arith.constant 0 : i32
      %dma_wait3A_1072 = arith.constant 0 : i32
      %dma_wait3A_1073 = tpu.memref_slice %arg12[%dma_wait3A_1070, %dma_wait3A_1072] : memref<4x64xi32, #tpu.memory_space<vmem>> -> memref<1x64xi32, #tpu.memory_space<vmem>>
      %dma_wait3A_1074 = tpu.memref_squeeze %dma_wait3A_1073 : memref<1x64xi32, #tpu.memory_space<vmem>> -> memref<64xi32, #tpu.memory_space<vmem>>
      %dma_wait3A_1075 = arith.constant 0 : i32
      %dma_wait3A_1076 = tpu.memref_slice %arg3[%dma_wait3A_1075] : memref<320000xi32, #tpu.memory_space<hbm>> -> memref<64xi32, #tpu.memory_space<hbm>>
      %dma_wait3A_1077 = tpu.memref_slice %arg16[%dma_wait3A_1071] : memref<4x!tpu.dma_semaphore, #tpu.memory_space<semaphore_mem>> -> memref<1x!tpu.dma_semaphore, #tpu.memory_space<semaphore_mem>>
      %dma_wait3A_1078 = tpu.memref_squeeze %dma_wait3A_1077 : memref<1x!tpu.dma_semaphore, #tpu.memory_space<semaphore_mem>> -> memref<!tpu.dma_semaphore, #tpu.memory_space<semaphore_mem>>
      %dma_wait3A_1079 = arith.constant 0 : i32
      %dma_wait3A_1080 = tpu.memref_slice %arg12[%dma_wait3A_1070, %dma_wait3A_1079] : memref<4x64xi32, #tpu.memory_space<vmem>> -> memref<1x64xi32, #tpu.memory_space<vmem>>
      %dma_wait3A_1081 = tpu.memref_squeeze %dma_wait3A_1080 : memref<1x64xi32, #tpu.memory_space<vmem>> -> memref<64xi32, #tpu.memory_space<vmem>>
      %dma_wait3A_1082 = arith.constant 0 : i32
      %dma_wait3A_1083 = tpu.memref_slice %arg3[%dma_wait3A_1082] : memref<320000xi32, #tpu.memory_space<hbm>> -> memref<64xi32, #tpu.memory_space<hbm>>
      tpu.wait_dma2 semaphore(%dma_wait3A_1078 : memref<!tpu.dma_semaphore, #tpu.memory_space<semaphore_mem>>) src(%dma_wait3A_1083 : memref<64xi32, #tpu.memory_space<hbm>>) dst(%dma_wait3A_1081 : memref<64xi32, #tpu.memory_space<vmem>>)
      %dma_start3A_1084 = arith.constant 0 : i32
      %dma_start3A_1085 = arith.constant 0 : i32
      %dma_start3A_1086 = arith.constant 0 : i32
      %dma_start3A_1087 = tpu.memref_slice %arg12[%dma_start3A_1084, %dma_start3A_1086] : memref<4x64xi32, #tpu.memory_space<vmem>> -> memref<1x64xi32, #tpu.memory_space<vmem>>
      %dma_start3A_1088 = tpu.memref_squeeze %dma_start3A_1087 : memref<1x64xi32, #tpu.memory_space<vmem>> -> memref<64xi32, #tpu.memory_space<vmem>>
      %dma_start3A_1089 = arith.constant 0 : i32
      %dma_start3A_1090 = arith.constant 0 : i32
      %dma_start3A_1091 = tpu.memref_slice %arg10[%dma_start3A_1089, %dma_start3A_1090] : memref<10240x8xf32, #tpu.memory_space<vmem_shared>> -> memref<10240x8xf32, #tpu.memory_space<vmem_shared>>
      %dma_start3A_1092 = tpu.memref_slice %arg17[%dma_start3A_1085] : memref<4x!tpu.dma_semaphore, #tpu.memory_space<semaphore_mem>> -> memref<1x!tpu.dma_semaphore, #tpu.memory_space<semaphore_mem>>
      %dma_start3A_1093 = tpu.memref_squeeze %dma_start3A_1092 : memref<1x!tpu.dma_semaphore, #tpu.memory_space<semaphore_mem>> -> memref<!tpu.dma_semaphore, #tpu.memory_space<semaphore_mem>>
      tpu.enqueue_indirect_dma source(%arg13 : memref<64x8xf32, #tpu.memory_space<vmem>>) target(%dma_start3A_1091 : memref<10240x8xf32, #tpu.memory_space<vmem_shared>>) offsets(%dma_start3A_1088 : memref<64xi32, #tpu.memory_space<vmem>>) semaphore(%dma_start3A_1093 : memref<!tpu.dma_semaphore, #tpu.memory_space<semaphore_mem>>) {add = true}
      %run_scoped3A_1094 = arith.constant 0 : i32
      %run_scoped3A_1095 = arith.constant 0 : i32
      "tpu.region"() ({
        %run_scoped3A_1412 = tpu.sem_alloc : memref<!tpu.dma_semaphore, #tpu.memory_space<semaphore_mem>>
        %dma_start3A_1413 = arith.constant 0 : i32
        %dma_start3A_1414 = arith.constant 0 : i32
        %dma_start3A_1415 = tpu.memref_slice %arg11[%run_scoped3A_1094, %dma_start3A_1413, %dma_start3A_1414] : memref<4x64x128xf32, #tpu.memory_space<vmem>> -> memref<1x64x128xf32, #tpu.memory_space<vmem>>
        %dma_start3A_1416 = tpu.memref_squeeze %dma_start3A_1415 : memref<1x64x128xf32, #tpu.memory_space<vmem>> -> memref<64x128xf32, #tpu.memory_space<vmem>>
        %dma_start3A_1417 = arith.constant 0 : i32
        %dma_start3A_1418 = tpu.memref_slice %arg12[%run_scoped3A_1095, %dma_start3A_1417] : memref<4x64xi32, #tpu.memory_space<vmem>> -> memref<1x64xi32, #tpu.memory_space<vmem>>
        %dma_start3A_1419 = tpu.memref_squeeze %dma_start3A_1418 : memref<1x64xi32, #tpu.memory_space<vmem>> -> memref<64xi32, #tpu.memory_space<vmem>>
        %dma_start3A_1420 = arith.constant 0 : i32
        %dma_start3A_1421 = arith.constant 0 : i32
        %dma_start3A_1422 = tpu.memref_slice %arg9[%dma_start3A_1420, %dma_start3A_1421] : memref<10240x128xf32, #tpu.memory_space<vmem_shared>> -> memref<10240x128xf32, #tpu.memory_space<vmem_shared>>
        tpu.enqueue_indirect_dma source(%dma_start3A_1416 : memref<64x128xf32, #tpu.memory_space<vmem>>) target(%dma_start3A_1422 : memref<10240x128xf32, #tpu.memory_space<vmem_shared>>) offsets(%dma_start3A_1419 : memref<64xi32, #tpu.memory_space<vmem>>) semaphore(%run_scoped3A_1412 : memref<!tpu.dma_semaphore, #tpu.memory_space<semaphore_mem>>) {add = true}
        %dma_wait3A_1423 = arith.constant 0 : i32
        %dma_wait3A_1424 = arith.constant 0 : i32
        %dma_wait3A_1425 = tpu.memref_slice %arg11[%run_scoped3A_1094, %dma_wait3A_1423, %dma_wait3A_1424] : memref<4x64x128xf32, #tpu.memory_space<vmem>> -> memref<1x64x128xf32, #tpu.memory_space<vmem>>
        %dma_wait3A_1426 = tpu.memref_squeeze %dma_wait3A_1425 : memref<1x64x128xf32, #tpu.memory_space<vmem>> -> memref<64x128xf32, #tpu.memory_space<vmem>>
        %dma_wait3A_1427 = arith.constant 0 : i32
        %dma_wait3A_1428 = tpu.memref_slice %arg12[%run_scoped3A_1095, %dma_wait3A_1427] : memref<4x64xi32, #tpu.memory_space<vmem>> -> memref<1x64xi32, #tpu.memory_space<vmem>>
        %dma_wait3A_1429 = tpu.memref_squeeze %dma_wait3A_1428 : memref<1x64xi32, #tpu.memory_space<vmem>> -> memref<64xi32, #tpu.memory_space<vmem>>
        %dma_wait3A_1430 = arith.constant 0 : i32
        %dma_wait3A_1431 = arith.constant 0 : i32
        %dma_wait3A_1432 = tpu.memref_slice %arg9[%dma_wait3A_1430, %dma_wait3A_1431] : memref<10240x128xf32, #tpu.memory_space<vmem_shared>> -> memref<10240x128xf32, #tpu.memory_space<vmem_shared>>
        tpu.wait_indirect_dma semaphore(%run_scoped3A_1412 : memref<!tpu.dma_semaphore, #tpu.memory_space<semaphore_mem>>) src(%dma_wait3A_1426 : memref<64x128xf32, #tpu.memory_space<vmem>>) dst(%dma_wait3A_1432 : memref<10240x128xf32, #tpu.memory_space<vmem_shared>>)
        tpu.yield
      }) : () -> ()
      %dma_wait3A_1096 = arith.constant 0 : i32
      %dma_wait3A_1097 = arith.constant 0 : i32
      %dma_wait3A_1098 = arith.constant 0 : i32
      %dma_wait3A_1099 = tpu.memref_slice %arg12[%dma_wait3A_1096, %dma_wait3A_1098] : memref<4x64xi32, #tpu.memory_space<vmem>> -> memref<1x64xi32, #tpu.memory_space<vmem>>
      %dma_wait3A_1100 = tpu.memref_squeeze %dma_wait3A_1099 : memref<1x64xi32, #tpu.memory_space<vmem>> -> memref<64xi32, #tpu.memory_space<vmem>>
      %dma_wait3A_1101 = arith.constant 0 : i32
      %dma_wait3A_1102 = arith.constant 0 : i32
      %dma_wait3A_1103 = tpu.memref_slice %arg10[%dma_wait3A_1101, %dma_wait3A_1102] : memref<10240x8xf32, #tpu.memory_space<vmem_shared>> -> memref<10240x8xf32, #tpu.memory_space<vmem_shared>>
      %dma_wait3A_1104 = tpu.memref_slice %arg17[%dma_wait3A_1097] : memref<4x!tpu.dma_semaphore, #tpu.memory_space<semaphore_mem>> -> memref<1x!tpu.dma_semaphore, #tpu.memory_space<semaphore_mem>>
      %dma_wait3A_1105 = tpu.memref_squeeze %dma_wait3A_1104 : memref<1x!tpu.dma_semaphore, #tpu.memory_space<semaphore_mem>> -> memref<!tpu.dma_semaphore, #tpu.memory_space<semaphore_mem>>
      tpu.wait_indirect_dma semaphore(%dma_wait3A_1105 : memref<!tpu.dma_semaphore, #tpu.memory_space<semaphore_mem>>) src(%arg13 : memref<64x8xf32, #tpu.memory_space<vmem>>) dst(%dma_wait3A_1103 : memref<10240x8xf32, #tpu.memory_space<vmem_shared>>)
      %add3A_1106 = arith.addi %mul3A_422, %add3A_1051 : i32
      %add3A_1107 = arith.constant 4 : i32
      %add3A_1108 = arith.addi %add3A_1106, %add3A_1107 : i32
      %mul3A_1109 = arith.constant 64 : i32
      %mul3A_1110 = arith.muli %add3A_1108, %mul3A_1109 : i32
      %dma_start3A_1111 = arith.constant 0 : i32
      %dma_start3A_1112 = arith.constant 0 : i32
      %dma_start3A_1113 = arith.constant 0 : i32
      %dma_start3A_1114 = arith.constant 0 : i32
      %dma_start3A_1115 = tpu.memref_slice %arg11[%dma_start3A_1111, %dma_start3A_1113, %dma_start3A_1114] : memref<4x64x128xf32, #tpu.memory_space<vmem>> -> memref<1x64x128xf32, #tpu.memory_space<vmem>>
      %dma_start3A_1116 = tpu.memref_squeeze %dma_start3A_1115 : memref<1x64x128xf32, #tpu.memory_space<vmem>> -> memref<64x128xf32, #tpu.memory_space<vmem>>
      %dma_start3A_1117 = arith.constant 0 : i32
      %dma_start3A_1118 = tpu.memref_slice %arg2[%mul3A_1110, %dma_start3A_1117] : memref<320000x128xf32, #tpu.memory_space<hbm>> -> memref<64x128xf32, #tpu.memory_space<hbm>>
      %dma_start3A_1119 = tpu.memref_slice %arg15[%dma_start3A_1112] : memref<4x!tpu.dma_semaphore, #tpu.memory_space<semaphore_mem>> -> memref<1x!tpu.dma_semaphore, #tpu.memory_space<semaphore_mem>>
      %dma_start3A_1120 = tpu.memref_squeeze %dma_start3A_1119 : memref<1x!tpu.dma_semaphore, #tpu.memory_space<semaphore_mem>> -> memref<!tpu.dma_semaphore, #tpu.memory_space<semaphore_mem>>
      %dma_start3A_1121 = arith.constant 0 : i32
      %dma_start3A_1122 = arith.constant 0 : i32
      %dma_start3A_1123 = tpu.memref_slice %arg11[%dma_start3A_1111, %dma_start3A_1121, %dma_start3A_1122] : memref<4x64x128xf32, #tpu.memory_space<vmem>> -> memref<1x64x128xf32, #tpu.memory_space<vmem>>
      %dma_start3A_1124 = tpu.memref_squeeze %dma_start3A_1123 : memref<1x64x128xf32, #tpu.memory_space<vmem>> -> memref<64x128xf32, #tpu.memory_space<vmem>>
      %dma_start3A_1125 = arith.constant 0 : i32
      %dma_start3A_1126 = tpu.memref_slice %arg2[%mul3A_1110, %dma_start3A_1125] : memref<320000x128xf32, #tpu.memory_space<hbm>> -> memref<64x128xf32, #tpu.memory_space<hbm>>
      tpu.enqueue_dma source(%dma_start3A_1126 : memref<64x128xf32, #tpu.memory_space<hbm>>) target(%dma_start3A_1124 : memref<64x128xf32, #tpu.memory_space<vmem>>) target_semaphore(%dma_start3A_1120 : memref<!tpu.dma_semaphore, #tpu.memory_space<semaphore_mem>>)
      %dma_start3A_1127 = arith.constant 0 : i32
      %dma_start3A_1128 = arith.constant 0 : i32
      %dma_start3A_1129 = arith.constant 0 : i32
      %dma_start3A_1130 = tpu.memref_slice %arg12[%dma_start3A_1127, %dma_start3A_1129] : memref<4x64xi32, #tpu.memory_space<vmem>> -> memref<1x64xi32, #tpu.memory_space<vmem>>
      %dma_start3A_1131 = tpu.memref_squeeze %dma_start3A_1130 : memref<1x64xi32, #tpu.memory_space<vmem>> -> memref<64xi32, #tpu.memory_space<vmem>>
      %dma_start3A_1132 = tpu.memref_slice %arg3[%mul3A_1110] : memref<320000xi32, #tpu.memory_space<hbm>> -> memref<64xi32, #tpu.memory_space<hbm>>
      %dma_start3A_1133 = tpu.memref_slice %arg16[%dma_start3A_1128] : memref<4x!tpu.dma_semaphore, #tpu.memory_space<semaphore_mem>> -> memref<1x!tpu.dma_semaphore, #tpu.memory_space<semaphore_mem>>
      %dma_start3A_1134 = tpu.memref_squeeze %dma_start3A_1133 : memref<1x!tpu.dma_semaphore, #tpu.memory_space<semaphore_mem>> -> memref<!tpu.dma_semaphore, #tpu.memory_space<semaphore_mem>>
      %dma_start3A_1135 = arith.constant 0 : i32
      %dma_start3A_1136 = tpu.memref_slice %arg12[%dma_start3A_1127, %dma_start3A_1135] : memref<4x64xi32, #tpu.memory_space<vmem>> -> memref<1x64xi32, #tpu.memory_space<vmem>>
      %dma_start3A_1137 = tpu.memref_squeeze %dma_start3A_1136 : memref<1x64xi32, #tpu.memory_space<vmem>> -> memref<64xi32, #tpu.memory_space<vmem>>
      %dma_start3A_1138 = tpu.memref_slice %arg3[%mul3A_1110] : memref<320000xi32, #tpu.memory_space<hbm>> -> memref<64xi32, #tpu.memory_space<hbm>>
      tpu.enqueue_dma source(%dma_start3A_1138 : memref<64xi32, #tpu.memory_space<hbm>>) target(%dma_start3A_1137 : memref<64xi32, #tpu.memory_space<vmem>>) target_semaphore(%dma_start3A_1134 : memref<!tpu.dma_semaphore, #tpu.memory_space<semaphore_mem>>)
      %mul3A_1139 = arith.constant 4 : i32
      %mul3A_1140 = arith.muli %mul3A_1139, %scan3A_1047 : i32
      %add3A_1141 = arith.constant 1 : i32
      %add3A_1142 = arith.addi %mul3A_1140, %add3A_1141 : i32
      %dma_wait3A_1143 = arith.constant 1 : i32
      %dma_wait3A_1144 = arith.constant 1 : i32
      %dma_wait3A_1145 = arith.constant 0 : i32
      %dma_wait3A_1146 = arith.constant 0 : i32
      %dma_wait3A_1147 = tpu.memref_slice %arg11[%dma_wait3A_1143, %dma_wait3A_1145, %dma_wait3A_1146] : memref<4x64x128xf32, #tpu.memory_space<vmem>> -> memref<1x64x128xf32, #tpu.memory_space<vmem>>
      %dma_wait3A_1148 = tpu.memref_squeeze %dma_wait3A_1147 : memref<1x64x128xf32, #tpu.memory_space<vmem>> -> memref<64x128xf32, #tpu.memory_space<vmem>>
      %dma_wait3A_1149 = arith.constant 0 : i32
      %dma_wait3A_1150 = arith.constant 0 : i32
      %dma_wait3A_1151 = tpu.memref_slice %arg2[%dma_wait3A_1149, %dma_wait3A_1150] : memref<320000x128xf32, #tpu.memory_space<hbm>> -> memref<64x128xf32, #tpu.memory_space<hbm>>
      %dma_wait3A_1152 = tpu.memref_slice %arg15[%dma_wait3A_1144] : memref<4x!tpu.dma_semaphore, #tpu.memory_space<semaphore_mem>> -> memref<1x!tpu.dma_semaphore, #tpu.memory_space<semaphore_mem>>
      %dma_wait3A_1153 = tpu.memref_squeeze %dma_wait3A_1152 : memref<1x!tpu.dma_semaphore, #tpu.memory_space<semaphore_mem>> -> memref<!tpu.dma_semaphore, #tpu.memory_space<semaphore_mem>>
      %dma_wait3A_1154 = arith.constant 0 : i32
      %dma_wait3A_1155 = arith.constant 0 : i32
      %dma_wait3A_1156 = tpu.memref_slice %arg11[%dma_wait3A_1143, %dma_wait3A_1154, %dma_wait3A_1155] : memref<4x64x128xf32, #tpu.memory_space<vmem>> -> memref<1x64x128xf32, #tpu.memory_space<vmem>>
      %dma_wait3A_1157 = tpu.memref_squeeze %dma_wait3A_1156 : memref<1x64x128xf32, #tpu.memory_space<vmem>> -> memref<64x128xf32, #tpu.memory_space<vmem>>
      %dma_wait3A_1158 = arith.constant 0 : i32
      %dma_wait3A_1159 = arith.constant 0 : i32
      %dma_wait3A_1160 = tpu.memref_slice %arg2[%dma_wait3A_1158, %dma_wait3A_1159] : memref<320000x128xf32, #tpu.memory_space<hbm>> -> memref<64x128xf32, #tpu.memory_space<hbm>>
      tpu.wait_dma2 semaphore(%dma_wait3A_1153 : memref<!tpu.dma_semaphore, #tpu.memory_space<semaphore_mem>>) src(%dma_wait3A_1160 : memref<64x128xf32, #tpu.memory_space<hbm>>) dst(%dma_wait3A_1157 : memref<64x128xf32, #tpu.memory_space<vmem>>)
      %dma_wait3A_1161 = arith.constant 1 : i32
      %dma_wait3A_1162 = arith.constant 1 : i32
      %dma_wait3A_1163 = arith.constant 0 : i32
      %dma_wait3A_1164 = tpu.memref_slice %arg12[%dma_wait3A_1161, %dma_wait3A_1163] : memref<4x64xi32, #tpu.memory_space<vmem>> -> memref<1x64xi32, #tpu.memory_space<vmem>>
      %dma_wait3A_1165 = tpu.memref_squeeze %dma_wait3A_1164 : memref<1x64xi32, #tpu.memory_space<vmem>> -> memref<64xi32, #tpu.memory_space<vmem>>
      %dma_wait3A_1166 = arith.constant 0 : i32
      %dma_wait3A_1167 = tpu.memref_slice %arg3[%dma_wait3A_1166] : memref<320000xi32, #tpu.memory_space<hbm>> -> memref<64xi32, #tpu.memory_space<hbm>>
      %dma_wait3A_1168 = tpu.memref_slice %arg16[%dma_wait3A_1162] : memref<4x!tpu.dma_semaphore, #tpu.memory_space<semaphore_mem>> -> memref<1x!tpu.dma_semaphore, #tpu.memory_space<semaphore_mem>>
      %dma_wait3A_1169 = tpu.memref_squeeze %dma_wait3A_1168 : memref<1x!tpu.dma_semaphore, #tpu.memory_space<semaphore_mem>> -> memref<!tpu.dma_semaphore, #tpu.memory_space<semaphore_mem>>
      %dma_wait3A_1170 = arith.constant 0 : i32
      %dma_wait3A_1171 = tpu.memref_slice %arg12[%dma_wait3A_1161, %dma_wait3A_1170] : memref<4x64xi32, #tpu.memory_space<vmem>> -> memref<1x64xi32, #tpu.memory_space<vmem>>
      %dma_wait3A_1172 = tpu.memref_squeeze %dma_wait3A_1171 : memref<1x64xi32, #tpu.memory_space<vmem>> -> memref<64xi32, #tpu.memory_space<vmem>>
      %dma_wait3A_1173 = arith.constant 0 : i32
      %dma_wait3A_1174 = tpu.memref_slice %arg3[%dma_wait3A_1173] : memref<320000xi32, #tpu.memory_space<hbm>> -> memref<64xi32, #tpu.memory_space<hbm>>
      tpu.wait_dma2 semaphore(%dma_wait3A_1169 : memref<!tpu.dma_semaphore, #tpu.memory_space<semaphore_mem>>) src(%dma_wait3A_1174 : memref<64xi32, #tpu.memory_space<hbm>>) dst(%dma_wait3A_1172 : memref<64xi32, #tpu.memory_space<vmem>>)
      %dma_start3A_1175 = arith.constant 1 : i32
      %dma_start3A_1176 = arith.constant 1 : i32
      %dma_start3A_1177 = arith.constant 0 : i32
      %dma_start3A_1178 = tpu.memref_slice %arg12[%dma_start3A_1175, %dma_start3A_1177] : memref<4x64xi32, #tpu.memory_space<vmem>> -> memref<1x64xi32, #tpu.memory_space<vmem>>
      %dma_start3A_1179 = tpu.memref_squeeze %dma_start3A_1178 : memref<1x64xi32, #tpu.memory_space<vmem>> -> memref<64xi32, #tpu.memory_space<vmem>>
      %dma_start3A_1180 = arith.constant 0 : i32
      %dma_start3A_1181 = arith.constant 0 : i32
      %dma_start3A_1182 = tpu.memref_slice %arg10[%dma_start3A_1180, %dma_start3A_1181] : memref<10240x8xf32, #tpu.memory_space<vmem_shared>> -> memref<10240x8xf32, #tpu.memory_space<vmem_shared>>
      %dma_start3A_1183 = tpu.memref_slice %arg17[%dma_start3A_1176] : memref<4x!tpu.dma_semaphore, #tpu.memory_space<semaphore_mem>> -> memref<1x!tpu.dma_semaphore, #tpu.memory_space<semaphore_mem>>
      %dma_start3A_1184 = tpu.memref_squeeze %dma_start3A_1183 : memref<1x!tpu.dma_semaphore, #tpu.memory_space<semaphore_mem>> -> memref<!tpu.dma_semaphore, #tpu.memory_space<semaphore_mem>>
      tpu.enqueue_indirect_dma source(%arg13 : memref<64x8xf32, #tpu.memory_space<vmem>>) target(%dma_start3A_1182 : memref<10240x8xf32, #tpu.memory_space<vmem_shared>>) offsets(%dma_start3A_1179 : memref<64xi32, #tpu.memory_space<vmem>>) semaphore(%dma_start3A_1184 : memref<!tpu.dma_semaphore, #tpu.memory_space<semaphore_mem>>) {add = true}
      %run_scoped3A_1185 = arith.constant 1 : i32
      %run_scoped3A_1186 = arith.constant 1 : i32
      "tpu.region"() ({
        %run_scoped3A_1412 = tpu.sem_alloc : memref<!tpu.dma_semaphore, #tpu.memory_space<semaphore_mem>>
        %dma_start3A_1413 = arith.constant 0 : i32
        %dma_start3A_1414 = arith.constant 0 : i32
        %dma_start3A_1415 = tpu.memref_slice %arg11[%run_scoped3A_1185, %dma_start3A_1413, %dma_start3A_1414] : memref<4x64x128xf32, #tpu.memory_space<vmem>> -> memref<1x64x128xf32, #tpu.memory_space<vmem>>
        %dma_start3A_1416 = tpu.memref_squeeze %dma_start3A_1415 : memref<1x64x128xf32, #tpu.memory_space<vmem>> -> memref<64x128xf32, #tpu.memory_space<vmem>>
        %dma_start3A_1417 = arith.constant 0 : i32
        %dma_start3A_1418 = tpu.memref_slice %arg12[%run_scoped3A_1186, %dma_start3A_1417] : memref<4x64xi32, #tpu.memory_space<vmem>> -> memref<1x64xi32, #tpu.memory_space<vmem>>
        %dma_start3A_1419 = tpu.memref_squeeze %dma_start3A_1418 : memref<1x64xi32, #tpu.memory_space<vmem>> -> memref<64xi32, #tpu.memory_space<vmem>>
        %dma_start3A_1420 = arith.constant 0 : i32
        %dma_start3A_1421 = arith.constant 0 : i32
        %dma_start3A_1422 = tpu.memref_slice %arg9[%dma_start3A_1420, %dma_start3A_1421] : memref<10240x128xf32, #tpu.memory_space<vmem_shared>> -> memref<10240x128xf32, #tpu.memory_space<vmem_shared>>
        tpu.enqueue_indirect_dma source(%dma_start3A_1416 : memref<64x128xf32, #tpu.memory_space<vmem>>) target(%dma_start3A_1422 : memref<10240x128xf32, #tpu.memory_space<vmem_shared>>) offsets(%dma_start3A_1419 : memref<64xi32, #tpu.memory_space<vmem>>) semaphore(%run_scoped3A_1412 : memref<!tpu.dma_semaphore, #tpu.memory_space<semaphore_mem>>) {add = true}
        %dma_wait3A_1423 = arith.constant 0 : i32
        %dma_wait3A_1424 = arith.constant 0 : i32
        %dma_wait3A_1425 = tpu.memref_slice %arg11[%run_scoped3A_1185, %dma_wait3A_1423, %dma_wait3A_1424] : memref<4x64x128xf32, #tpu.memory_space<vmem>> -> memref<1x64x128xf32, #tpu.memory_space<vmem>>
        %dma_wait3A_1426 = tpu.memref_squeeze %dma_wait3A_1425 : memref<1x64x128xf32, #tpu.memory_space<vmem>> -> memref<64x128xf32, #tpu.memory_space<vmem>>
        %dma_wait3A_1427 = arith.constant 0 : i32
        %dma_wait3A_1428 = tpu.memref_slice %arg12[%run_scoped3A_1186, %dma_wait3A_1427] : memref<4x64xi32, #tpu.memory_space<vmem>> -> memref<1x64xi32, #tpu.memory_space<vmem>>
        %dma_wait3A_1429 = tpu.memref_squeeze %dma_wait3A_1428 : memref<1x64xi32, #tpu.memory_space<vmem>> -> memref<64xi32, #tpu.memory_space<vmem>>
        %dma_wait3A_1430 = arith.constant 0 : i32
        %dma_wait3A_1431 = arith.constant 0 : i32
        %dma_wait3A_1432 = tpu.memref_slice %arg9[%dma_wait3A_1430, %dma_wait3A_1431] : memref<10240x128xf32, #tpu.memory_space<vmem_shared>> -> memref<10240x128xf32, #tpu.memory_space<vmem_shared>>
        tpu.wait_indirect_dma semaphore(%run_scoped3A_1412 : memref<!tpu.dma_semaphore, #tpu.memory_space<semaphore_mem>>) src(%dma_wait3A_1426 : memref<64x128xf32, #tpu.memory_space<vmem>>) dst(%dma_wait3A_1432 : memref<10240x128xf32, #tpu.memory_space<vmem_shared>>)
        tpu.yield
      }) : () -> ()
      %dma_wait3A_1187 = arith.constant 1 : i32
      %dma_wait3A_1188 = arith.constant 1 : i32
      %dma_wait3A_1189 = arith.constant 0 : i32
      %dma_wait3A_1190 = tpu.memref_slice %arg12[%dma_wait3A_1187, %dma_wait3A_1189] : memref<4x64xi32, #tpu.memory_space<vmem>> -> memref<1x64xi32, #tpu.memory_space<vmem>>
      %dma_wait3A_1191 = tpu.memref_squeeze %dma_wait3A_1190 : memref<1x64xi32, #tpu.memory_space<vmem>> -> memref<64xi32, #tpu.memory_space<vmem>>
      %dma_wait3A_1192 = arith.constant 0 : i32
      %dma_wait3A_1193 = arith.constant 0 : i32
      %dma_wait3A_1194 = tpu.memref_slice %arg10[%dma_wait3A_1192, %dma_wait3A_1193] : memref<10240x8xf32, #tpu.memory_space<vmem_shared>> -> memref<10240x8xf32, #tpu.memory_space<vmem_shared>>
      %dma_wait3A_1195 = tpu.memref_slice %arg17[%dma_wait3A_1188] : memref<4x!tpu.dma_semaphore, #tpu.memory_space<semaphore_mem>> -> memref<1x!tpu.dma_semaphore, #tpu.memory_space<semaphore_mem>>
      %dma_wait3A_1196 = tpu.memref_squeeze %dma_wait3A_1195 : memref<1x!tpu.dma_semaphore, #tpu.memory_space<semaphore_mem>> -> memref<!tpu.dma_semaphore, #tpu.memory_space<semaphore_mem>>
      tpu.wait_indirect_dma semaphore(%dma_wait3A_1196 : memref<!tpu.dma_semaphore, #tpu.memory_space<semaphore_mem>>) src(%arg13 : memref<64x8xf32, #tpu.memory_space<vmem>>) dst(%dma_wait3A_1194 : memref<10240x8xf32, #tpu.memory_space<vmem_shared>>)
      %add3A_1197 = arith.addi %mul3A_422, %add3A_1142 : i32
      %add3A_1198 = arith.constant 4 : i32
      %add3A_1199 = arith.addi %add3A_1197, %add3A_1198 : i32
      %mul3A_1200 = arith.constant 64 : i32
      %mul3A_1201 = arith.muli %add3A_1199, %mul3A_1200 : i32
      %dma_start3A_1202 = arith.constant 1 : i32
      %dma_start3A_1203 = arith.constant 1 : i32
      %dma_start3A_1204 = arith.constant 0 : i32
      %dma_start3A_1205 = arith.constant 0 : i32
      %dma_start3A_1206 = tpu.memref_slice %arg11[%dma_start3A_1202, %dma_start3A_1204, %dma_start3A_1205] : memref<4x64x128xf32, #tpu.memory_space<vmem>> -> memref<1x64x128xf32, #tpu.memory_space<vmem>>
      %dma_start3A_1207 = tpu.memref_squeeze %dma_start3A_1206 : memref<1x64x128xf32, #tpu.memory_space<vmem>> -> memref<64x128xf32, #tpu.memory_space<vmem>>
      %dma_start3A_1208 = arith.constant 0 : i32
      %dma_start3A_1209 = tpu.memref_slice %arg2[%mul3A_1201, %dma_start3A_1208] : memref<320000x128xf32, #tpu.memory_space<hbm>> -> memref<64x128xf32, #tpu.memory_space<hbm>>
      %dma_start3A_1210 = tpu.memref_slice %arg15[%dma_start3A_1203] : memref<4x!tpu.dma_semaphore, #tpu.memory_space<semaphore_mem>> -> memref<1x!tpu.dma_semaphore, #tpu.memory_space<semaphore_mem>>
      %dma_start3A_1211 = tpu.memref_squeeze %dma_start3A_1210 : memref<1x!tpu.dma_semaphore, #tpu.memory_space<semaphore_mem>> -> memref<!tpu.dma_semaphore, #tpu.memory_space<semaphore_mem>>
      %dma_start3A_1212 = arith.constant 0 : i32
      %dma_start3A_1213 = arith.constant 0 : i32
      %dma_start3A_1214 = tpu.memref_slice %arg11[%dma_start3A_1202, %dma_start3A_1212, %dma_start3A_1213] : memref<4x64x128xf32, #tpu.memory_space<vmem>> -> memref<1x64x128xf32, #tpu.memory_space<vmem>>
      %dma_start3A_1215 = tpu.memref_squeeze %dma_start3A_1214 : memref<1x64x128xf32, #tpu.memory_space<vmem>> -> memref<64x128xf32, #tpu.memory_space<vmem>>
      %dma_start3A_1216 = arith.constant 0 : i32
      %dma_start3A_1217 = tpu.memref_slice %arg2[%mul3A_1201, %dma_start3A_1216] : memref<320000x128xf32, #tpu.memory_space<hbm>> -> memref<64x128xf32, #tpu.memory_space<hbm>>
      tpu.enqueue_dma source(%dma_start3A_1217 : memref<64x128xf32, #tpu.memory_space<hbm>>) target(%dma_start3A_1215 : memref<64x128xf32, #tpu.memory_space<vmem>>) target_semaphore(%dma_start3A_1211 : memref<!tpu.dma_semaphore, #tpu.memory_space<semaphore_mem>>)
      %dma_start3A_1218 = arith.constant 1 : i32
      %dma_start3A_1219 = arith.constant 1 : i32
      %dma_start3A_1220 = arith.constant 0 : i32
      %dma_start3A_1221 = tpu.memref_slice %arg12[%dma_start3A_1218, %dma_start3A_1220] : memref<4x64xi32, #tpu.memory_space<vmem>> -> memref<1x64xi32, #tpu.memory_space<vmem>>
      %dma_start3A_1222 = tpu.memref_squeeze %dma_start3A_1221 : memref<1x64xi32, #tpu.memory_space<vmem>> -> memref<64xi32, #tpu.memory_space<vmem>>
      %dma_start3A_1223 = tpu.memref_slice %arg3[%mul3A_1201] : memref<320000xi32, #tpu.memory_space<hbm>> -> memref<64xi32, #tpu.memory_space<hbm>>
      %dma_start3A_1224 = tpu.memref_slice %arg16[%dma_start3A_1219] : memref<4x!tpu.dma_semaphore, #tpu.memory_space<semaphore_mem>> -> memref<1x!tpu.dma_semaphore, #tpu.memory_space<semaphore_mem>>
      %dma_start3A_1225 = tpu.memref_squeeze %dma_start3A_1224 : memref<1x!tpu.dma_semaphore, #tpu.memory_space<semaphore_mem>> -> memref<!tpu.dma_semaphore, #tpu.memory_space<semaphore_mem>>
      %dma_start3A_1226 = arith.constant 0 : i32
      %dma_start3A_1227 = tpu.memref_slice %arg12[%dma_start3A_1218, %dma_start3A_1226] : memref<4x64xi32, #tpu.memory_space<vmem>> -> memref<1x64xi32, #tpu.memory_space<vmem>>
      %dma_start3A_1228 = tpu.memref_squeeze %dma_start3A_1227 : memref<1x64xi32, #tpu.memory_space<vmem>> -> memref<64xi32, #tpu.memory_space<vmem>>
      %dma_start3A_1229 = tpu.memref_slice %arg3[%mul3A_1201] : memref<320000xi32, #tpu.memory_space<hbm>> -> memref<64xi32, #tpu.memory_space<hbm>>
      tpu.enqueue_dma source(%dma_start3A_1229 : memref<64xi32, #tpu.memory_space<hbm>>) target(%dma_start3A_1228 : memref<64xi32, #tpu.memory_space<vmem>>) target_semaphore(%dma_start3A_1225 : memref<!tpu.dma_semaphore, #tpu.memory_space<semaphore_mem>>)
      %mul3A_1230 = arith.constant 4 : i32
      %mul3A_1231 = arith.muli %mul3A_1230, %scan3A_1047 : i32
      %add3A_1232 = arith.constant 2 : i32
      %add3A_1233 = arith.addi %mul3A_1231, %add3A_1232 : i32
      %dma_wait3A_1234 = arith.constant 2 : i32
      %dma_wait3A_1235 = arith.constant 2 : i32
      %dma_wait3A_1236 = arith.constant 0 : i32
      %dma_wait3A_1237 = arith.constant 0 : i32
      %dma_wait3A_1238 = tpu.memref_slice %arg11[%dma_wait3A_1234, %dma_wait3A_1236, %dma_wait3A_1237] : memref<4x64x128xf32, #tpu.memory_space<vmem>> -> memref<1x64x128xf32, #tpu.memory_space<vmem>>
      %dma_wait3A_1239 = tpu.memref_squeeze %dma_wait3A_1238 : memref<1x64x128xf32, #tpu.memory_space<vmem>> -> memref<64x128xf32, #tpu.memory_space<vmem>>
      %dma_wait3A_1240 = arith.constant 0 : i32
      %dma_wait3A_1241 = arith.constant 0 : i32
      %dma_wait3A_1242 = tpu.memref_slice %arg2[%dma_wait3A_1240, %dma_wait3A_1241] : memref<320000x128xf32, #tpu.memory_space<hbm>> -> memref<64x128xf32, #tpu.memory_space<hbm>>
      %dma_wait3A_1243 = tpu.memref_slice %arg15[%dma_wait3A_1235] : memref<4x!tpu.dma_semaphore, #tpu.memory_space<semaphore_mem>> -> memref<1x!tpu.dma_semaphore, #tpu.memory_space<semaphore_mem>>
      %dma_wait3A_1244 = tpu.memref_squeeze %dma_wait3A_1243 : memref<1x!tpu.dma_semaphore, #tpu.memory_space<semaphore_mem>> -> memref<!tpu.dma_semaphore, #tpu.memory_space<semaphore_mem>>
      %dma_wait3A_1245 = arith.constant 0 : i32
      %dma_wait3A_1246 = arith.constant 0 : i32
      %dma_wait3A_1247 = tpu.memref_slice %arg11[%dma_wait3A_1234, %dma_wait3A_1245, %dma_wait3A_1246] : memref<4x64x128xf32, #tpu.memory_space<vmem>> -> memref<1x64x128xf32, #tpu.memory_space<vmem>>
      %dma_wait3A_1248 = tpu.memref_squeeze %dma_wait3A_1247 : memref<1x64x128xf32, #tpu.memory_space<vmem>> -> memref<64x128xf32, #tpu.memory_space<vmem>>
      %dma_wait3A_1249 = arith.constant 0 : i32
      %dma_wait3A_1250 = arith.constant 0 : i32
      %dma_wait3A_1251 = tpu.memref_slice %arg2[%dma_wait3A_1249, %dma_wait3A_1250] : memref<320000x128xf32, #tpu.memory_space<hbm>> -> memref<64x128xf32, #tpu.memory_space<hbm>>
      tpu.wait_dma2 semaphore(%dma_wait3A_1244 : memref<!tpu.dma_semaphore, #tpu.memory_space<semaphore_mem>>) src(%dma_wait3A_1251 : memref<64x128xf32, #tpu.memory_space<hbm>>) dst(%dma_wait3A_1248 : memref<64x128xf32, #tpu.memory_space<vmem>>)
      %dma_wait3A_1252 = arith.constant 2 : i32
      %dma_wait3A_1253 = arith.constant 2 : i32
      %dma_wait3A_1254 = arith.constant 0 : i32
      %dma_wait3A_1255 = tpu.memref_slice %arg12[%dma_wait3A_1252, %dma_wait3A_1254] : memref<4x64xi32, #tpu.memory_space<vmem>> -> memref<1x64xi32, #tpu.memory_space<vmem>>
      %dma_wait3A_1256 = tpu.memref_squeeze %dma_wait3A_1255 : memref<1x64xi32, #tpu.memory_space<vmem>> -> memref<64xi32, #tpu.memory_space<vmem>>
      %dma_wait3A_1257 = arith.constant 0 : i32
      %dma_wait3A_1258 = tpu.memref_slice %arg3[%dma_wait3A_1257] : memref<320000xi32, #tpu.memory_space<hbm>> -> memref<64xi32, #tpu.memory_space<hbm>>
      %dma_wait3A_1259 = tpu.memref_slice %arg16[%dma_wait3A_1253] : memref<4x!tpu.dma_semaphore, #tpu.memory_space<semaphore_mem>> -> memref<1x!tpu.dma_semaphore, #tpu.memory_space<semaphore_mem>>
      %dma_wait3A_1260 = tpu.memref_squeeze %dma_wait3A_1259 : memref<1x!tpu.dma_semaphore, #tpu.memory_space<semaphore_mem>> -> memref<!tpu.dma_semaphore, #tpu.memory_space<semaphore_mem>>
      %dma_wait3A_1261 = arith.constant 0 : i32
      %dma_wait3A_1262 = tpu.memref_slice %arg12[%dma_wait3A_1252, %dma_wait3A_1261] : memref<4x64xi32, #tpu.memory_space<vmem>> -> memref<1x64xi32, #tpu.memory_space<vmem>>
      %dma_wait3A_1263 = tpu.memref_squeeze %dma_wait3A_1262 : memref<1x64xi32, #tpu.memory_space<vmem>> -> memref<64xi32, #tpu.memory_space<vmem>>
      %dma_wait3A_1264 = arith.constant 0 : i32
      %dma_wait3A_1265 = tpu.memref_slice %arg3[%dma_wait3A_1264] : memref<320000xi32, #tpu.memory_space<hbm>> -> memref<64xi32, #tpu.memory_space<hbm>>
      tpu.wait_dma2 semaphore(%dma_wait3A_1260 : memref<!tpu.dma_semaphore, #tpu.memory_space<semaphore_mem>>) src(%dma_wait3A_1265 : memref<64xi32, #tpu.memory_space<hbm>>) dst(%dma_wait3A_1263 : memref<64xi32, #tpu.memory_space<vmem>>)
      %dma_start3A_1266 = arith.constant 2 : i32
      %dma_start3A_1267 = arith.constant 2 : i32
      %dma_start3A_1268 = arith.constant 0 : i32
      %dma_start3A_1269 = tpu.memref_slice %arg12[%dma_start3A_1266, %dma_start3A_1268] : memref<4x64xi32, #tpu.memory_space<vmem>> -> memref<1x64xi32, #tpu.memory_space<vmem>>
      %dma_start3A_1270 = tpu.memref_squeeze %dma_start3A_1269 : memref<1x64xi32, #tpu.memory_space<vmem>> -> memref<64xi32, #tpu.memory_space<vmem>>
      %dma_start3A_1271 = arith.constant 0 : i32
      %dma_start3A_1272 = arith.constant 0 : i32
      %dma_start3A_1273 = tpu.memref_slice %arg10[%dma_start3A_1271, %dma_start3A_1272] : memref<10240x8xf32, #tpu.memory_space<vmem_shared>> -> memref<10240x8xf32, #tpu.memory_space<vmem_shared>>
      %dma_start3A_1274 = tpu.memref_slice %arg17[%dma_start3A_1267] : memref<4x!tpu.dma_semaphore, #tpu.memory_space<semaphore_mem>> -> memref<1x!tpu.dma_semaphore, #tpu.memory_space<semaphore_mem>>
      %dma_start3A_1275 = tpu.memref_squeeze %dma_start3A_1274 : memref<1x!tpu.dma_semaphore, #tpu.memory_space<semaphore_mem>> -> memref<!tpu.dma_semaphore, #tpu.memory_space<semaphore_mem>>
      tpu.enqueue_indirect_dma source(%arg13 : memref<64x8xf32, #tpu.memory_space<vmem>>) target(%dma_start3A_1273 : memref<10240x8xf32, #tpu.memory_space<vmem_shared>>) offsets(%dma_start3A_1270 : memref<64xi32, #tpu.memory_space<vmem>>) semaphore(%dma_start3A_1275 : memref<!tpu.dma_semaphore, #tpu.memory_space<semaphore_mem>>) {add = true}
      %run_scoped3A_1276 = arith.constant 2 : i32
      %run_scoped3A_1277 = arith.constant 2 : i32
      "tpu.region"() ({
        %run_scoped3A_1412 = tpu.sem_alloc : memref<!tpu.dma_semaphore, #tpu.memory_space<semaphore_mem>>
        %dma_start3A_1413 = arith.constant 0 : i32
        %dma_start3A_1414 = arith.constant 0 : i32
        %dma_start3A_1415 = tpu.memref_slice %arg11[%run_scoped3A_1276, %dma_start3A_1413, %dma_start3A_1414] : memref<4x64x128xf32, #tpu.memory_space<vmem>> -> memref<1x64x128xf32, #tpu.memory_space<vmem>>
        %dma_start3A_1416 = tpu.memref_squeeze %dma_start3A_1415 : memref<1x64x128xf32, #tpu.memory_space<vmem>> -> memref<64x128xf32, #tpu.memory_space<vmem>>
        %dma_start3A_1417 = arith.constant 0 : i32
        %dma_start3A_1418 = tpu.memref_slice %arg12[%run_scoped3A_1277, %dma_start3A_1417] : memref<4x64xi32, #tpu.memory_space<vmem>> -> memref<1x64xi32, #tpu.memory_space<vmem>>
        %dma_start3A_1419 = tpu.memref_squeeze %dma_start3A_1418 : memref<1x64xi32, #tpu.memory_space<vmem>> -> memref<64xi32, #tpu.memory_space<vmem>>
        %dma_start3A_1420 = arith.constant 0 : i32
        %dma_start3A_1421 = arith.constant 0 : i32
        %dma_start3A_1422 = tpu.memref_slice %arg9[%dma_start3A_1420, %dma_start3A_1421] : memref<10240x128xf32, #tpu.memory_space<vmem_shared>> -> memref<10240x128xf32, #tpu.memory_space<vmem_shared>>
        tpu.enqueue_indirect_dma source(%dma_start3A_1416 : memref<64x128xf32, #tpu.memory_space<vmem>>) target(%dma_start3A_1422 : memref<10240x128xf32, #tpu.memory_space<vmem_shared>>) offsets(%dma_start3A_1419 : memref<64xi32, #tpu.memory_space<vmem>>) semaphore(%run_scoped3A_1412 : memref<!tpu.dma_semaphore, #tpu.memory_space<semaphore_mem>>) {add = true}
        %dma_wait3A_1423 = arith.constant 0 : i32
        %dma_wait3A_1424 = arith.constant 0 : i32
        %dma_wait3A_1425 = tpu.memref_slice %arg11[%run_scoped3A_1276, %dma_wait3A_1423, %dma_wait3A_1424] : memref<4x64x128xf32, #tpu.memory_space<vmem>> -> memref<1x64x128xf32, #tpu.memory_space<vmem>>
        %dma_wait3A_1426 = tpu.memref_squeeze %dma_wait3A_1425 : memref<1x64x128xf32, #tpu.memory_space<vmem>> -> memref<64x128xf32, #tpu.memory_space<vmem>>
        %dma_wait3A_1427 = arith.constant 0 : i32
        %dma_wait3A_1428 = tpu.memref_slice %arg12[%run_scoped3A_1277, %dma_wait3A_1427] : memref<4x64xi32, #tpu.memory_space<vmem>> -> memref<1x64xi32, #tpu.memory_space<vmem>>
        %dma_wait3A_1429 = tpu.memref_squeeze %dma_wait3A_1428 : memref<1x64xi32, #tpu.memory_space<vmem>> -> memref<64xi32, #tpu.memory_space<vmem>>
        %dma_wait3A_1430 = arith.constant 0 : i32
        %dma_wait3A_1431 = arith.constant 0 : i32
        %dma_wait3A_1432 = tpu.memref_slice %arg9[%dma_wait3A_1430, %dma_wait3A_1431] : memref<10240x128xf32, #tpu.memory_space<vmem_shared>> -> memref<10240x128xf32, #tpu.memory_space<vmem_shared>>
        tpu.wait_indirect_dma semaphore(%run_scoped3A_1412 : memref<!tpu.dma_semaphore, #tpu.memory_space<semaphore_mem>>) src(%dma_wait3A_1426 : memref<64x128xf32, #tpu.memory_space<vmem>>) dst(%dma_wait3A_1432 : memref<10240x128xf32, #tpu.memory_space<vmem_shared>>)
        tpu.yield
      }) : () -> ()
      %dma_wait3A_1278 = arith.constant 2 : i32
      %dma_wait3A_1279 = arith.constant 2 : i32
      %dma_wait3A_1280 = arith.constant 0 : i32
      %dma_wait3A_1281 = tpu.memref_slice %arg12[%dma_wait3A_1278, %dma_wait3A_1280] : memref<4x64xi32, #tpu.memory_space<vmem>> -> memref<1x64xi32, #tpu.memory_space<vmem>>
      %dma_wait3A_1282 = tpu.memref_squeeze %dma_wait3A_1281 : memref<1x64xi32, #tpu.memory_space<vmem>> -> memref<64xi32, #tpu.memory_space<vmem>>
      %dma_wait3A_1283 = arith.constant 0 : i32
      %dma_wait3A_1284 = arith.constant 0 : i32
      %dma_wait3A_1285 = tpu.memref_slice %arg10[%dma_wait3A_1283, %dma_wait3A_1284] : memref<10240x8xf32, #tpu.memory_space<vmem_shared>> -> memref<10240x8xf32, #tpu.memory_space<vmem_shared>>
      %dma_wait3A_1286 = tpu.memref_slice %arg17[%dma_wait3A_1279] : memref<4x!tpu.dma_semaphore, #tpu.memory_space<semaphore_mem>> -> memref<1x!tpu.dma_semaphore, #tpu.memory_space<semaphore_mem>>
      %dma_wait3A_1287 = tpu.memref_squeeze %dma_wait3A_1286 : memref<1x!tpu.dma_semaphore, #tpu.memory_space<semaphore_mem>> -> memref<!tpu.dma_semaphore, #tpu.memory_space<semaphore_mem>>
      tpu.wait_indirect_dma semaphore(%dma_wait3A_1287 : memref<!tpu.dma_semaphore, #tpu.memory_space<semaphore_mem>>) src(%arg13 : memref<64x8xf32, #tpu.memory_space<vmem>>) dst(%dma_wait3A_1285 : memref<10240x8xf32, #tpu.memory_space<vmem_shared>>)
      %add3A_1288 = arith.addi %mul3A_422, %add3A_1233 : i32
      %add3A_1289 = arith.constant 4 : i32
      %add3A_1290 = arith.addi %add3A_1288, %add3A_1289 : i32
      %mul3A_1291 = arith.constant 64 : i32
      %mul3A_1292 = arith.muli %add3A_1290, %mul3A_1291 : i32
      %dma_start3A_1293 = arith.constant 2 : i32
      %dma_start3A_1294 = arith.constant 2 : i32
      %dma_start3A_1295 = arith.constant 0 : i32
      %dma_start3A_1296 = arith.constant 0 : i32
      %dma_start3A_1297 = tpu.memref_slice %arg11[%dma_start3A_1293, %dma_start3A_1295, %dma_start3A_1296] : memref<4x64x128xf32, #tpu.memory_space<vmem>> -> memref<1x64x128xf32, #tpu.memory_space<vmem>>
      %dma_start3A_1298 = tpu.memref_squeeze %dma_start3A_1297 : memref<1x64x128xf32, #tpu.memory_space<vmem>> -> memref<64x128xf32, #tpu.memory_space<vmem>>
      %dma_start3A_1299 = arith.constant 0 : i32
      %dma_start3A_1300 = tpu.memref_slice %arg2[%mul3A_1292, %dma_start3A_1299] : memref<320000x128xf32, #tpu.memory_space<hbm>> -> memref<64x128xf32, #tpu.memory_space<hbm>>
      %dma_start3A_1301 = tpu.memref_slice %arg15[%dma_start3A_1294] : memref<4x!tpu.dma_semaphore, #tpu.memory_space<semaphore_mem>> -> memref<1x!tpu.dma_semaphore, #tpu.memory_space<semaphore_mem>>
      %dma_start3A_1302 = tpu.memref_squeeze %dma_start3A_1301 : memref<1x!tpu.dma_semaphore, #tpu.memory_space<semaphore_mem>> -> memref<!tpu.dma_semaphore, #tpu.memory_space<semaphore_mem>>
      %dma_start3A_1303 = arith.constant 0 : i32
      %dma_start3A_1304 = arith.constant 0 : i32
      %dma_start3A_1305 = tpu.memref_slice %arg11[%dma_start3A_1293, %dma_start3A_1303, %dma_start3A_1304] : memref<4x64x128xf32, #tpu.memory_space<vmem>> -> memref<1x64x128xf32, #tpu.memory_space<vmem>>
      %dma_start3A_1306 = tpu.memref_squeeze %dma_start3A_1305 : memref<1x64x128xf32, #tpu.memory_space<vmem>> -> memref<64x128xf32, #tpu.memory_space<vmem>>
      %dma_start3A_1307 = arith.constant 0 : i32
      %dma_start3A_1308 = tpu.memref_slice %arg2[%mul3A_1292, %dma_start3A_1307] : memref<320000x128xf32, #tpu.memory_space<hbm>> -> memref<64x128xf32, #tpu.memory_space<hbm>>
      tpu.enqueue_dma source(%dma_start3A_1308 : memref<64x128xf32, #tpu.memory_space<hbm>>) target(%dma_start3A_1306 : memref<64x128xf32, #tpu.memory_space<vmem>>) target_semaphore(%dma_start3A_1302 : memref<!tpu.dma_semaphore, #tpu.memory_space<semaphore_mem>>)
      %dma_start3A_1309 = arith.constant 2 : i32
      %dma_start3A_1310 = arith.constant 2 : i32
      %dma_start3A_1311 = arith.constant 0 : i32
      %dma_start3A_1312 = tpu.memref_slice %arg12[%dma_start3A_1309, %dma_start3A_1311] : memref<4x64xi32, #tpu.memory_space<vmem>> -> memref<1x64xi32, #tpu.memory_space<vmem>>
      %dma_start3A_1313 = tpu.memref_squeeze %dma_start3A_1312 : memref<1x64xi32, #tpu.memory_space<vmem>> -> memref<64xi32, #tpu.memory_space<vmem>>
      %dma_start3A_1314 = tpu.memref_slice %arg3[%mul3A_1292] : memref<320000xi32, #tpu.memory_space<hbm>> -> memref<64xi32, #tpu.memory_space<hbm>>
      %dma_start3A_1315 = tpu.memref_slice %arg16[%dma_start3A_1310] : memref<4x!tpu.dma_semaphore, #tpu.memory_space<semaphore_mem>> -> memref<1x!tpu.dma_semaphore, #tpu.memory_space<semaphore_mem>>
      %dma_start3A_1316 = tpu.memref_squeeze %dma_start3A_1315 : memref<1x!tpu.dma_semaphore, #tpu.memory_space<semaphore_mem>> -> memref<!tpu.dma_semaphore, #tpu.memory_space<semaphore_mem>>
      %dma_start3A_1317 = arith.constant 0 : i32
      %dma_start3A_1318 = tpu.memref_slice %arg12[%dma_start3A_1309, %dma_start3A_1317] : memref<4x64xi32, #tpu.memory_space<vmem>> -> memref<1x64xi32, #tpu.memory_space<vmem>>
      %dma_start3A_1319 = tpu.memref_squeeze %dma_start3A_1318 : memref<1x64xi32, #tpu.memory_space<vmem>> -> memref<64xi32, #tpu.memory_space<vmem>>
      %dma_start3A_1320 = tpu.memref_slice %arg3[%mul3A_1292] : memref<320000xi32, #tpu.memory_space<hbm>> -> memref<64xi32, #tpu.memory_space<hbm>>
      tpu.enqueue_dma source(%dma_start3A_1320 : memref<64xi32, #tpu.memory_space<hbm>>) target(%dma_start3A_1319 : memref<64xi32, #tpu.memory_space<vmem>>) target_semaphore(%dma_start3A_1316 : memref<!tpu.dma_semaphore, #tpu.memory_space<semaphore_mem>>)
      %mul3A_1321 = arith.constant 4 : i32
      %mul3A_1322 = arith.muli %mul3A_1321, %scan3A_1047 : i32
      %add3A_1323 = arith.constant 3 : i32
      %add3A_1324 = arith.addi %mul3A_1322, %add3A_1323 : i32
      %dma_wait3A_1325 = arith.constant 3 : i32
      %dma_wait3A_1326 = arith.constant 3 : i32
      %dma_wait3A_1327 = arith.constant 0 : i32
      %dma_wait3A_1328 = arith.constant 0 : i32
      %dma_wait3A_1329 = tpu.memref_slice %arg11[%dma_wait3A_1325, %dma_wait3A_1327, %dma_wait3A_1328] : memref<4x64x128xf32, #tpu.memory_space<vmem>> -> memref<1x64x128xf32, #tpu.memory_space<vmem>>
      %dma_wait3A_1330 = tpu.memref_squeeze %dma_wait3A_1329 : memref<1x64x128xf32, #tpu.memory_space<vmem>> -> memref<64x128xf32, #tpu.memory_space<vmem>>
      %dma_wait3A_1331 = arith.constant 0 : i32
      %dma_wait3A_1332 = arith.constant 0 : i32
      %dma_wait3A_1333 = tpu.memref_slice %arg2[%dma_wait3A_1331, %dma_wait3A_1332] : memref<320000x128xf32, #tpu.memory_space<hbm>> -> memref<64x128xf32, #tpu.memory_space<hbm>>
      %dma_wait3A_1334 = tpu.memref_slice %arg15[%dma_wait3A_1326] : memref<4x!tpu.dma_semaphore, #tpu.memory_space<semaphore_mem>> -> memref<1x!tpu.dma_semaphore, #tpu.memory_space<semaphore_mem>>
      %dma_wait3A_1335 = tpu.memref_squeeze %dma_wait3A_1334 : memref<1x!tpu.dma_semaphore, #tpu.memory_space<semaphore_mem>> -> memref<!tpu.dma_semaphore, #tpu.memory_space<semaphore_mem>>
      %dma_wait3A_1336 = arith.constant 0 : i32
      %dma_wait3A_1337 = arith.constant 0 : i32
      %dma_wait3A_1338 = tpu.memref_slice %arg11[%dma_wait3A_1325, %dma_wait3A_1336, %dma_wait3A_1337] : memref<4x64x128xf32, #tpu.memory_space<vmem>> -> memref<1x64x128xf32, #tpu.memory_space<vmem>>
      %dma_wait3A_1339 = tpu.memref_squeeze %dma_wait3A_1338 : memref<1x64x128xf32, #tpu.memory_space<vmem>> -> memref<64x128xf32, #tpu.memory_space<vmem>>
      %dma_wait3A_1340 = arith.constant 0 : i32
      %dma_wait3A_1341 = arith.constant 0 : i32
      %dma_wait3A_1342 = tpu.memref_slice %arg2[%dma_wait3A_1340, %dma_wait3A_1341] : memref<320000x128xf32, #tpu.memory_space<hbm>> -> memref<64x128xf32, #tpu.memory_space<hbm>>
      tpu.wait_dma2 semaphore(%dma_wait3A_1335 : memref<!tpu.dma_semaphore, #tpu.memory_space<semaphore_mem>>) src(%dma_wait3A_1342 : memref<64x128xf32, #tpu.memory_space<hbm>>) dst(%dma_wait3A_1339 : memref<64x128xf32, #tpu.memory_space<vmem>>)
      %dma_wait3A_1343 = arith.constant 3 : i32
      %dma_wait3A_1344 = arith.constant 3 : i32
      %dma_wait3A_1345 = arith.constant 0 : i32
      %dma_wait3A_1346 = tpu.memref_slice %arg12[%dma_wait3A_1343, %dma_wait3A_1345] : memref<4x64xi32, #tpu.memory_space<vmem>> -> memref<1x64xi32, #tpu.memory_space<vmem>>
      %dma_wait3A_1347 = tpu.memref_squeeze %dma_wait3A_1346 : memref<1x64xi32, #tpu.memory_space<vmem>> -> memref<64xi32, #tpu.memory_space<vmem>>
      %dma_wait3A_1348 = arith.constant 0 : i32
      %dma_wait3A_1349 = tpu.memref_slice %arg3[%dma_wait3A_1348] : memref<320000xi32, #tpu.memory_space<hbm>> -> memref<64xi32, #tpu.memory_space<hbm>>
      %dma_wait3A_1350 = tpu.memref_slice %arg16[%dma_wait3A_1344] : memref<4x!tpu.dma_semaphore, #tpu.memory_space<semaphore_mem>> -> memref<1x!tpu.dma_semaphore, #tpu.memory_space<semaphore_mem>>
      %dma_wait3A_1351 = tpu.memref_squeeze %dma_wait3A_1350 : memref<1x!tpu.dma_semaphore, #tpu.memory_space<semaphore_mem>> -> memref<!tpu.dma_semaphore, #tpu.memory_space<semaphore_mem>>
      %dma_wait3A_1352 = arith.constant 0 : i32
      %dma_wait3A_1353 = tpu.memref_slice %arg12[%dma_wait3A_1343, %dma_wait3A_1352] : memref<4x64xi32, #tpu.memory_space<vmem>> -> memref<1x64xi32, #tpu.memory_space<vmem>>
      %dma_wait3A_1354 = tpu.memref_squeeze %dma_wait3A_1353 : memref<1x64xi32, #tpu.memory_space<vmem>> -> memref<64xi32, #tpu.memory_space<vmem>>
      %dma_wait3A_1355 = arith.constant 0 : i32
      %dma_wait3A_1356 = tpu.memref_slice %arg3[%dma_wait3A_1355] : memref<320000xi32, #tpu.memory_space<hbm>> -> memref<64xi32, #tpu.memory_space<hbm>>
      tpu.wait_dma2 semaphore(%dma_wait3A_1351 : memref<!tpu.dma_semaphore, #tpu.memory_space<semaphore_mem>>) src(%dma_wait3A_1356 : memref<64xi32, #tpu.memory_space<hbm>>) dst(%dma_wait3A_1354 : memref<64xi32, #tpu.memory_space<vmem>>)
      %dma_start3A_1357 = arith.constant 3 : i32
      %dma_start3A_1358 = arith.constant 3 : i32
      %dma_start3A_1359 = arith.constant 0 : i32
      %dma_start3A_1360 = tpu.memref_slice %arg12[%dma_start3A_1357, %dma_start3A_1359] : memref<4x64xi32, #tpu.memory_space<vmem>> -> memref<1x64xi32, #tpu.memory_space<vmem>>
      %dma_start3A_1361 = tpu.memref_squeeze %dma_start3A_1360 : memref<1x64xi32, #tpu.memory_space<vmem>> -> memref<64xi32, #tpu.memory_space<vmem>>
      %dma_start3A_1362 = arith.constant 0 : i32
      %dma_start3A_1363 = arith.constant 0 : i32
      %dma_start3A_1364 = tpu.memref_slice %arg10[%dma_start3A_1362, %dma_start3A_1363] : memref<10240x8xf32, #tpu.memory_space<vmem_shared>> -> memref<10240x8xf32, #tpu.memory_space<vmem_shared>>
      %dma_start3A_1365 = tpu.memref_slice %arg17[%dma_start3A_1358] : memref<4x!tpu.dma_semaphore, #tpu.memory_space<semaphore_mem>> -> memref<1x!tpu.dma_semaphore, #tpu.memory_space<semaphore_mem>>
      %dma_start3A_1366 = tpu.memref_squeeze %dma_start3A_1365 : memref<1x!tpu.dma_semaphore, #tpu.memory_space<semaphore_mem>> -> memref<!tpu.dma_semaphore, #tpu.memory_space<semaphore_mem>>
      tpu.enqueue_indirect_dma source(%arg13 : memref<64x8xf32, #tpu.memory_space<vmem>>) target(%dma_start3A_1364 : memref<10240x8xf32, #tpu.memory_space<vmem_shared>>) offsets(%dma_start3A_1361 : memref<64xi32, #tpu.memory_space<vmem>>) semaphore(%dma_start3A_1366 : memref<!tpu.dma_semaphore, #tpu.memory_space<semaphore_mem>>) {add = true}
      %run_scoped3A_1367 = arith.constant 3 : i32
      %run_scoped3A_1368 = arith.constant 3 : i32
      "tpu.region"() ({
        %run_scoped3A_1412 = tpu.sem_alloc : memref<!tpu.dma_semaphore, #tpu.memory_space<semaphore_mem>>
        %dma_start3A_1413 = arith.constant 0 : i32
        %dma_start3A_1414 = arith.constant 0 : i32
        %dma_start3A_1415 = tpu.memref_slice %arg11[%run_scoped3A_1367, %dma_start3A_1413, %dma_start3A_1414] : memref<4x64x128xf32, #tpu.memory_space<vmem>> -> memref<1x64x128xf32, #tpu.memory_space<vmem>>
        %dma_start3A_1416 = tpu.memref_squeeze %dma_start3A_1415 : memref<1x64x128xf32, #tpu.memory_space<vmem>> -> memref<64x128xf32, #tpu.memory_space<vmem>>
        %dma_start3A_1417 = arith.constant 0 : i32
        %dma_start3A_1418 = tpu.memref_slice %arg12[%run_scoped3A_1368, %dma_start3A_1417] : memref<4x64xi32, #tpu.memory_space<vmem>> -> memref<1x64xi32, #tpu.memory_space<vmem>>
        %dma_start3A_1419 = tpu.memref_squeeze %dma_start3A_1418 : memref<1x64xi32, #tpu.memory_space<vmem>> -> memref<64xi32, #tpu.memory_space<vmem>>
        %dma_start3A_1420 = arith.constant 0 : i32
        %dma_start3A_1421 = arith.constant 0 : i32
        %dma_start3A_1422 = tpu.memref_slice %arg9[%dma_start3A_1420, %dma_start3A_1421] : memref<10240x128xf32, #tpu.memory_space<vmem_shared>> -> memref<10240x128xf32, #tpu.memory_space<vmem_shared>>
        tpu.enqueue_indirect_dma source(%dma_start3A_1416 : memref<64x128xf32, #tpu.memory_space<vmem>>) target(%dma_start3A_1422 : memref<10240x128xf32, #tpu.memory_space<vmem_shared>>) offsets(%dma_start3A_1419 : memref<64xi32, #tpu.memory_space<vmem>>) semaphore(%run_scoped3A_1412 : memref<!tpu.dma_semaphore, #tpu.memory_space<semaphore_mem>>) {add = true}
        %dma_wait3A_1423 = arith.constant 0 : i32
        %dma_wait3A_1424 = arith.constant 0 : i32
        %dma_wait3A_1425 = tpu.memref_slice %arg11[%run_scoped3A_1367, %dma_wait3A_1423, %dma_wait3A_1424] : memref<4x64x128xf32, #tpu.memory_space<vmem>> -> memref<1x64x128xf32, #tpu.memory_space<vmem>>
        %dma_wait3A_1426 = tpu.memref_squeeze %dma_wait3A_1425 : memref<1x64x128xf32, #tpu.memory_space<vmem>> -> memref<64x128xf32, #tpu.memory_space<vmem>>
        %dma_wait3A_1427 = arith.constant 0 : i32
        %dma_wait3A_1428 = tpu.memref_slice %arg12[%run_scoped3A_1368, %dma_wait3A_1427] : memref<4x64xi32, #tpu.memory_space<vmem>> -> memref<1x64xi32, #tpu.memory_space<vmem>>
        %dma_wait3A_1429 = tpu.memref_squeeze %dma_wait3A_1428 : memref<1x64xi32, #tpu.memory_space<vmem>> -> memref<64xi32, #tpu.memory_space<vmem>>
        %dma_wait3A_1430 = arith.constant 0 : i32
        %dma_wait3A_1431 = arith.constant 0 : i32
        %dma_wait3A_1432 = tpu.memref_slice %arg9[%dma_wait3A_1430, %dma_wait3A_1431] : memref<10240x128xf32, #tpu.memory_space<vmem_shared>> -> memref<10240x128xf32, #tpu.memory_space<vmem_shared>>
        tpu.wait_indirect_dma semaphore(%run_scoped3A_1412 : memref<!tpu.dma_semaphore, #tpu.memory_space<semaphore_mem>>) src(%dma_wait3A_1426 : memref<64x128xf32, #tpu.memory_space<vmem>>) dst(%dma_wait3A_1432 : memref<10240x128xf32, #tpu.memory_space<vmem_shared>>)
        tpu.yield
      }) : () -> ()
      %dma_wait3A_1369 = arith.constant 3 : i32
      %dma_wait3A_1370 = arith.constant 3 : i32
      %dma_wait3A_1371 = arith.constant 0 : i32
      %dma_wait3A_1372 = tpu.memref_slice %arg12[%dma_wait3A_1369, %dma_wait3A_1371] : memref<4x64xi32, #tpu.memory_space<vmem>> -> memref<1x64xi32, #tpu.memory_space<vmem>>
      %dma_wait3A_1373 = tpu.memref_squeeze %dma_wait3A_1372 : memref<1x64xi32, #tpu.memory_space<vmem>> -> memref<64xi32, #tpu.memory_space<vmem>>
      %dma_wait3A_1374 = arith.constant 0 : i32
      %dma_wait3A_1375 = arith.constant 0 : i32
      %dma_wait3A_1376 = tpu.memref_slice %arg10[%dma_wait3A_1374, %dma_wait3A_1375] : memref<10240x8xf32, #tpu.memory_space<vmem_shared>> -> memref<10240x8xf32, #tpu.memory_space<vmem_shared>>
      %dma_wait3A_1377 = tpu.memref_slice %arg17[%dma_wait3A_1370] : memref<4x!tpu.dma_semaphore, #tpu.memory_space<semaphore_mem>> -> memref<1x!tpu.dma_semaphore, #tpu.memory_space<semaphore_mem>>
      %dma_wait3A_1378 = tpu.memref_squeeze %dma_wait3A_1377 : memref<1x!tpu.dma_semaphore, #tpu.memory_space<semaphore_mem>> -> memref<!tpu.dma_semaphore, #tpu.memory_space<semaphore_mem>>
      tpu.wait_indirect_dma semaphore(%dma_wait3A_1378 : memref<!tpu.dma_semaphore, #tpu.memory_space<semaphore_mem>>) src(%arg13 : memref<64x8xf32, #tpu.memory_space<vmem>>) dst(%dma_wait3A_1376 : memref<10240x8xf32, #tpu.memory_space<vmem_shared>>)
      %add3A_1379 = arith.addi %mul3A_422, %add3A_1324 : i32
      %add3A_1380 = arith.constant 4 : i32
      %add3A_1381 = arith.addi %add3A_1379, %add3A_1380 : i32
      %mul3A_1382 = arith.constant 64 : i32
      %mul3A_1383 = arith.muli %add3A_1381, %mul3A_1382 : i32
      %dma_start3A_1384 = arith.constant 3 : i32
      %dma_start3A_1385 = arith.constant 3 : i32
      %dma_start3A_1386 = arith.constant 0 : i32
      %dma_start3A_1387 = arith.constant 0 : i32
      %dma_start3A_1388 = tpu.memref_slice %arg11[%dma_start3A_1384, %dma_start3A_1386, %dma_start3A_1387] : memref<4x64x128xf32, #tpu.memory_space<vmem>> -> memref<1x64x128xf32, #tpu.memory_space<vmem>>
      %dma_start3A_1389 = tpu.memref_squeeze %dma_start3A_1388 : memref<1x64x128xf32, #tpu.memory_space<vmem>> -> memref<64x128xf32, #tpu.memory_space<vmem>>
      %dma_start3A_1390 = arith.constant 0 : i32
      %dma_start3A_1391 = tpu.memref_slice %arg2[%mul3A_1383, %dma_start3A_1390] : memref<320000x128xf32, #tpu.memory_space<hbm>> -> memref<64x128xf32, #tpu.memory_space<hbm>>
      %dma_start3A_1392 = tpu.memref_slice %arg15[%dma_start3A_1385] : memref<4x!tpu.dma_semaphore, #tpu.memory_space<semaphore_mem>> -> memref<1x!tpu.dma_semaphore, #tpu.memory_space<semaphore_mem>>
      %dma_start3A_1393 = tpu.memref_squeeze %dma_start3A_1392 : memref<1x!tpu.dma_semaphore, #tpu.memory_space<semaphore_mem>> -> memref<!tpu.dma_semaphore, #tpu.memory_space<semaphore_mem>>
      %dma_start3A_1394 = arith.constant 0 : i32
      %dma_start3A_1395 = arith.constant 0 : i32
      %dma_start3A_1396 = tpu.memref_slice %arg11[%dma_start3A_1384, %dma_start3A_1394, %dma_start3A_1395] : memref<4x64x128xf32, #tpu.memory_space<vmem>> -> memref<1x64x128xf32, #tpu.memory_space<vmem>>
      %dma_start3A_1397 = tpu.memref_squeeze %dma_start3A_1396 : memref<1x64x128xf32, #tpu.memory_space<vmem>> -> memref<64x128xf32, #tpu.memory_space<vmem>>
      %dma_start3A_1398 = arith.constant 0 : i32
      %dma_start3A_1399 = tpu.memref_slice %arg2[%mul3A_1383, %dma_start3A_1398] : memref<320000x128xf32, #tpu.memory_space<hbm>> -> memref<64x128xf32, #tpu.memory_space<hbm>>
      tpu.enqueue_dma source(%dma_start3A_1399 : memref<64x128xf32, #tpu.memory_space<hbm>>) target(%dma_start3A_1397 : memref<64x128xf32, #tpu.memory_space<vmem>>) target_semaphore(%dma_start3A_1393 : memref<!tpu.dma_semaphore, #tpu.memory_space<semaphore_mem>>)
      %dma_start3A_1400 = arith.constant 3 : i32
      %dma_start3A_1401 = arith.constant 3 : i32
      %dma_start3A_1402 = arith.constant 0 : i32
      %dma_start3A_1403 = tpu.memref_slice %arg12[%dma_start3A_1400, %dma_start3A_1402] : memref<4x64xi32, #tpu.memory_space<vmem>> -> memref<1x64xi32, #tpu.memory_space<vmem>>
      %dma_start3A_1404 = tpu.memref_squeeze %dma_start3A_1403 : memref<1x64xi32, #tpu.memory_space<vmem>> -> memref<64xi32, #tpu.memory_space<vmem>>
      %dma_start3A_1405 = tpu.memref_slice %arg3[%mul3A_1383] : memref<320000xi32, #tpu.memory_space<hbm>> -> memref<64xi32, #tpu.memory_space<hbm>>
      %dma_start3A_1406 = tpu.memref_slice %arg16[%dma_start3A_1401] : memref<4x!tpu.dma_semaphore, #tpu.memory_space<semaphore_mem>> -> memref<1x!tpu.dma_semaphore, #tpu.memory_space<semaphore_mem>>
      %dma_start3A_1407 = tpu.memref_squeeze %dma_start3A_1406 : memref<1x!tpu.dma_semaphore, #tpu.memory_space<semaphore_mem>> -> memref<!tpu.dma_semaphore, #tpu.memory_space<semaphore_mem>>
      %dma_start3A_1408 = arith.constant 0 : i32
      %dma_start3A_1409 = tpu.memref_slice %arg12[%dma_start3A_1400, %dma_start3A_1408] : memref<4x64xi32, #tpu.memory_space<vmem>> -> memref<1x64xi32, #tpu.memory_space<vmem>>
      %dma_start3A_1410 = tpu.memref_squeeze %dma_start3A_1409 : memref<1x64xi32, #tpu.memory_space<vmem>> -> memref<64xi32, #tpu.memory_space<vmem>>
      %dma_start3A_1411 = tpu.memref_slice %arg3[%mul3A_1383] : memref<320000xi32, #tpu.memory_space<hbm>> -> memref<64xi32, #tpu.memory_space<hbm>>
      tpu.enqueue_dma source(%dma_start3A_1411 : memref<64xi32, #tpu.memory_space<hbm>>) target(%dma_start3A_1410 : memref<64xi32, #tpu.memory_space<vmem>>) target_semaphore(%dma_start3A_1407 : memref<!tpu.dma_semaphore, #tpu.memory_space<semaphore_mem>>)
    }
    %scan3A_555 = arith.constant 39 : i32
    %dma_wait3A_556 = arith.constant 0 : i32
    %dma_wait3A_557 = arith.constant 0 : i32
    %dma_wait3A_558 = arith.constant 0 : i32
    %dma_wait3A_559 = arith.constant 0 : i32
    %dma_wait3A_560 = tpu.memref_slice %arg11[%dma_wait3A_556, %dma_wait3A_558, %dma_wait3A_559] : memref<4x64x128xf32, #tpu.memory_space<vmem>> -> memref<1x64x128xf32, #tpu.memory_space<vmem>>
    %dma_wait3A_561 = tpu.memref_squeeze %dma_wait3A_560 : memref<1x64x128xf32, #tpu.memory_space<vmem>> -> memref<64x128xf32, #tpu.memory_space<vmem>>
    %dma_wait3A_562 = arith.constant 0 : i32
    %dma_wait3A_563 = arith.constant 0 : i32
    %dma_wait3A_564 = tpu.memref_slice %arg2[%dma_wait3A_562, %dma_wait3A_563] : memref<320000x128xf32, #tpu.memory_space<hbm>> -> memref<64x128xf32, #tpu.memory_space<hbm>>
    %dma_wait3A_565 = tpu.memref_slice %arg15[%dma_wait3A_557] : memref<4x!tpu.dma_semaphore, #tpu.memory_space<semaphore_mem>> -> memref<1x!tpu.dma_semaphore, #tpu.memory_space<semaphore_mem>>
    %dma_wait3A_566 = tpu.memref_squeeze %dma_wait3A_565 : memref<1x!tpu.dma_semaphore, #tpu.memory_space<semaphore_mem>> -> memref<!tpu.dma_semaphore, #tpu.memory_space<semaphore_mem>>
    %dma_wait3A_567 = arith.constant 0 : i32
    %dma_wait3A_568 = arith.constant 0 : i32
    %dma_wait3A_569 = tpu.memref_slice %arg11[%dma_wait3A_556, %dma_wait3A_567, %dma_wait3A_568] : memref<4x64x128xf32, #tpu.memory_space<vmem>> -> memref<1x64x128xf32, #tpu.memory_space<vmem>>
    %dma_wait3A_570 = tpu.memref_squeeze %dma_wait3A_569 : memref<1x64x128xf32, #tpu.memory_space<vmem>> -> memref<64x128xf32, #tpu.memory_space<vmem>>
    %dma_wait3A_571 = arith.constant 0 : i32
    %dma_wait3A_572 = arith.constant 0 : i32
    %dma_wait3A_573 = tpu.memref_slice %arg2[%dma_wait3A_571, %dma_wait3A_572] : memref<320000x128xf32, #tpu.memory_space<hbm>> -> memref<64x128xf32, #tpu.memory_space<hbm>>
    tpu.wait_dma2 semaphore(%dma_wait3A_566 : memref<!tpu.dma_semaphore, #tpu.memory_space<semaphore_mem>>) src(%dma_wait3A_573 : memref<64x128xf32, #tpu.memory_space<hbm>>) dst(%dma_wait3A_570 : memref<64x128xf32, #tpu.memory_space<vmem>>)
    %dma_wait3A_574 = arith.constant 0 : i32
    %dma_wait3A_575 = arith.constant 0 : i32
    %dma_wait3A_576 = arith.constant 0 : i32
    %dma_wait3A_577 = tpu.memref_slice %arg12[%dma_wait3A_574, %dma_wait3A_576] : memref<4x64xi32, #tpu.memory_space<vmem>> -> memref<1x64xi32, #tpu.memory_space<vmem>>
    %dma_wait3A_578 = tpu.memref_squeeze %dma_wait3A_577 : memref<1x64xi32, #tpu.memory_space<vmem>> -> memref<64xi32, #tpu.memory_space<vmem>>
    %dma_wait3A_579 = arith.constant 0 : i32
    %dma_wait3A_580 = tpu.memref_slice %arg3[%dma_wait3A_579] : memref<320000xi32, #tpu.memory_space<hbm>> -> memref<64xi32, #tpu.memory_space<hbm>>
    %dma_wait3A_581 = tpu.memref_slice %arg16[%dma_wait3A_575] : memref<4x!tpu.dma_semaphore, #tpu.memory_space<semaphore_mem>> -> memref<1x!tpu.dma_semaphore, #tpu.memory_space<semaphore_mem>>
    %dma_wait3A_582 = tpu.memref_squeeze %dma_wait3A_581 : memref<1x!tpu.dma_semaphore, #tpu.memory_space<semaphore_mem>> -> memref<!tpu.dma_semaphore, #tpu.memory_space<semaphore_mem>>
    %dma_wait3A_583 = arith.constant 0 : i32
    %dma_wait3A_584 = tpu.memref_slice %arg12[%dma_wait3A_574, %dma_wait3A_583] : memref<4x64xi32, #tpu.memory_space<vmem>> -> memref<1x64xi32, #tpu.memory_space<vmem>>
    %dma_wait3A_585 = tpu.memref_squeeze %dma_wait3A_584 : memref<1x64xi32, #tpu.memory_space<vmem>> -> memref<64xi32, #tpu.memory_space<vmem>>
    %dma_wait3A_586 = arith.constant 0 : i32
    %dma_wait3A_587 = tpu.memref_slice %arg3[%dma_wait3A_586] : memref<320000xi32, #tpu.memory_space<hbm>> -> memref<64xi32, #tpu.memory_space<hbm>>
    tpu.wait_dma2 semaphore(%dma_wait3A_582 : memref<!tpu.dma_semaphore, #tpu.memory_space<semaphore_mem>>) src(%dma_wait3A_587 : memref<64xi32, #tpu.memory_space<hbm>>) dst(%dma_wait3A_585 : memref<64xi32, #tpu.memory_space<vmem>>)
    %dma_wait3A_588 = arith.constant 1 : i32
    %dma_wait3A_589 = arith.constant 1 : i32
    %dma_wait3A_590 = arith.constant 0 : i32
    %dma_wait3A_591 = arith.constant 0 : i32
    %dma_wait3A_592 = tpu.memref_slice %arg11[%dma_wait3A_588, %dma_wait3A_590, %dma_wait3A_591] : memref<4x64x128xf32, #tpu.memory_space<vmem>> -> memref<1x64x128xf32, #tpu.memory_space<vmem>>
    %dma_wait3A_593 = tpu.memref_squeeze %dma_wait3A_592 : memref<1x64x128xf32, #tpu.memory_space<vmem>> -> memref<64x128xf32, #tpu.memory_space<vmem>>
    %dma_wait3A_594 = arith.constant 0 : i32
    %dma_wait3A_595 = arith.constant 0 : i32
    %dma_wait3A_596 = tpu.memref_slice %arg2[%dma_wait3A_594, %dma_wait3A_595] : memref<320000x128xf32, #tpu.memory_space<hbm>> -> memref<64x128xf32, #tpu.memory_space<hbm>>
    %dma_wait3A_597 = tpu.memref_slice %arg15[%dma_wait3A_589] : memref<4x!tpu.dma_semaphore, #tpu.memory_space<semaphore_mem>> -> memref<1x!tpu.dma_semaphore, #tpu.memory_space<semaphore_mem>>
    %dma_wait3A_598 = tpu.memref_squeeze %dma_wait3A_597 : memref<1x!tpu.dma_semaphore, #tpu.memory_space<semaphore_mem>> -> memref<!tpu.dma_semaphore, #tpu.memory_space<semaphore_mem>>
    %dma_wait3A_599 = arith.constant 0 : i32
    %dma_wait3A_600 = arith.constant 0 : i32
    %dma_wait3A_601 = tpu.memref_slice %arg11[%dma_wait3A_588, %dma_wait3A_599, %dma_wait3A_600] : memref<4x64x128xf32, #tpu.memory_space<vmem>> -> memref<1x64x128xf32, #tpu.memory_space<vmem>>
    %dma_wait3A_602 = tpu.memref_squeeze %dma_wait3A_601 : memref<1x64x128xf32, #tpu.memory_space<vmem>> -> memref<64x128xf32, #tpu.memory_space<vmem>>
    %dma_wait3A_603 = arith.constant 0 : i32
    %dma_wait3A_604 = arith.constant 0 : i32
    %dma_wait3A_605 = tpu.memref_slice %arg2[%dma_wait3A_603, %dma_wait3A_604] : memref<320000x128xf32, #tpu.memory_space<hbm>> -> memref<64x128xf32, #tpu.memory_space<hbm>>
    tpu.wait_dma2 semaphore(%dma_wait3A_598 : memref<!tpu.dma_semaphore, #tpu.memory_space<semaphore_mem>>) src(%dma_wait3A_605 : memref<64x128xf32, #tpu.memory_space<hbm>>) dst(%dma_wait3A_602 : memref<64x128xf32, #tpu.memory_space<vmem>>)
    %dma_wait3A_606 = arith.constant 1 : i32
    %dma_wait3A_607 = arith.constant 1 : i32
    %dma_wait3A_608 = arith.constant 0 : i32
    %dma_wait3A_609 = tpu.memref_slice %arg12[%dma_wait3A_606, %dma_wait3A_608] : memref<4x64xi32, #tpu.memory_space<vmem>> -> memref<1x64xi32, #tpu.memory_space<vmem>>
    %dma_wait3A_610 = tpu.memref_squeeze %dma_wait3A_609 : memref<1x64xi32, #tpu.memory_space<vmem>> -> memref<64xi32, #tpu.memory_space<vmem>>
    %dma_wait3A_611 = arith.constant 0 : i32
    %dma_wait3A_612 = tpu.memref_slice %arg3[%dma_wait3A_611] : memref<320000xi32, #tpu.memory_space<hbm>> -> memref<64xi32, #tpu.memory_space<hbm>>
    %dma_wait3A_613 = tpu.memref_slice %arg16[%dma_wait3A_607] : memref<4x!tpu.dma_semaphore, #tpu.memory_space<semaphore_mem>> -> memref<1x!tpu.dma_semaphore, #tpu.memory_space<semaphore_mem>>
    %dma_wait3A_614 = tpu.memref_squeeze %dma_wait3A_613 : memref<1x!tpu.dma_semaphore, #tpu.memory_space<semaphore_mem>> -> memref<!tpu.dma_semaphore, #tpu.memory_space<semaphore_mem>>
    %dma_wait3A_615 = arith.constant 0 : i32
    %dma_wait3A_616 = tpu.memref_slice %arg12[%dma_wait3A_606, %dma_wait3A_615] : memref<4x64xi32, #tpu.memory_space<vmem>> -> memref<1x64xi32, #tpu.memory_space<vmem>>
    %dma_wait3A_617 = tpu.memref_squeeze %dma_wait3A_616 : memref<1x64xi32, #tpu.memory_space<vmem>> -> memref<64xi32, #tpu.memory_space<vmem>>
    %dma_wait3A_618 = arith.constant 0 : i32
    %dma_wait3A_619 = tpu.memref_slice %arg3[%dma_wait3A_618] : memref<320000xi32, #tpu.memory_space<hbm>> -> memref<64xi32, #tpu.memory_space<hbm>>
    tpu.wait_dma2 semaphore(%dma_wait3A_614 : memref<!tpu.dma_semaphore, #tpu.memory_space<semaphore_mem>>) src(%dma_wait3A_619 : memref<64xi32, #tpu.memory_space<hbm>>) dst(%dma_wait3A_617 : memref<64xi32, #tpu.memory_space<vmem>>)
    %dma_wait3A_620 = arith.constant 2 : i32
    %dma_wait3A_621 = arith.constant 2 : i32
    %dma_wait3A_622 = arith.constant 0 : i32
    %dma_wait3A_623 = arith.constant 0 : i32
    %dma_wait3A_624 = tpu.memref_slice %arg11[%dma_wait3A_620, %dma_wait3A_622, %dma_wait3A_623] : memref<4x64x128xf32, #tpu.memory_space<vmem>> -> memref<1x64x128xf32, #tpu.memory_space<vmem>>
    %dma_wait3A_625 = tpu.memref_squeeze %dma_wait3A_624 : memref<1x64x128xf32, #tpu.memory_space<vmem>> -> memref<64x128xf32, #tpu.memory_space<vmem>>
    %dma_wait3A_626 = arith.constant 0 : i32
    %dma_wait3A_627 = arith.constant 0 : i32
    %dma_wait3A_628 = tpu.memref_slice %arg2[%dma_wait3A_626, %dma_wait3A_627] : memref<320000x128xf32, #tpu.memory_space<hbm>> -> memref<64x128xf32, #tpu.memory_space<hbm>>
    %dma_wait3A_629 = tpu.memref_slice %arg15[%dma_wait3A_621] : memref<4x!tpu.dma_semaphore, #tpu.memory_space<semaphore_mem>> -> memref<1x!tpu.dma_semaphore, #tpu.memory_space<semaphore_mem>>
    %dma_wait3A_630 = tpu.memref_squeeze %dma_wait3A_629 : memref<1x!tpu.dma_semaphore, #tpu.memory_space<semaphore_mem>> -> memref<!tpu.dma_semaphore, #tpu.memory_space<semaphore_mem>>
    %dma_wait3A_631 = arith.constant 0 : i32
    %dma_wait3A_632 = arith.constant 0 : i32
    %dma_wait3A_633 = tpu.memref_slice %arg11[%dma_wait3A_620, %dma_wait3A_631, %dma_wait3A_632] : memref<4x64x128xf32, #tpu.memory_space<vmem>> -> memref<1x64x128xf32, #tpu.memory_space<vmem>>
    %dma_wait3A_634 = tpu.memref_squeeze %dma_wait3A_633 : memref<1x64x128xf32, #tpu.memory_space<vmem>> -> memref<64x128xf32, #tpu.memory_space<vmem>>
    %dma_wait3A_635 = arith.constant 0 : i32
    %dma_wait3A_636 = arith.constant 0 : i32
    %dma_wait3A_637 = tpu.memref_slice %arg2[%dma_wait3A_635, %dma_wait3A_636] : memref<320000x128xf32, #tpu.memory_space<hbm>> -> memref<64x128xf32, #tpu.memory_space<hbm>>
    tpu.wait_dma2 semaphore(%dma_wait3A_630 : memref<!tpu.dma_semaphore, #tpu.memory_space<semaphore_mem>>) src(%dma_wait3A_637 : memref<64x128xf32, #tpu.memory_space<hbm>>) dst(%dma_wait3A_634 : memref<64x128xf32, #tpu.memory_space<vmem>>)
    %dma_wait3A_638 = arith.constant 2 : i32
    %dma_wait3A_639 = arith.constant 2 : i32
    %dma_wait3A_640 = arith.constant 0 : i32
    %dma_wait3A_641 = tpu.memref_slice %arg12[%dma_wait3A_638, %dma_wait3A_640] : memref<4x64xi32, #tpu.memory_space<vmem>> -> memref<1x64xi32, #tpu.memory_space<vmem>>
    %dma_wait3A_642 = tpu.memref_squeeze %dma_wait3A_641 : memref<1x64xi32, #tpu.memory_space<vmem>> -> memref<64xi32, #tpu.memory_space<vmem>>
    %dma_wait3A_643 = arith.constant 0 : i32
    %dma_wait3A_644 = tpu.memref_slice %arg3[%dma_wait3A_643] : memref<320000xi32, #tpu.memory_space<hbm>> -> memref<64xi32, #tpu.memory_space<hbm>>
    %dma_wait3A_645 = tpu.memref_slice %arg16[%dma_wait3A_639] : memref<4x!tpu.dma_semaphore, #tpu.memory_space<semaphore_mem>> -> memref<1x!tpu.dma_semaphore, #tpu.memory_space<semaphore_mem>>
    %dma_wait3A_646 = tpu.memref_squeeze %dma_wait3A_645 : memref<1x!tpu.dma_semaphore, #tpu.memory_space<semaphore_mem>> -> memref<!tpu.dma_semaphore, #tpu.memory_space<semaphore_mem>>
    %dma_wait3A_647 = arith.constant 0 : i32
    %dma_wait3A_648 = tpu.memref_slice %arg12[%dma_wait3A_638, %dma_wait3A_647] : memref<4x64xi32, #tpu.memory_space<vmem>> -> memref<1x64xi32, #tpu.memory_space<vmem>>
    %dma_wait3A_649 = tpu.memref_squeeze %dma_wait3A_648 : memref<1x64xi32, #tpu.memory_space<vmem>> -> memref<64xi32, #tpu.memory_space<vmem>>
    %dma_wait3A_650 = arith.constant 0 : i32
    %dma_wait3A_651 = tpu.memref_slice %arg3[%dma_wait3A_650] : memref<320000xi32, #tpu.memory_space<hbm>> -> memref<64xi32, #tpu.memory_space<hbm>>
    tpu.wait_dma2 semaphore(%dma_wait3A_646 : memref<!tpu.dma_semaphore, #tpu.memory_space<semaphore_mem>>) src(%dma_wait3A_651 : memref<64xi32, #tpu.memory_space<hbm>>) dst(%dma_wait3A_649 : memref<64xi32, #tpu.memory_space<vmem>>)
    %dma_wait3A_652 = arith.constant 3 : i32
    %dma_wait3A_653 = arith.constant 3 : i32
    %dma_wait3A_654 = arith.constant 0 : i32
    %dma_wait3A_655 = arith.constant 0 : i32
    %dma_wait3A_656 = tpu.memref_slice %arg11[%dma_wait3A_652, %dma_wait3A_654, %dma_wait3A_655] : memref<4x64x128xf32, #tpu.memory_space<vmem>> -> memref<1x64x128xf32, #tpu.memory_space<vmem>>
    %dma_wait3A_657 = tpu.memref_squeeze %dma_wait3A_656 : memref<1x64x128xf32, #tpu.memory_space<vmem>> -> memref<64x128xf32, #tpu.memory_space<vmem>>
    %dma_wait3A_658 = arith.constant 0 : i32
    %dma_wait3A_659 = arith.constant 0 : i32
    %dma_wait3A_660 = tpu.memref_slice %arg2[%dma_wait3A_658, %dma_wait3A_659] : memref<320000x128xf32, #tpu.memory_space<hbm>> -> memref<64x128xf32, #tpu.memory_space<hbm>>
    %dma_wait3A_661 = tpu.memref_slice %arg15[%dma_wait3A_653] : memref<4x!tpu.dma_semaphore, #tpu.memory_space<semaphore_mem>> -> memref<1x!tpu.dma_semaphore, #tpu.memory_space<semaphore_mem>>
    %dma_wait3A_662 = tpu.memref_squeeze %dma_wait3A_661 : memref<1x!tpu.dma_semaphore, #tpu.memory_space<semaphore_mem>> -> memref<!tpu.dma_semaphore, #tpu.memory_space<semaphore_mem>>
    %dma_wait3A_663 = arith.constant 0 : i32
    %dma_wait3A_664 = arith.constant 0 : i32
    %dma_wait3A_665 = tpu.memref_slice %arg11[%dma_wait3A_652, %dma_wait3A_663, %dma_wait3A_664] : memref<4x64x128xf32, #tpu.memory_space<vmem>> -> memref<1x64x128xf32, #tpu.memory_space<vmem>>
    %dma_wait3A_666 = tpu.memref_squeeze %dma_wait3A_665 : memref<1x64x128xf32, #tpu.memory_space<vmem>> -> memref<64x128xf32, #tpu.memory_space<vmem>>
    %dma_wait3A_667 = arith.constant 0 : i32
    %dma_wait3A_668 = arith.constant 0 : i32
    %dma_wait3A_669 = tpu.memref_slice %arg2[%dma_wait3A_667, %dma_wait3A_668] : memref<320000x128xf32, #tpu.memory_space<hbm>> -> memref<64x128xf32, #tpu.memory_space<hbm>>
    tpu.wait_dma2 semaphore(%dma_wait3A_662 : memref<!tpu.dma_semaphore, #tpu.memory_space<semaphore_mem>>) src(%dma_wait3A_669 : memref<64x128xf32, #tpu.memory_space<hbm>>) dst(%dma_wait3A_666 : memref<64x128xf32, #tpu.memory_space<vmem>>)
    %dma_wait3A_670 = arith.constant 3 : i32
    %dma_wait3A_671 = arith.constant 3 : i32
    %dma_wait3A_672 = arith.constant 0 : i32
    %dma_wait3A_673 = tpu.memref_slice %arg12[%dma_wait3A_670, %dma_wait3A_672] : memref<4x64xi32, #tpu.memory_space<vmem>> -> memref<1x64xi32, #tpu.memory_space<vmem>>
    %dma_wait3A_674 = tpu.memref_squeeze %dma_wait3A_673 : memref<1x64xi32, #tpu.memory_space<vmem>> -> memref<64xi32, #tpu.memory_space<vmem>>
    %dma_wait3A_675 = arith.constant 0 : i32
    %dma_wait3A_676 = tpu.memref_slice %arg3[%dma_wait3A_675] : memref<320000xi32, #tpu.memory_space<hbm>> -> memref<64xi32, #tpu.memory_space<hbm>>
    %dma_wait3A_677 = tpu.memref_slice %arg16[%dma_wait3A_671] : memref<4x!tpu.dma_semaphore, #tpu.memory_space<semaphore_mem>> -> memref<1x!tpu.dma_semaphore, #tpu.memory_space<semaphore_mem>>
    %dma_wait3A_678 = tpu.memref_squeeze %dma_wait3A_677 : memref<1x!tpu.dma_semaphore, #tpu.memory_space<semaphore_mem>> -> memref<!tpu.dma_semaphore, #tpu.memory_space<semaphore_mem>>
    %dma_wait3A_679 = arith.constant 0 : i32
    %dma_wait3A_680 = tpu.memref_slice %arg12[%dma_wait3A_670, %dma_wait3A_679] : memref<4x64xi32, #tpu.memory_space<vmem>> -> memref<1x64xi32, #tpu.memory_space<vmem>>
    %dma_wait3A_681 = tpu.memref_squeeze %dma_wait3A_680 : memref<1x64xi32, #tpu.memory_space<vmem>> -> memref<64xi32, #tpu.memory_space<vmem>>
    %dma_wait3A_682 = arith.constant 0 : i32
    %dma_wait3A_683 = tpu.memref_slice %arg3[%dma_wait3A_682] : memref<320000xi32, #tpu.memory_space<hbm>> -> memref<64xi32, #tpu.memory_space<hbm>>
    tpu.wait_dma2 semaphore(%dma_wait3A_678 : memref<!tpu.dma_semaphore, #tpu.memory_space<semaphore_mem>>) src(%dma_wait3A_683 : memref<64xi32, #tpu.memory_space<hbm>>) dst(%dma_wait3A_681 : memref<64xi32, #tpu.memory_space<vmem>>)
    %ge3A = arith.constant 24 : i32
    %ge3A_684 = arith.cmpi sge, %add3A, %ge3A : i32
    %convert_element_type3A = arith.extui %ge3A_684 : i1 to i32
    %cond3A = arith.constant 0 : i32
    %cond3A_685 = arith.cmpi ne, %convert_element_type3A, %cond3A : i32
    scf.if %cond3A_685 {
      %sub3A = arith.constant 24 : i32
      %sub3A_1047 = arith.subi %add3A, %sub3A : i32
      %add3A_1048 = arith.constant 4992 : i32
      %add3A_1049 = arith.addi %add3A_1048, %sub3A_1047 : i32
      %mul3A_1050 = arith.constant 64 : i32
      %mul3A_1051 = arith.muli %add3A_1049, %mul3A_1050 : i32
      %dma_start3A_1052 = arith.constant 0 : i32
      %dma_start3A_1053 = arith.constant 0 : i32
      %dma_start3A_1054 = arith.constant 0 : i32
      %dma_start3A_1055 = arith.constant 0 : i32
      %dma_start3A_1056 = tpu.memref_slice %arg11[%dma_start3A_1052, %dma_start3A_1054, %dma_start3A_1055] : memref<4x64x128xf32, #tpu.memory_space<vmem>> -> memref<1x64x128xf32, #tpu.memory_space<vmem>>
      %dma_start3A_1057 = tpu.memref_squeeze %dma_start3A_1056 : memref<1x64x128xf32, #tpu.memory_space<vmem>> -> memref<64x128xf32, #tpu.memory_space<vmem>>
      %dma_start3A_1058 = arith.constant 0 : i32
      %dma_start3A_1059 = tpu.memref_slice %arg2[%mul3A_1051, %dma_start3A_1058] : memref<320000x128xf32, #tpu.memory_space<hbm>> -> memref<64x128xf32, #tpu.memory_space<hbm>>
      %dma_start3A_1060 = tpu.memref_slice %arg15[%dma_start3A_1053] : memref<4x!tpu.dma_semaphore, #tpu.memory_space<semaphore_mem>> -> memref<1x!tpu.dma_semaphore, #tpu.memory_space<semaphore_mem>>
      %dma_start3A_1061 = tpu.memref_squeeze %dma_start3A_1060 : memref<1x!tpu.dma_semaphore, #tpu.memory_space<semaphore_mem>> -> memref<!tpu.dma_semaphore, #tpu.memory_space<semaphore_mem>>
      %dma_start3A_1062 = arith.constant 0 : i32
      %dma_start3A_1063 = arith.constant 0 : i32
      %dma_start3A_1064 = tpu.memref_slice %arg11[%dma_start3A_1052, %dma_start3A_1062, %dma_start3A_1063] : memref<4x64x128xf32, #tpu.memory_space<vmem>> -> memref<1x64x128xf32, #tpu.memory_space<vmem>>
      %dma_start3A_1065 = tpu.memref_squeeze %dma_start3A_1064 : memref<1x64x128xf32, #tpu.memory_space<vmem>> -> memref<64x128xf32, #tpu.memory_space<vmem>>
      %dma_start3A_1066 = arith.constant 0 : i32
      %dma_start3A_1067 = tpu.memref_slice %arg2[%mul3A_1051, %dma_start3A_1066] : memref<320000x128xf32, #tpu.memory_space<hbm>> -> memref<64x128xf32, #tpu.memory_space<hbm>>
      tpu.enqueue_dma source(%dma_start3A_1067 : memref<64x128xf32, #tpu.memory_space<hbm>>) target(%dma_start3A_1065 : memref<64x128xf32, #tpu.memory_space<vmem>>) target_semaphore(%dma_start3A_1061 : memref<!tpu.dma_semaphore, #tpu.memory_space<semaphore_mem>>)
      %dma_start3A_1068 = arith.constant 0 : i32
      %dma_start3A_1069 = arith.constant 0 : i32
      %dma_start3A_1070 = arith.constant 0 : i32
      %dma_start3A_1071 = tpu.memref_slice %arg12[%dma_start3A_1068, %dma_start3A_1070] : memref<4x64xi32, #tpu.memory_space<vmem>> -> memref<1x64xi32, #tpu.memory_space<vmem>>
      %dma_start3A_1072 = tpu.memref_squeeze %dma_start3A_1071 : memref<1x64xi32, #tpu.memory_space<vmem>> -> memref<64xi32, #tpu.memory_space<vmem>>
      %dma_start3A_1073 = tpu.memref_slice %arg3[%mul3A_1051] : memref<320000xi32, #tpu.memory_space<hbm>> -> memref<64xi32, #tpu.memory_space<hbm>>
      %dma_start3A_1074 = tpu.memref_slice %arg16[%dma_start3A_1069] : memref<4x!tpu.dma_semaphore, #tpu.memory_space<semaphore_mem>> -> memref<1x!tpu.dma_semaphore, #tpu.memory_space<semaphore_mem>>
      %dma_start3A_1075 = tpu.memref_squeeze %dma_start3A_1074 : memref<1x!tpu.dma_semaphore, #tpu.memory_space<semaphore_mem>> -> memref<!tpu.dma_semaphore, #tpu.memory_space<semaphore_mem>>
      %dma_start3A_1076 = arith.constant 0 : i32
      %dma_start3A_1077 = tpu.memref_slice %arg12[%dma_start3A_1068, %dma_start3A_1076] : memref<4x64xi32, #tpu.memory_space<vmem>> -> memref<1x64xi32, #tpu.memory_space<vmem>>
      %dma_start3A_1078 = tpu.memref_squeeze %dma_start3A_1077 : memref<1x64xi32, #tpu.memory_space<vmem>> -> memref<64xi32, #tpu.memory_space<vmem>>
      %dma_start3A_1079 = tpu.memref_slice %arg3[%mul3A_1051] : memref<320000xi32, #tpu.memory_space<hbm>> -> memref<64xi32, #tpu.memory_space<hbm>>
      tpu.enqueue_dma source(%dma_start3A_1079 : memref<64xi32, #tpu.memory_space<hbm>>) target(%dma_start3A_1078 : memref<64xi32, #tpu.memory_space<vmem>>) target_semaphore(%dma_start3A_1075 : memref<!tpu.dma_semaphore, #tpu.memory_space<semaphore_mem>>)
      %dma_wait3A_1080 = arith.constant 0 : i32
      %dma_wait3A_1081 = arith.constant 0 : i32
      %dma_wait3A_1082 = arith.constant 0 : i32
      %dma_wait3A_1083 = arith.constant 0 : i32
      %dma_wait3A_1084 = tpu.memref_slice %arg11[%dma_wait3A_1080, %dma_wait3A_1082, %dma_wait3A_1083] : memref<4x64x128xf32, #tpu.memory_space<vmem>> -> memref<1x64x128xf32, #tpu.memory_space<vmem>>
      %dma_wait3A_1085 = tpu.memref_squeeze %dma_wait3A_1084 : memref<1x64x128xf32, #tpu.memory_space<vmem>> -> memref<64x128xf32, #tpu.memory_space<vmem>>
      %dma_wait3A_1086 = arith.constant 0 : i32
      %dma_wait3A_1087 = arith.constant 0 : i32
      %dma_wait3A_1088 = tpu.memref_slice %arg2[%dma_wait3A_1086, %dma_wait3A_1087] : memref<320000x128xf32, #tpu.memory_space<hbm>> -> memref<64x128xf32, #tpu.memory_space<hbm>>
      %dma_wait3A_1089 = tpu.memref_slice %arg15[%dma_wait3A_1081] : memref<4x!tpu.dma_semaphore, #tpu.memory_space<semaphore_mem>> -> memref<1x!tpu.dma_semaphore, #tpu.memory_space<semaphore_mem>>
      %dma_wait3A_1090 = tpu.memref_squeeze %dma_wait3A_1089 : memref<1x!tpu.dma_semaphore, #tpu.memory_space<semaphore_mem>> -> memref<!tpu.dma_semaphore, #tpu.memory_space<semaphore_mem>>
      %dma_wait3A_1091 = arith.constant 0 : i32
      %dma_wait3A_1092 = arith.constant 0 : i32
      %dma_wait3A_1093 = tpu.memref_slice %arg11[%dma_wait3A_1080, %dma_wait3A_1091, %dma_wait3A_1092] : memref<4x64x128xf32, #tpu.memory_space<vmem>> -> memref<1x64x128xf32, #tpu.memory_space<vmem>>
      %dma_wait3A_1094 = tpu.memref_squeeze %dma_wait3A_1093 : memref<1x64x128xf32, #tpu.memory_space<vmem>> -> memref<64x128xf32, #tpu.memory_space<vmem>>
      %dma_wait3A_1095 = arith.constant 0 : i32
      %dma_wait3A_1096 = arith.constant 0 : i32
      %dma_wait3A_1097 = tpu.memref_slice %arg2[%dma_wait3A_1095, %dma_wait3A_1096] : memref<320000x128xf32, #tpu.memory_space<hbm>> -> memref<64x128xf32, #tpu.memory_space<hbm>>
      tpu.wait_dma2 semaphore(%dma_wait3A_1090 : memref<!tpu.dma_semaphore, #tpu.memory_space<semaphore_mem>>) src(%dma_wait3A_1097 : memref<64x128xf32, #tpu.memory_space<hbm>>) dst(%dma_wait3A_1094 : memref<64x128xf32, #tpu.memory_space<vmem>>)
      %dma_wait3A_1098 = arith.constant 0 : i32
      %dma_wait3A_1099 = arith.constant 0 : i32
      %dma_wait3A_1100 = arith.constant 0 : i32
      %dma_wait3A_1101 = tpu.memref_slice %arg12[%dma_wait3A_1098, %dma_wait3A_1100] : memref<4x64xi32, #tpu.memory_space<vmem>> -> memref<1x64xi32, #tpu.memory_space<vmem>>
      %dma_wait3A_1102 = tpu.memref_squeeze %dma_wait3A_1101 : memref<1x64xi32, #tpu.memory_space<vmem>> -> memref<64xi32, #tpu.memory_space<vmem>>
      %dma_wait3A_1103 = arith.constant 0 : i32
      %dma_wait3A_1104 = tpu.memref_slice %arg3[%dma_wait3A_1103] : memref<320000xi32, #tpu.memory_space<hbm>> -> memref<64xi32, #tpu.memory_space<hbm>>
      %dma_wait3A_1105 = tpu.memref_slice %arg16[%dma_wait3A_1099] : memref<4x!tpu.dma_semaphore, #tpu.memory_space<semaphore_mem>> -> memref<1x!tpu.dma_semaphore, #tpu.memory_space<semaphore_mem>>
      %dma_wait3A_1106 = tpu.memref_squeeze %dma_wait3A_1105 : memref<1x!tpu.dma_semaphore, #tpu.memory_space<semaphore_mem>> -> memref<!tpu.dma_semaphore, #tpu.memory_space<semaphore_mem>>
      %dma_wait3A_1107 = arith.constant 0 : i32
      %dma_wait3A_1108 = tpu.memref_slice %arg12[%dma_wait3A_1098, %dma_wait3A_1107] : memref<4x64xi32, #tpu.memory_space<vmem>> -> memref<1x64xi32, #tpu.memory_space<vmem>>
      %dma_wait3A_1109 = tpu.memref_squeeze %dma_wait3A_1108 : memref<1x64xi32, #tpu.memory_space<vmem>> -> memref<64xi32, #tpu.memory_space<vmem>>
      %dma_wait3A_1110 = arith.constant 0 : i32
      %dma_wait3A_1111 = tpu.memref_slice %arg3[%dma_wait3A_1110] : memref<320000xi32, #tpu.memory_space<hbm>> -> memref<64xi32, #tpu.memory_space<hbm>>
      tpu.wait_dma2 semaphore(%dma_wait3A_1106 : memref<!tpu.dma_semaphore, #tpu.memory_space<semaphore_mem>>) src(%dma_wait3A_1111 : memref<64xi32, #tpu.memory_space<hbm>>) dst(%dma_wait3A_1109 : memref<64xi32, #tpu.memory_space<vmem>>)
      %dma_start3A_1112 = arith.constant 0 : i32
      %dma_start3A_1113 = arith.constant 0 : i32
      %dma_start3A_1114 = arith.constant 0 : i32
      %dma_start3A_1115 = tpu.memref_slice %arg12[%dma_start3A_1112, %dma_start3A_1114] : memref<4x64xi32, #tpu.memory_space<vmem>> -> memref<1x64xi32, #tpu.memory_space<vmem>>
      %dma_start3A_1116 = tpu.memref_squeeze %dma_start3A_1115 : memref<1x64xi32, #tpu.memory_space<vmem>> -> memref<64xi32, #tpu.memory_space<vmem>>
      %dma_start3A_1117 = arith.constant 0 : i32
      %dma_start3A_1118 = arith.constant 0 : i32
      %dma_start3A_1119 = tpu.memref_slice %arg10[%dma_start3A_1117, %dma_start3A_1118] : memref<10240x8xf32, #tpu.memory_space<vmem_shared>> -> memref<10240x8xf32, #tpu.memory_space<vmem_shared>>
      %dma_start3A_1120 = tpu.memref_slice %arg17[%dma_start3A_1113] : memref<4x!tpu.dma_semaphore, #tpu.memory_space<semaphore_mem>> -> memref<1x!tpu.dma_semaphore, #tpu.memory_space<semaphore_mem>>
      %dma_start3A_1121 = tpu.memref_squeeze %dma_start3A_1120 : memref<1x!tpu.dma_semaphore, #tpu.memory_space<semaphore_mem>> -> memref<!tpu.dma_semaphore, #tpu.memory_space<semaphore_mem>>
      tpu.enqueue_indirect_dma source(%arg13 : memref<64x8xf32, #tpu.memory_space<vmem>>) target(%dma_start3A_1119 : memref<10240x8xf32, #tpu.memory_space<vmem_shared>>) offsets(%dma_start3A_1116 : memref<64xi32, #tpu.memory_space<vmem>>) semaphore(%dma_start3A_1121 : memref<!tpu.dma_semaphore, #tpu.memory_space<semaphore_mem>>) {add = true}
      %run_scoped3A_1122 = arith.constant 0 : i32
      %run_scoped3A_1123 = arith.constant 0 : i32
      "tpu.region"() ({
        %run_scoped3A_1134 = tpu.sem_alloc : memref<!tpu.dma_semaphore, #tpu.memory_space<semaphore_mem>>
        %dma_start3A_1135 = arith.constant 0 : i32
        %dma_start3A_1136 = arith.constant 0 : i32
        %dma_start3A_1137 = tpu.memref_slice %arg11[%run_scoped3A_1122, %dma_start3A_1135, %dma_start3A_1136] : memref<4x64x128xf32, #tpu.memory_space<vmem>> -> memref<1x64x128xf32, #tpu.memory_space<vmem>>
        %dma_start3A_1138 = tpu.memref_squeeze %dma_start3A_1137 : memref<1x64x128xf32, #tpu.memory_space<vmem>> -> memref<64x128xf32, #tpu.memory_space<vmem>>
        %dma_start3A_1139 = arith.constant 0 : i32
        %dma_start3A_1140 = tpu.memref_slice %arg12[%run_scoped3A_1123, %dma_start3A_1139] : memref<4x64xi32, #tpu.memory_space<vmem>> -> memref<1x64xi32, #tpu.memory_space<vmem>>
        %dma_start3A_1141 = tpu.memref_squeeze %dma_start3A_1140 : memref<1x64xi32, #tpu.memory_space<vmem>> -> memref<64xi32, #tpu.memory_space<vmem>>
        %dma_start3A_1142 = arith.constant 0 : i32
        %dma_start3A_1143 = arith.constant 0 : i32
        %dma_start3A_1144 = tpu.memref_slice %arg9[%dma_start3A_1142, %dma_start3A_1143] : memref<10240x128xf32, #tpu.memory_space<vmem_shared>> -> memref<10240x128xf32, #tpu.memory_space<vmem_shared>>
        tpu.enqueue_indirect_dma source(%dma_start3A_1138 : memref<64x128xf32, #tpu.memory_space<vmem>>) target(%dma_start3A_1144 : memref<10240x128xf32, #tpu.memory_space<vmem_shared>>) offsets(%dma_start3A_1141 : memref<64xi32, #tpu.memory_space<vmem>>) semaphore(%run_scoped3A_1134 : memref<!tpu.dma_semaphore, #tpu.memory_space<semaphore_mem>>) {add = true}
        %dma_wait3A_1145 = arith.constant 0 : i32
        %dma_wait3A_1146 = arith.constant 0 : i32
        %dma_wait3A_1147 = tpu.memref_slice %arg11[%run_scoped3A_1122, %dma_wait3A_1145, %dma_wait3A_1146] : memref<4x64x128xf32, #tpu.memory_space<vmem>> -> memref<1x64x128xf32, #tpu.memory_space<vmem>>
        %dma_wait3A_1148 = tpu.memref_squeeze %dma_wait3A_1147 : memref<1x64x128xf32, #tpu.memory_space<vmem>> -> memref<64x128xf32, #tpu.memory_space<vmem>>
        %dma_wait3A_1149 = arith.constant 0 : i32
        %dma_wait3A_1150 = tpu.memref_slice %arg12[%run_scoped3A_1123, %dma_wait3A_1149] : memref<4x64xi32, #tpu.memory_space<vmem>> -> memref<1x64xi32, #tpu.memory_space<vmem>>
        %dma_wait3A_1151 = tpu.memref_squeeze %dma_wait3A_1150 : memref<1x64xi32, #tpu.memory_space<vmem>> -> memref<64xi32, #tpu.memory_space<vmem>>
        %dma_wait3A_1152 = arith.constant 0 : i32
        %dma_wait3A_1153 = arith.constant 0 : i32
        %dma_wait3A_1154 = tpu.memref_slice %arg9[%dma_wait3A_1152, %dma_wait3A_1153] : memref<10240x128xf32, #tpu.memory_space<vmem_shared>> -> memref<10240x128xf32, #tpu.memory_space<vmem_shared>>
        tpu.wait_indirect_dma semaphore(%run_scoped3A_1134 : memref<!tpu.dma_semaphore, #tpu.memory_space<semaphore_mem>>) src(%dma_wait3A_1148 : memref<64x128xf32, #tpu.memory_space<vmem>>) dst(%dma_wait3A_1154 : memref<10240x128xf32, #tpu.memory_space<vmem_shared>>)
        tpu.yield
      }) : () -> ()
      %dma_wait3A_1124 = arith.constant 0 : i32
      %dma_wait3A_1125 = arith.constant 0 : i32
      %dma_wait3A_1126 = arith.constant 0 : i32
      %dma_wait3A_1127 = tpu.memref_slice %arg12[%dma_wait3A_1124, %dma_wait3A_1126] : memref<4x64xi32, #tpu.memory_space<vmem>> -> memref<1x64xi32, #tpu.memory_space<vmem>>
      %dma_wait3A_1128 = tpu.memref_squeeze %dma_wait3A_1127 : memref<1x64xi32, #tpu.memory_space<vmem>> -> memref<64xi32, #tpu.memory_space<vmem>>
      %dma_wait3A_1129 = arith.constant 0 : i32
      %dma_wait3A_1130 = arith.constant 0 : i32
      %dma_wait3A_1131 = tpu.memref_slice %arg10[%dma_wait3A_1129, %dma_wait3A_1130] : memref<10240x8xf32, #tpu.memory_space<vmem_shared>> -> memref<10240x8xf32, #tpu.memory_space<vmem_shared>>
      %dma_wait3A_1132 = tpu.memref_slice %arg17[%dma_wait3A_1125] : memref<4x!tpu.dma_semaphore, #tpu.memory_space<semaphore_mem>> -> memref<1x!tpu.dma_semaphore, #tpu.memory_space<semaphore_mem>>
      %dma_wait3A_1133 = tpu.memref_squeeze %dma_wait3A_1132 : memref<1x!tpu.dma_semaphore, #tpu.memory_space<semaphore_mem>> -> memref<!tpu.dma_semaphore, #tpu.memory_space<semaphore_mem>>
      tpu.wait_indirect_dma semaphore(%dma_wait3A_1133 : memref<!tpu.dma_semaphore, #tpu.memory_space<semaphore_mem>>) src(%arg13 : memref<64x8xf32, #tpu.memory_space<vmem>>) dst(%dma_wait3A_1131 : memref<10240x8xf32, #tpu.memory_space<vmem_shared>>)
    } else {
    }
    %barrier3A_686 = arith.constant 0 : index
    tpu.barrier barrier_id(%barrier3A_686)
    %add3A_687 = arith.constant 0 : i32
    %add3A_688 = arith.addi %mul3A_2, %add3A_687 : i32
    %add3A_689 = arith.constant 0 : i32
    %add3A_690 = arith.addi %mul3A_2, %add3A_689 : i32
    %dma_start3A_691 = arith.constant 0 : i32
    %dma_start3A_692 = tpu.memref_slice %arg7[%arg0, %add3A_690, %dma_start3A_691] : memref<2x10240x128xf32, #tpu.memory_space<hbm>> -> memref<1x64x128xf32, #tpu.memory_space<hbm>>
    %dma_start3A_693 = tpu.memref_squeeze %dma_start3A_692 : memref<1x64x128xf32, #tpu.memory_space<hbm>> -> memref<64x128xf32, #tpu.memory_space<hbm>>
    %dma_start3A_694 = arith.constant 0 : i32
    %dma_start3A_695 = tpu.memref_slice %arg9[%add3A_688, %dma_start3A_694] : memref<10240x128xf32, #tpu.memory_space<vmem_shared>> -> memref<64x128xf32, #tpu.memory_space<vmem_shared>>
    tpu.enqueue_dma source(%dma_start3A_695 : memref<64x128xf32, #tpu.memory_space<vmem_shared>>) target(%dma_start3A_693 : memref<64x128xf32, #tpu.memory_space<hbm>>) target_semaphore(%arg18 : memref<!tpu.dma_semaphore, #tpu.memory_space<semaphore_mem>>)
    %add3A_696 = arith.constant 0 : i32
    %add3A_697 = arith.addi %mul3A_2, %add3A_696 : i32
    %add3A_698 = arith.constant 0 : i32
    %add3A_699 = arith.addi %mul3A_2, %add3A_698 : i32
    %dma_start3A_700 = arith.constant 0 : i32
    %dma_start3A_701 = tpu.memref_slice %arg8[%arg0, %add3A_699, %dma_start3A_700] : memref<2x10240x8xf32, #tpu.memory_space<hbm>> -> memref<1x64x8xf32, #tpu.memory_space<hbm>>
    %dma_start3A_702 = tpu.memref_squeeze %dma_start3A_701 : memref<1x64x8xf32, #tpu.memory_space<hbm>> -> memref<64x8xf32, #tpu.memory_space<hbm>>
    %dma_start3A_703 = arith.constant 0 : i32
    %dma_start3A_704 = tpu.memref_slice %arg10[%add3A_697, %dma_start3A_703] : memref<10240x8xf32, #tpu.memory_space<vmem_shared>> -> memref<64x8xf32, #tpu.memory_space<vmem_shared>>
    tpu.enqueue_dma source(%dma_start3A_704 : memref<64x8xf32, #tpu.memory_space<vmem_shared>>) target(%dma_start3A_702 : memref<64x8xf32, #tpu.memory_space<hbm>>) target_semaphore(%arg18 : memref<!tpu.dma_semaphore, #tpu.memory_space<semaphore_mem>>)
    %add3A_705 = arith.constant 64 : i32
    %add3A_706 = arith.addi %mul3A_2, %add3A_705 : i32
    %add3A_707 = arith.constant 64 : i32
    %add3A_708 = arith.addi %mul3A_2, %add3A_707 : i32
    %dma_start3A_709 = arith.constant 0 : i32
    %dma_start3A_710 = tpu.memref_slice %arg7[%arg0, %add3A_708, %dma_start3A_709] : memref<2x10240x128xf32, #tpu.memory_space<hbm>> -> memref<1x64x128xf32, #tpu.memory_space<hbm>>
    %dma_start3A_711 = tpu.memref_squeeze %dma_start3A_710 : memref<1x64x128xf32, #tpu.memory_space<hbm>> -> memref<64x128xf32, #tpu.memory_space<hbm>>
    %dma_start3A_712 = arith.constant 0 : i32
    %dma_start3A_713 = tpu.memref_slice %arg9[%add3A_706, %dma_start3A_712] : memref<10240x128xf32, #tpu.memory_space<vmem_shared>> -> memref<64x128xf32, #tpu.memory_space<vmem_shared>>
    tpu.enqueue_dma source(%dma_start3A_713 : memref<64x128xf32, #tpu.memory_space<vmem_shared>>) target(%dma_start3A_711 : memref<64x128xf32, #tpu.memory_space<hbm>>) target_semaphore(%arg18 : memref<!tpu.dma_semaphore, #tpu.memory_space<semaphore_mem>>)
    %add3A_714 = arith.constant 64 : i32
    %add3A_715 = arith.addi %mul3A_2, %add3A_714 : i32
    %add3A_716 = arith.constant 64 : i32
    %add3A_717 = arith.addi %mul3A_2, %add3A_716 : i32
    %dma_start3A_718 = arith.constant 0 : i32
    %dma_start3A_719 = tpu.memref_slice %arg8[%arg0, %add3A_717, %dma_start3A_718] : memref<2x10240x8xf32, #tpu.memory_space<hbm>> -> memref<1x64x8xf32, #tpu.memory_space<hbm>>
    %dma_start3A_720 = tpu.memref_squeeze %dma_start3A_719 : memref<1x64x8xf32, #tpu.memory_space<hbm>> -> memref<64x8xf32, #tpu.memory_space<hbm>>
    %dma_start3A_721 = arith.constant 0 : i32
    %dma_start3A_722 = tpu.memref_slice %arg10[%add3A_715, %dma_start3A_721] : memref<10240x8xf32, #tpu.memory_space<vmem_shared>> -> memref<64x8xf32, #tpu.memory_space<vmem_shared>>
    tpu.enqueue_dma source(%dma_start3A_722 : memref<64x8xf32, #tpu.memory_space<vmem_shared>>) target(%dma_start3A_720 : memref<64x8xf32, #tpu.memory_space<hbm>>) target_semaphore(%arg18 : memref<!tpu.dma_semaphore, #tpu.memory_space<semaphore_mem>>)
    %add3A_723 = arith.constant 128 : i32
    %add3A_724 = arith.addi %mul3A_2, %add3A_723 : i32
    %add3A_725 = arith.constant 128 : i32
    %add3A_726 = arith.addi %mul3A_2, %add3A_725 : i32
    %dma_start3A_727 = arith.constant 0 : i32
    %dma_start3A_728 = tpu.memref_slice %arg7[%arg0, %add3A_726, %dma_start3A_727] : memref<2x10240x128xf32, #tpu.memory_space<hbm>> -> memref<1x64x128xf32, #tpu.memory_space<hbm>>
    %dma_start3A_729 = tpu.memref_squeeze %dma_start3A_728 : memref<1x64x128xf32, #tpu.memory_space<hbm>> -> memref<64x128xf32, #tpu.memory_space<hbm>>
    %dma_start3A_730 = arith.constant 0 : i32
    %dma_start3A_731 = tpu.memref_slice %arg9[%add3A_724, %dma_start3A_730] : memref<10240x128xf32, #tpu.memory_space<vmem_shared>> -> memref<64x128xf32, #tpu.memory_space<vmem_shared>>
    tpu.enqueue_dma source(%dma_start3A_731 : memref<64x128xf32, #tpu.memory_space<vmem_shared>>) target(%dma_start3A_729 : memref<64x128xf32, #tpu.memory_space<hbm>>) target_semaphore(%arg18 : memref<!tpu.dma_semaphore, #tpu.memory_space<semaphore_mem>>)
    %add3A_732 = arith.constant 128 : i32
    %add3A_733 = arith.addi %mul3A_2, %add3A_732 : i32
    %add3A_734 = arith.constant 128 : i32
    %add3A_735 = arith.addi %mul3A_2, %add3A_734 : i32
    %dma_start3A_736 = arith.constant 0 : i32
    %dma_start3A_737 = tpu.memref_slice %arg8[%arg0, %add3A_735, %dma_start3A_736] : memref<2x10240x8xf32, #tpu.memory_space<hbm>> -> memref<1x64x8xf32, #tpu.memory_space<hbm>>
    %dma_start3A_738 = tpu.memref_squeeze %dma_start3A_737 : memref<1x64x8xf32, #tpu.memory_space<hbm>> -> memref<64x8xf32, #tpu.memory_space<hbm>>
    %dma_start3A_739 = arith.constant 0 : i32
    %dma_start3A_740 = tpu.memref_slice %arg10[%add3A_733, %dma_start3A_739] : memref<10240x8xf32, #tpu.memory_space<vmem_shared>> -> memref<64x8xf32, #tpu.memory_space<vmem_shared>>
    tpu.enqueue_dma source(%dma_start3A_740 : memref<64x8xf32, #tpu.memory_space<vmem_shared>>) target(%dma_start3A_738 : memref<64x8xf32, #tpu.memory_space<hbm>>) target_semaphore(%arg18 : memref<!tpu.dma_semaphore, #tpu.memory_space<semaphore_mem>>)
    %add3A_741 = arith.constant 192 : i32
    %add3A_742 = arith.addi %mul3A_2, %add3A_741 : i32
    %add3A_743 = arith.constant 192 : i32
    %add3A_744 = arith.addi %mul3A_2, %add3A_743 : i32
    %dma_start3A_745 = arith.constant 0 : i32
    %dma_start3A_746 = tpu.memref_slice %arg7[%arg0, %add3A_744, %dma_start3A_745] : memref<2x10240x128xf32, #tpu.memory_space<hbm>> -> memref<1x64x128xf32, #tpu.memory_space<hbm>>
    %dma_start3A_747 = tpu.memref_squeeze %dma_start3A_746 : memref<1x64x128xf32, #tpu.memory_space<hbm>> -> memref<64x128xf32, #tpu.memory_space<hbm>>
    %dma_start3A_748 = arith.constant 0 : i32
    %dma_start3A_749 = tpu.memref_slice %arg9[%add3A_742, %dma_start3A_748] : memref<10240x128xf32, #tpu.memory_space<vmem_shared>> -> memref<64x128xf32, #tpu.memory_space<vmem_shared>>
    tpu.enqueue_dma source(%dma_start3A_749 : memref<64x128xf32, #tpu.memory_space<vmem_shared>>) target(%dma_start3A_747 : memref<64x128xf32, #tpu.memory_space<hbm>>) target_semaphore(%arg18 : memref<!tpu.dma_semaphore, #tpu.memory_space<semaphore_mem>>)
    %add3A_750 = arith.constant 192 : i32
    %add3A_751 = arith.addi %mul3A_2, %add3A_750 : i32
    %add3A_752 = arith.constant 192 : i32
    %add3A_753 = arith.addi %mul3A_2, %add3A_752 : i32
    %dma_start3A_754 = arith.constant 0 : i32
    %dma_start3A_755 = tpu.memref_slice %arg8[%arg0, %add3A_753, %dma_start3A_754] : memref<2x10240x8xf32, #tpu.memory_space<hbm>> -> memref<1x64x8xf32, #tpu.memory_space<hbm>>
    %dma_start3A_756 = tpu.memref_squeeze %dma_start3A_755 : memref<1x64x8xf32, #tpu.memory_space<hbm>> -> memref<64x8xf32, #tpu.memory_space<hbm>>
    %dma_start3A_757 = arith.constant 0 : i32
    %dma_start3A_758 = tpu.memref_slice %arg10[%add3A_751, %dma_start3A_757] : memref<10240x8xf32, #tpu.memory_space<vmem_shared>> -> memref<64x8xf32, #tpu.memory_space<vmem_shared>>
    tpu.enqueue_dma source(%dma_start3A_758 : memref<64x8xf32, #tpu.memory_space<vmem_shared>>) target(%dma_start3A_756 : memref<64x8xf32, #tpu.memory_space<hbm>>) target_semaphore(%arg18 : memref<!tpu.dma_semaphore, #tpu.memory_space<semaphore_mem>>)
    %add3A_759 = arith.constant 256 : i32
    %add3A_760 = arith.addi %mul3A_2, %add3A_759 : i32
    %add3A_761 = arith.constant 256 : i32
    %add3A_762 = arith.addi %mul3A_2, %add3A_761 : i32
    %dma_start3A_763 = arith.constant 0 : i32
    %dma_start3A_764 = tpu.memref_slice %arg7[%arg0, %add3A_762, %dma_start3A_763] : memref<2x10240x128xf32, #tpu.memory_space<hbm>> -> memref<1x64x128xf32, #tpu.memory_space<hbm>>
    %dma_start3A_765 = tpu.memref_squeeze %dma_start3A_764 : memref<1x64x128xf32, #tpu.memory_space<hbm>> -> memref<64x128xf32, #tpu.memory_space<hbm>>
    %dma_start3A_766 = arith.constant 0 : i32
    %dma_start3A_767 = tpu.memref_slice %arg9[%add3A_760, %dma_start3A_766] : memref<10240x128xf32, #tpu.memory_space<vmem_shared>> -> memref<64x128xf32, #tpu.memory_space<vmem_shared>>
    tpu.enqueue_dma source(%dma_start3A_767 : memref<64x128xf32, #tpu.memory_space<vmem_shared>>) target(%dma_start3A_765 : memref<64x128xf32, #tpu.memory_space<hbm>>) target_semaphore(%arg18 : memref<!tpu.dma_semaphore, #tpu.memory_space<semaphore_mem>>)
    %add3A_768 = arith.constant 256 : i32
    %add3A_769 = arith.addi %mul3A_2, %add3A_768 : i32
    %add3A_770 = arith.constant 256 : i32
    %add3A_771 = arith.addi %mul3A_2, %add3A_770 : i32
    %dma_start3A_772 = arith.constant 0 : i32
    %dma_start3A_773 = tpu.memref_slice %arg8[%arg0, %add3A_771, %dma_start3A_772] : memref<2x10240x8xf32, #tpu.memory_space<hbm>> -> memref<1x64x8xf32, #tpu.memory_space<hbm>>
    %dma_start3A_774 = tpu.memref_squeeze %dma_start3A_773 : memref<1x64x8xf32, #tpu.memory_space<hbm>> -> memref<64x8xf32, #tpu.memory_space<hbm>>
    %dma_start3A_775 = arith.constant 0 : i32
    %dma_start3A_776 = tpu.memref_slice %arg10[%add3A_769, %dma_start3A_775] : memref<10240x8xf32, #tpu.memory_space<vmem_shared>> -> memref<64x8xf32, #tpu.memory_space<vmem_shared>>
    tpu.enqueue_dma source(%dma_start3A_776 : memref<64x8xf32, #tpu.memory_space<vmem_shared>>) target(%dma_start3A_774 : memref<64x8xf32, #tpu.memory_space<hbm>>) target_semaphore(%arg18 : memref<!tpu.dma_semaphore, #tpu.memory_space<semaphore_mem>>)
    %add3A_777 = arith.constant 320 : i32
    %add3A_778 = arith.addi %mul3A_2, %add3A_777 : i32
    %add3A_779 = arith.constant 320 : i32
    %add3A_780 = arith.addi %mul3A_2, %add3A_779 : i32
    %dma_start3A_781 = arith.constant 0 : i32
    %dma_start3A_782 = tpu.memref_slice %arg7[%arg0, %add3A_780, %dma_start3A_781] : memref<2x10240x128xf32, #tpu.memory_space<hbm>> -> memref<1x64x128xf32, #tpu.memory_space<hbm>>
    %dma_start3A_783 = tpu.memref_squeeze %dma_start3A_782 : memref<1x64x128xf32, #tpu.memory_space<hbm>> -> memref<64x128xf32, #tpu.memory_space<hbm>>
    %dma_start3A_784 = arith.constant 0 : i32
    %dma_start3A_785 = tpu.memref_slice %arg9[%add3A_778, %dma_start3A_784] : memref<10240x128xf32, #tpu.memory_space<vmem_shared>> -> memref<64x128xf32, #tpu.memory_space<vmem_shared>>
    tpu.enqueue_dma source(%dma_start3A_785 : memref<64x128xf32, #tpu.memory_space<vmem_shared>>) target(%dma_start3A_783 : memref<64x128xf32, #tpu.memory_space<hbm>>) target_semaphore(%arg18 : memref<!tpu.dma_semaphore, #tpu.memory_space<semaphore_mem>>)
    %add3A_786 = arith.constant 320 : i32
    %add3A_787 = arith.addi %mul3A_2, %add3A_786 : i32
    %add3A_788 = arith.constant 320 : i32
    %add3A_789 = arith.addi %mul3A_2, %add3A_788 : i32
    %dma_start3A_790 = arith.constant 0 : i32
    %dma_start3A_791 = tpu.memref_slice %arg8[%arg0, %add3A_789, %dma_start3A_790] : memref<2x10240x8xf32, #tpu.memory_space<hbm>> -> memref<1x64x8xf32, #tpu.memory_space<hbm>>
    %dma_start3A_792 = tpu.memref_squeeze %dma_start3A_791 : memref<1x64x8xf32, #tpu.memory_space<hbm>> -> memref<64x8xf32, #tpu.memory_space<hbm>>
    %dma_start3A_793 = arith.constant 0 : i32
    %dma_start3A_794 = tpu.memref_slice %arg10[%add3A_787, %dma_start3A_793] : memref<10240x8xf32, #tpu.memory_space<vmem_shared>> -> memref<64x8xf32, #tpu.memory_space<vmem_shared>>
    tpu.enqueue_dma source(%dma_start3A_794 : memref<64x8xf32, #tpu.memory_space<vmem_shared>>) target(%dma_start3A_792 : memref<64x8xf32, #tpu.memory_space<hbm>>) target_semaphore(%arg18 : memref<!tpu.dma_semaphore, #tpu.memory_space<semaphore_mem>>)
    %add3A_795 = arith.constant 384 : i32
    %add3A_796 = arith.addi %mul3A_2, %add3A_795 : i32
    %add3A_797 = arith.constant 384 : i32
    %add3A_798 = arith.addi %mul3A_2, %add3A_797 : i32
    %dma_start3A_799 = arith.constant 0 : i32
    %dma_start3A_800 = tpu.memref_slice %arg7[%arg0, %add3A_798, %dma_start3A_799] : memref<2x10240x128xf32, #tpu.memory_space<hbm>> -> memref<1x64x128xf32, #tpu.memory_space<hbm>>
    %dma_start3A_801 = tpu.memref_squeeze %dma_start3A_800 : memref<1x64x128xf32, #tpu.memory_space<hbm>> -> memref<64x128xf32, #tpu.memory_space<hbm>>
    %dma_start3A_802 = arith.constant 0 : i32
    %dma_start3A_803 = tpu.memref_slice %arg9[%add3A_796, %dma_start3A_802] : memref<10240x128xf32, #tpu.memory_space<vmem_shared>> -> memref<64x128xf32, #tpu.memory_space<vmem_shared>>
    tpu.enqueue_dma source(%dma_start3A_803 : memref<64x128xf32, #tpu.memory_space<vmem_shared>>) target(%dma_start3A_801 : memref<64x128xf32, #tpu.memory_space<hbm>>) target_semaphore(%arg18 : memref<!tpu.dma_semaphore, #tpu.memory_space<semaphore_mem>>)
    %add3A_804 = arith.constant 384 : i32
    %add3A_805 = arith.addi %mul3A_2, %add3A_804 : i32
    %add3A_806 = arith.constant 384 : i32
    %add3A_807 = arith.addi %mul3A_2, %add3A_806 : i32
    %dma_start3A_808 = arith.constant 0 : i32
    %dma_start3A_809 = tpu.memref_slice %arg8[%arg0, %add3A_807, %dma_start3A_808] : memref<2x10240x8xf32, #tpu.memory_space<hbm>> -> memref<1x64x8xf32, #tpu.memory_space<hbm>>
    %dma_start3A_810 = tpu.memref_squeeze %dma_start3A_809 : memref<1x64x8xf32, #tpu.memory_space<hbm>> -> memref<64x8xf32, #tpu.memory_space<hbm>>
    %dma_start3A_811 = arith.constant 0 : i32
    %dma_start3A_812 = tpu.memref_slice %arg10[%add3A_805, %dma_start3A_811] : memref<10240x8xf32, #tpu.memory_space<vmem_shared>> -> memref<64x8xf32, #tpu.memory_space<vmem_shared>>
    tpu.enqueue_dma source(%dma_start3A_812 : memref<64x8xf32, #tpu.memory_space<vmem_shared>>) target(%dma_start3A_810 : memref<64x8xf32, #tpu.memory_space<hbm>>) target_semaphore(%arg18 : memref<!tpu.dma_semaphore, #tpu.memory_space<semaphore_mem>>)
    %add3A_813 = arith.constant 448 : i32
    %add3A_814 = arith.addi %mul3A_2, %add3A_813 : i32
    %add3A_815 = arith.constant 448 : i32
    %add3A_816 = arith.addi %mul3A_2, %add3A_815 : i32
    %dma_start3A_817 = arith.constant 0 : i32
    %dma_start3A_818 = tpu.memref_slice %arg7[%arg0, %add3A_816, %dma_start3A_817] : memref<2x10240x128xf32, #tpu.memory_space<hbm>> -> memref<1x64x128xf32, #tpu.memory_space<hbm>>
    %dma_start3A_819 = tpu.memref_squeeze %dma_start3A_818 : memref<1x64x128xf32, #tpu.memory_space<hbm>> -> memref<64x128xf32, #tpu.memory_space<hbm>>
    %dma_start3A_820 = arith.constant 0 : i32
    %dma_start3A_821 = tpu.memref_slice %arg9[%add3A_814, %dma_start3A_820] : memref<10240x128xf32, #tpu.memory_space<vmem_shared>> -> memref<64x128xf32, #tpu.memory_space<vmem_shared>>
    tpu.enqueue_dma source(%dma_start3A_821 : memref<64x128xf32, #tpu.memory_space<vmem_shared>>) target(%dma_start3A_819 : memref<64x128xf32, #tpu.memory_space<hbm>>) target_semaphore(%arg18 : memref<!tpu.dma_semaphore, #tpu.memory_space<semaphore_mem>>)
    %add3A_822 = arith.constant 448 : i32
    %add3A_823 = arith.addi %mul3A_2, %add3A_822 : i32
    %add3A_824 = arith.constant 448 : i32
    %add3A_825 = arith.addi %mul3A_2, %add3A_824 : i32
    %dma_start3A_826 = arith.constant 0 : i32
    %dma_start3A_827 = tpu.memref_slice %arg8[%arg0, %add3A_825, %dma_start3A_826] : memref<2x10240x8xf32, #tpu.memory_space<hbm>> -> memref<1x64x8xf32, #tpu.memory_space<hbm>>
    %dma_start3A_828 = tpu.memref_squeeze %dma_start3A_827 : memref<1x64x8xf32, #tpu.memory_space<hbm>> -> memref<64x8xf32, #tpu.memory_space<hbm>>
    %dma_start3A_829 = arith.constant 0 : i32
    %dma_start3A_830 = tpu.memref_slice %arg10[%add3A_823, %dma_start3A_829] : memref<10240x8xf32, #tpu.memory_space<vmem_shared>> -> memref<64x8xf32, #tpu.memory_space<vmem_shared>>
    tpu.enqueue_dma source(%dma_start3A_830 : memref<64x8xf32, #tpu.memory_space<vmem_shared>>) target(%dma_start3A_828 : memref<64x8xf32, #tpu.memory_space<hbm>>) target_semaphore(%arg18 : memref<!tpu.dma_semaphore, #tpu.memory_space<semaphore_mem>>)
    %add3A_831 = arith.constant 512 : i32
    %add3A_832 = arith.addi %mul3A_2, %add3A_831 : i32
    %add3A_833 = arith.constant 512 : i32
    %add3A_834 = arith.addi %mul3A_2, %add3A_833 : i32
    %dma_start3A_835 = arith.constant 0 : i32
    %dma_start3A_836 = tpu.memref_slice %arg7[%arg0, %add3A_834, %dma_start3A_835] : memref<2x10240x128xf32, #tpu.memory_space<hbm>> -> memref<1x64x128xf32, #tpu.memory_space<hbm>>
    %dma_start3A_837 = tpu.memref_squeeze %dma_start3A_836 : memref<1x64x128xf32, #tpu.memory_space<hbm>> -> memref<64x128xf32, #tpu.memory_space<hbm>>
    %dma_start3A_838 = arith.constant 0 : i32
    %dma_start3A_839 = tpu.memref_slice %arg9[%add3A_832, %dma_start3A_838] : memref<10240x128xf32, #tpu.memory_space<vmem_shared>> -> memref<64x128xf32, #tpu.memory_space<vmem_shared>>
    tpu.enqueue_dma source(%dma_start3A_839 : memref<64x128xf32, #tpu.memory_space<vmem_shared>>) target(%dma_start3A_837 : memref<64x128xf32, #tpu.memory_space<hbm>>) target_semaphore(%arg18 : memref<!tpu.dma_semaphore, #tpu.memory_space<semaphore_mem>>)
    %add3A_840 = arith.constant 512 : i32
    %add3A_841 = arith.addi %mul3A_2, %add3A_840 : i32
    %add3A_842 = arith.constant 512 : i32
    %add3A_843 = arith.addi %mul3A_2, %add3A_842 : i32
    %dma_start3A_844 = arith.constant 0 : i32
    %dma_start3A_845 = tpu.memref_slice %arg8[%arg0, %add3A_843, %dma_start3A_844] : memref<2x10240x8xf32, #tpu.memory_space<hbm>> -> memref<1x64x8xf32, #tpu.memory_space<hbm>>
    %dma_start3A_846 = tpu.memref_squeeze %dma_start3A_845 : memref<1x64x8xf32, #tpu.memory_space<hbm>> -> memref<64x8xf32, #tpu.memory_space<hbm>>
    %dma_start3A_847 = arith.constant 0 : i32
    %dma_start3A_848 = tpu.memref_slice %arg10[%add3A_841, %dma_start3A_847] : memref<10240x8xf32, #tpu.memory_space<vmem_shared>> -> memref<64x8xf32, #tpu.memory_space<vmem_shared>>
    tpu.enqueue_dma source(%dma_start3A_848 : memref<64x8xf32, #tpu.memory_space<vmem_shared>>) target(%dma_start3A_846 : memref<64x8xf32, #tpu.memory_space<hbm>>) target_semaphore(%arg18 : memref<!tpu.dma_semaphore, #tpu.memory_space<semaphore_mem>>)
    %add3A_849 = arith.constant 576 : i32
    %add3A_850 = arith.addi %mul3A_2, %add3A_849 : i32
    %add3A_851 = arith.constant 576 : i32
    %add3A_852 = arith.addi %mul3A_2, %add3A_851 : i32
    %dma_start3A_853 = arith.constant 0 : i32
    %dma_start3A_854 = tpu.memref_slice %arg7[%arg0, %add3A_852, %dma_start3A_853] : memref<2x10240x128xf32, #tpu.memory_space<hbm>> -> memref<1x64x128xf32, #tpu.memory_space<hbm>>
    %dma_start3A_855 = tpu.memref_squeeze %dma_start3A_854 : memref<1x64x128xf32, #tpu.memory_space<hbm>> -> memref<64x128xf32, #tpu.memory_space<hbm>>
    %dma_start3A_856 = arith.constant 0 : i32
    %dma_start3A_857 = tpu.memref_slice %arg9[%add3A_850, %dma_start3A_856] : memref<10240x128xf32, #tpu.memory_space<vmem_shared>> -> memref<64x128xf32, #tpu.memory_space<vmem_shared>>
    tpu.enqueue_dma source(%dma_start3A_857 : memref<64x128xf32, #tpu.memory_space<vmem_shared>>) target(%dma_start3A_855 : memref<64x128xf32, #tpu.memory_space<hbm>>) target_semaphore(%arg18 : memref<!tpu.dma_semaphore, #tpu.memory_space<semaphore_mem>>)
    %add3A_858 = arith.constant 576 : i32
    %add3A_859 = arith.addi %mul3A_2, %add3A_858 : i32
    %add3A_860 = arith.constant 576 : i32
    %add3A_861 = arith.addi %mul3A_2, %add3A_860 : i32
    %dma_start3A_862 = arith.constant 0 : i32
    %dma_start3A_863 = tpu.memref_slice %arg8[%arg0, %add3A_861, %dma_start3A_862] : memref<2x10240x8xf32, #tpu.memory_space<hbm>> -> memref<1x64x8xf32, #tpu.memory_space<hbm>>
    %dma_start3A_864 = tpu.memref_squeeze %dma_start3A_863 : memref<1x64x8xf32, #tpu.memory_space<hbm>> -> memref<64x8xf32, #tpu.memory_space<hbm>>
    %dma_start3A_865 = arith.constant 0 : i32
    %dma_start3A_866 = tpu.memref_slice %arg10[%add3A_859, %dma_start3A_865] : memref<10240x8xf32, #tpu.memory_space<vmem_shared>> -> memref<64x8xf32, #tpu.memory_space<vmem_shared>>
    tpu.enqueue_dma source(%dma_start3A_866 : memref<64x8xf32, #tpu.memory_space<vmem_shared>>) target(%dma_start3A_864 : memref<64x8xf32, #tpu.memory_space<hbm>>) target_semaphore(%arg18 : memref<!tpu.dma_semaphore, #tpu.memory_space<semaphore_mem>>)
    %add3A_867 = arith.constant 0 : i32
    %add3A_868 = arith.addi %mul3A_2, %add3A_867 : i32
    %add3A_869 = arith.constant 0 : i32
    %add3A_870 = arith.addi %mul3A_2, %add3A_869 : i32
    %dma_wait3A_871 = arith.constant 0 : i32
    %dma_wait3A_872 = tpu.memref_slice %arg7[%arg0, %add3A_870, %dma_wait3A_871] : memref<2x10240x128xf32, #tpu.memory_space<hbm>> -> memref<1x64x128xf32, #tpu.memory_space<hbm>>
    %dma_wait3A_873 = tpu.memref_squeeze %dma_wait3A_872 : memref<1x64x128xf32, #tpu.memory_space<hbm>> -> memref<64x128xf32, #tpu.memory_space<hbm>>
    %dma_wait3A_874 = arith.constant 0 : i32
    %dma_wait3A_875 = tpu.memref_slice %arg9[%add3A_868, %dma_wait3A_874] : memref<10240x128xf32, #tpu.memory_space<vmem_shared>> -> memref<64x128xf32, #tpu.memory_space<vmem_shared>>
    tpu.wait_dma2 semaphore(%arg18 : memref<!tpu.dma_semaphore, #tpu.memory_space<semaphore_mem>>) src(%dma_wait3A_875 : memref<64x128xf32, #tpu.memory_space<vmem_shared>>) dst(%dma_wait3A_873 : memref<64x128xf32, #tpu.memory_space<hbm>>)
    %add3A_876 = arith.constant 0 : i32
    %add3A_877 = arith.addi %mul3A_2, %add3A_876 : i32
    %add3A_878 = arith.constant 0 : i32
    %add3A_879 = arith.addi %mul3A_2, %add3A_878 : i32
    %dma_wait3A_880 = arith.constant 0 : i32
    %dma_wait3A_881 = tpu.memref_slice %arg8[%arg0, %add3A_879, %dma_wait3A_880] : memref<2x10240x8xf32, #tpu.memory_space<hbm>> -> memref<1x64x8xf32, #tpu.memory_space<hbm>>
    %dma_wait3A_882 = tpu.memref_squeeze %dma_wait3A_881 : memref<1x64x8xf32, #tpu.memory_space<hbm>> -> memref<64x8xf32, #tpu.memory_space<hbm>>
    %dma_wait3A_883 = arith.constant 0 : i32
    %dma_wait3A_884 = tpu.memref_slice %arg10[%add3A_877, %dma_wait3A_883] : memref<10240x8xf32, #tpu.memory_space<vmem_shared>> -> memref<64x8xf32, #tpu.memory_space<vmem_shared>>
    tpu.wait_dma2 semaphore(%arg18 : memref<!tpu.dma_semaphore, #tpu.memory_space<semaphore_mem>>) src(%dma_wait3A_884 : memref<64x8xf32, #tpu.memory_space<vmem_shared>>) dst(%dma_wait3A_882 : memref<64x8xf32, #tpu.memory_space<hbm>>)
    %add3A_885 = arith.constant 64 : i32
    %add3A_886 = arith.addi %mul3A_2, %add3A_885 : i32
    %add3A_887 = arith.constant 64 : i32
    %add3A_888 = arith.addi %mul3A_2, %add3A_887 : i32
    %dma_wait3A_889 = arith.constant 0 : i32
    %dma_wait3A_890 = tpu.memref_slice %arg7[%arg0, %add3A_888, %dma_wait3A_889] : memref<2x10240x128xf32, #tpu.memory_space<hbm>> -> memref<1x64x128xf32, #tpu.memory_space<hbm>>
    %dma_wait3A_891 = tpu.memref_squeeze %dma_wait3A_890 : memref<1x64x128xf32, #tpu.memory_space<hbm>> -> memref<64x128xf32, #tpu.memory_space<hbm>>
    %dma_wait3A_892 = arith.constant 0 : i32
    %dma_wait3A_893 = tpu.memref_slice %arg9[%add3A_886, %dma_wait3A_892] : memref<10240x128xf32, #tpu.memory_space<vmem_shared>> -> memref<64x128xf32, #tpu.memory_space<vmem_shared>>
    tpu.wait_dma2 semaphore(%arg18 : memref<!tpu.dma_semaphore, #tpu.memory_space<semaphore_mem>>) src(%dma_wait3A_893 : memref<64x128xf32, #tpu.memory_space<vmem_shared>>) dst(%dma_wait3A_891 : memref<64x128xf32, #tpu.memory_space<hbm>>)
    %add3A_894 = arith.constant 64 : i32
    %add3A_895 = arith.addi %mul3A_2, %add3A_894 : i32
    %add3A_896 = arith.constant 64 : i32
    %add3A_897 = arith.addi %mul3A_2, %add3A_896 : i32
    %dma_wait3A_898 = arith.constant 0 : i32
    %dma_wait3A_899 = tpu.memref_slice %arg8[%arg0, %add3A_897, %dma_wait3A_898] : memref<2x10240x8xf32, #tpu.memory_space<hbm>> -> memref<1x64x8xf32, #tpu.memory_space<hbm>>
    %dma_wait3A_900 = tpu.memref_squeeze %dma_wait3A_899 : memref<1x64x8xf32, #tpu.memory_space<hbm>> -> memref<64x8xf32, #tpu.memory_space<hbm>>
    %dma_wait3A_901 = arith.constant 0 : i32
    %dma_wait3A_902 = tpu.memref_slice %arg10[%add3A_895, %dma_wait3A_901] : memref<10240x8xf32, #tpu.memory_space<vmem_shared>> -> memref<64x8xf32, #tpu.memory_space<vmem_shared>>
    tpu.wait_dma2 semaphore(%arg18 : memref<!tpu.dma_semaphore, #tpu.memory_space<semaphore_mem>>) src(%dma_wait3A_902 : memref<64x8xf32, #tpu.memory_space<vmem_shared>>) dst(%dma_wait3A_900 : memref<64x8xf32, #tpu.memory_space<hbm>>)
    %add3A_903 = arith.constant 128 : i32
    %add3A_904 = arith.addi %mul3A_2, %add3A_903 : i32
    %add3A_905 = arith.constant 128 : i32
    %add3A_906 = arith.addi %mul3A_2, %add3A_905 : i32
    %dma_wait3A_907 = arith.constant 0 : i32
    %dma_wait3A_908 = tpu.memref_slice %arg7[%arg0, %add3A_906, %dma_wait3A_907] : memref<2x10240x128xf32, #tpu.memory_space<hbm>> -> memref<1x64x128xf32, #tpu.memory_space<hbm>>
    %dma_wait3A_909 = tpu.memref_squeeze %dma_wait3A_908 : memref<1x64x128xf32, #tpu.memory_space<hbm>> -> memref<64x128xf32, #tpu.memory_space<hbm>>
    %dma_wait3A_910 = arith.constant 0 : i32
    %dma_wait3A_911 = tpu.memref_slice %arg9[%add3A_904, %dma_wait3A_910] : memref<10240x128xf32, #tpu.memory_space<vmem_shared>> -> memref<64x128xf32, #tpu.memory_space<vmem_shared>>
    tpu.wait_dma2 semaphore(%arg18 : memref<!tpu.dma_semaphore, #tpu.memory_space<semaphore_mem>>) src(%dma_wait3A_911 : memref<64x128xf32, #tpu.memory_space<vmem_shared>>) dst(%dma_wait3A_909 : memref<64x128xf32, #tpu.memory_space<hbm>>)
    %add3A_912 = arith.constant 128 : i32
    %add3A_913 = arith.addi %mul3A_2, %add3A_912 : i32
    %add3A_914 = arith.constant 128 : i32
    %add3A_915 = arith.addi %mul3A_2, %add3A_914 : i32
    %dma_wait3A_916 = arith.constant 0 : i32
    %dma_wait3A_917 = tpu.memref_slice %arg8[%arg0, %add3A_915, %dma_wait3A_916] : memref<2x10240x8xf32, #tpu.memory_space<hbm>> -> memref<1x64x8xf32, #tpu.memory_space<hbm>>
    %dma_wait3A_918 = tpu.memref_squeeze %dma_wait3A_917 : memref<1x64x8xf32, #tpu.memory_space<hbm>> -> memref<64x8xf32, #tpu.memory_space<hbm>>
    %dma_wait3A_919 = arith.constant 0 : i32
    %dma_wait3A_920 = tpu.memref_slice %arg10[%add3A_913, %dma_wait3A_919] : memref<10240x8xf32, #tpu.memory_space<vmem_shared>> -> memref<64x8xf32, #tpu.memory_space<vmem_shared>>
    tpu.wait_dma2 semaphore(%arg18 : memref<!tpu.dma_semaphore, #tpu.memory_space<semaphore_mem>>) src(%dma_wait3A_920 : memref<64x8xf32, #tpu.memory_space<vmem_shared>>) dst(%dma_wait3A_918 : memref<64x8xf32, #tpu.memory_space<hbm>>)
    %add3A_921 = arith.constant 192 : i32
    %add3A_922 = arith.addi %mul3A_2, %add3A_921 : i32
    %add3A_923 = arith.constant 192 : i32
    %add3A_924 = arith.addi %mul3A_2, %add3A_923 : i32
    %dma_wait3A_925 = arith.constant 0 : i32
    %dma_wait3A_926 = tpu.memref_slice %arg7[%arg0, %add3A_924, %dma_wait3A_925] : memref<2x10240x128xf32, #tpu.memory_space<hbm>> -> memref<1x64x128xf32, #tpu.memory_space<hbm>>
    %dma_wait3A_927 = tpu.memref_squeeze %dma_wait3A_926 : memref<1x64x128xf32, #tpu.memory_space<hbm>> -> memref<64x128xf32, #tpu.memory_space<hbm>>
    %dma_wait3A_928 = arith.constant 0 : i32
    %dma_wait3A_929 = tpu.memref_slice %arg9[%add3A_922, %dma_wait3A_928] : memref<10240x128xf32, #tpu.memory_space<vmem_shared>> -> memref<64x128xf32, #tpu.memory_space<vmem_shared>>
    tpu.wait_dma2 semaphore(%arg18 : memref<!tpu.dma_semaphore, #tpu.memory_space<semaphore_mem>>) src(%dma_wait3A_929 : memref<64x128xf32, #tpu.memory_space<vmem_shared>>) dst(%dma_wait3A_927 : memref<64x128xf32, #tpu.memory_space<hbm>>)
    %add3A_930 = arith.constant 192 : i32
    %add3A_931 = arith.addi %mul3A_2, %add3A_930 : i32
    %add3A_932 = arith.constant 192 : i32
    %add3A_933 = arith.addi %mul3A_2, %add3A_932 : i32
    %dma_wait3A_934 = arith.constant 0 : i32
    %dma_wait3A_935 = tpu.memref_slice %arg8[%arg0, %add3A_933, %dma_wait3A_934] : memref<2x10240x8xf32, #tpu.memory_space<hbm>> -> memref<1x64x8xf32, #tpu.memory_space<hbm>>
    %dma_wait3A_936 = tpu.memref_squeeze %dma_wait3A_935 : memref<1x64x8xf32, #tpu.memory_space<hbm>> -> memref<64x8xf32, #tpu.memory_space<hbm>>
    %dma_wait3A_937 = arith.constant 0 : i32
    %dma_wait3A_938 = tpu.memref_slice %arg10[%add3A_931, %dma_wait3A_937] : memref<10240x8xf32, #tpu.memory_space<vmem_shared>> -> memref<64x8xf32, #tpu.memory_space<vmem_shared>>
    tpu.wait_dma2 semaphore(%arg18 : memref<!tpu.dma_semaphore, #tpu.memory_space<semaphore_mem>>) src(%dma_wait3A_938 : memref<64x8xf32, #tpu.memory_space<vmem_shared>>) dst(%dma_wait3A_936 : memref<64x8xf32, #tpu.memory_space<hbm>>)
    %add3A_939 = arith.constant 256 : i32
    %add3A_940 = arith.addi %mul3A_2, %add3A_939 : i32
    %add3A_941 = arith.constant 256 : i32
    %add3A_942 = arith.addi %mul3A_2, %add3A_941 : i32
    %dma_wait3A_943 = arith.constant 0 : i32
    %dma_wait3A_944 = tpu.memref_slice %arg7[%arg0, %add3A_942, %dma_wait3A_943] : memref<2x10240x128xf32, #tpu.memory_space<hbm>> -> memref<1x64x128xf32, #tpu.memory_space<hbm>>
    %dma_wait3A_945 = tpu.memref_squeeze %dma_wait3A_944 : memref<1x64x128xf32, #tpu.memory_space<hbm>> -> memref<64x128xf32, #tpu.memory_space<hbm>>
    %dma_wait3A_946 = arith.constant 0 : i32
    %dma_wait3A_947 = tpu.memref_slice %arg9[%add3A_940, %dma_wait3A_946] : memref<10240x128xf32, #tpu.memory_space<vmem_shared>> -> memref<64x128xf32, #tpu.memory_space<vmem_shared>>
    tpu.wait_dma2 semaphore(%arg18 : memref<!tpu.dma_semaphore, #tpu.memory_space<semaphore_mem>>) src(%dma_wait3A_947 : memref<64x128xf32, #tpu.memory_space<vmem_shared>>) dst(%dma_wait3A_945 : memref<64x128xf32, #tpu.memory_space<hbm>>)
    %add3A_948 = arith.constant 256 : i32
    %add3A_949 = arith.addi %mul3A_2, %add3A_948 : i32
    %add3A_950 = arith.constant 256 : i32
    %add3A_951 = arith.addi %mul3A_2, %add3A_950 : i32
    %dma_wait3A_952 = arith.constant 0 : i32
    %dma_wait3A_953 = tpu.memref_slice %arg8[%arg0, %add3A_951, %dma_wait3A_952] : memref<2x10240x8xf32, #tpu.memory_space<hbm>> -> memref<1x64x8xf32, #tpu.memory_space<hbm>>
    %dma_wait3A_954 = tpu.memref_squeeze %dma_wait3A_953 : memref<1x64x8xf32, #tpu.memory_space<hbm>> -> memref<64x8xf32, #tpu.memory_space<hbm>>
    %dma_wait3A_955 = arith.constant 0 : i32
    %dma_wait3A_956 = tpu.memref_slice %arg10[%add3A_949, %dma_wait3A_955] : memref<10240x8xf32, #tpu.memory_space<vmem_shared>> -> memref<64x8xf32, #tpu.memory_space<vmem_shared>>
    tpu.wait_dma2 semaphore(%arg18 : memref<!tpu.dma_semaphore, #tpu.memory_space<semaphore_mem>>) src(%dma_wait3A_956 : memref<64x8xf32, #tpu.memory_space<vmem_shared>>) dst(%dma_wait3A_954 : memref<64x8xf32, #tpu.memory_space<hbm>>)
    %add3A_957 = arith.constant 320 : i32
    %add3A_958 = arith.addi %mul3A_2, %add3A_957 : i32
    %add3A_959 = arith.constant 320 : i32
    %add3A_960 = arith.addi %mul3A_2, %add3A_959 : i32
    %dma_wait3A_961 = arith.constant 0 : i32
    %dma_wait3A_962 = tpu.memref_slice %arg7[%arg0, %add3A_960, %dma_wait3A_961] : memref<2x10240x128xf32, #tpu.memory_space<hbm>> -> memref<1x64x128xf32, #tpu.memory_space<hbm>>
    %dma_wait3A_963 = tpu.memref_squeeze %dma_wait3A_962 : memref<1x64x128xf32, #tpu.memory_space<hbm>> -> memref<64x128xf32, #tpu.memory_space<hbm>>
    %dma_wait3A_964 = arith.constant 0 : i32
    %dma_wait3A_965 = tpu.memref_slice %arg9[%add3A_958, %dma_wait3A_964] : memref<10240x128xf32, #tpu.memory_space<vmem_shared>> -> memref<64x128xf32, #tpu.memory_space<vmem_shared>>
    tpu.wait_dma2 semaphore(%arg18 : memref<!tpu.dma_semaphore, #tpu.memory_space<semaphore_mem>>) src(%dma_wait3A_965 : memref<64x128xf32, #tpu.memory_space<vmem_shared>>) dst(%dma_wait3A_963 : memref<64x128xf32, #tpu.memory_space<hbm>>)
    %add3A_966 = arith.constant 320 : i32
    %add3A_967 = arith.addi %mul3A_2, %add3A_966 : i32
    %add3A_968 = arith.constant 320 : i32
    %add3A_969 = arith.addi %mul3A_2, %add3A_968 : i32
    %dma_wait3A_970 = arith.constant 0 : i32
    %dma_wait3A_971 = tpu.memref_slice %arg8[%arg0, %add3A_969, %dma_wait3A_970] : memref<2x10240x8xf32, #tpu.memory_space<hbm>> -> memref<1x64x8xf32, #tpu.memory_space<hbm>>
    %dma_wait3A_972 = tpu.memref_squeeze %dma_wait3A_971 : memref<1x64x8xf32, #tpu.memory_space<hbm>> -> memref<64x8xf32, #tpu.memory_space<hbm>>
    %dma_wait3A_973 = arith.constant 0 : i32
    %dma_wait3A_974 = tpu.memref_slice %arg10[%add3A_967, %dma_wait3A_973] : memref<10240x8xf32, #tpu.memory_space<vmem_shared>> -> memref<64x8xf32, #tpu.memory_space<vmem_shared>>
    tpu.wait_dma2 semaphore(%arg18 : memref<!tpu.dma_semaphore, #tpu.memory_space<semaphore_mem>>) src(%dma_wait3A_974 : memref<64x8xf32, #tpu.memory_space<vmem_shared>>) dst(%dma_wait3A_972 : memref<64x8xf32, #tpu.memory_space<hbm>>)
    %add3A_975 = arith.constant 384 : i32
    %add3A_976 = arith.addi %mul3A_2, %add3A_975 : i32
    %add3A_977 = arith.constant 384 : i32
    %add3A_978 = arith.addi %mul3A_2, %add3A_977 : i32
    %dma_wait3A_979 = arith.constant 0 : i32
    %dma_wait3A_980 = tpu.memref_slice %arg7[%arg0, %add3A_978, %dma_wait3A_979] : memref<2x10240x128xf32, #tpu.memory_space<hbm>> -> memref<1x64x128xf32, #tpu.memory_space<hbm>>
    %dma_wait3A_981 = tpu.memref_squeeze %dma_wait3A_980 : memref<1x64x128xf32, #tpu.memory_space<hbm>> -> memref<64x128xf32, #tpu.memory_space<hbm>>
    %dma_wait3A_982 = arith.constant 0 : i32
    %dma_wait3A_983 = tpu.memref_slice %arg9[%add3A_976, %dma_wait3A_982] : memref<10240x128xf32, #tpu.memory_space<vmem_shared>> -> memref<64x128xf32, #tpu.memory_space<vmem_shared>>
    tpu.wait_dma2 semaphore(%arg18 : memref<!tpu.dma_semaphore, #tpu.memory_space<semaphore_mem>>) src(%dma_wait3A_983 : memref<64x128xf32, #tpu.memory_space<vmem_shared>>) dst(%dma_wait3A_981 : memref<64x128xf32, #tpu.memory_space<hbm>>)
    %add3A_984 = arith.constant 384 : i32
    %add3A_985 = arith.addi %mul3A_2, %add3A_984 : i32
    %add3A_986 = arith.constant 384 : i32
    %add3A_987 = arith.addi %mul3A_2, %add3A_986 : i32
    %dma_wait3A_988 = arith.constant 0 : i32
    %dma_wait3A_989 = tpu.memref_slice %arg8[%arg0, %add3A_987, %dma_wait3A_988] : memref<2x10240x8xf32, #tpu.memory_space<hbm>> -> memref<1x64x8xf32, #tpu.memory_space<hbm>>
    %dma_wait3A_990 = tpu.memref_squeeze %dma_wait3A_989 : memref<1x64x8xf32, #tpu.memory_space<hbm>> -> memref<64x8xf32, #tpu.memory_space<hbm>>
    %dma_wait3A_991 = arith.constant 0 : i32
    %dma_wait3A_992 = tpu.memref_slice %arg10[%add3A_985, %dma_wait3A_991] : memref<10240x8xf32, #tpu.memory_space<vmem_shared>> -> memref<64x8xf32, #tpu.memory_space<vmem_shared>>
    tpu.wait_dma2 semaphore(%arg18 : memref<!tpu.dma_semaphore, #tpu.memory_space<semaphore_mem>>) src(%dma_wait3A_992 : memref<64x8xf32, #tpu.memory_space<vmem_shared>>) dst(%dma_wait3A_990 : memref<64x8xf32, #tpu.memory_space<hbm>>)
    %add3A_993 = arith.constant 448 : i32
    %add3A_994 = arith.addi %mul3A_2, %add3A_993 : i32
    %add3A_995 = arith.constant 448 : i32
    %add3A_996 = arith.addi %mul3A_2, %add3A_995 : i32
    %dma_wait3A_997 = arith.constant 0 : i32
    %dma_wait3A_998 = tpu.memref_slice %arg7[%arg0, %add3A_996, %dma_wait3A_997] : memref<2x10240x128xf32, #tpu.memory_space<hbm>> -> memref<1x64x128xf32, #tpu.memory_space<hbm>>
    %dma_wait3A_999 = tpu.memref_squeeze %dma_wait3A_998 : memref<1x64x128xf32, #tpu.memory_space<hbm>> -> memref<64x128xf32, #tpu.memory_space<hbm>>
    %dma_wait3A_1000 = arith.constant 0 : i32
    %dma_wait3A_1001 = tpu.memref_slice %arg9[%add3A_994, %dma_wait3A_1000] : memref<10240x128xf32, #tpu.memory_space<vmem_shared>> -> memref<64x128xf32, #tpu.memory_space<vmem_shared>>
    tpu.wait_dma2 semaphore(%arg18 : memref<!tpu.dma_semaphore, #tpu.memory_space<semaphore_mem>>) src(%dma_wait3A_1001 : memref<64x128xf32, #tpu.memory_space<vmem_shared>>) dst(%dma_wait3A_999 : memref<64x128xf32, #tpu.memory_space<hbm>>)
    %add3A_1002 = arith.constant 448 : i32
    %add3A_1003 = arith.addi %mul3A_2, %add3A_1002 : i32
    %add3A_1004 = arith.constant 448 : i32
    %add3A_1005 = arith.addi %mul3A_2, %add3A_1004 : i32
    %dma_wait3A_1006 = arith.constant 0 : i32
    %dma_wait3A_1007 = tpu.memref_slice %arg8[%arg0, %add3A_1005, %dma_wait3A_1006] : memref<2x10240x8xf32, #tpu.memory_space<hbm>> -> memref<1x64x8xf32, #tpu.memory_space<hbm>>
    %dma_wait3A_1008 = tpu.memref_squeeze %dma_wait3A_1007 : memref<1x64x8xf32, #tpu.memory_space<hbm>> -> memref<64x8xf32, #tpu.memory_space<hbm>>
    %dma_wait3A_1009 = arith.constant 0 : i32
    %dma_wait3A_1010 = tpu.memref_slice %arg10[%add3A_1003, %dma_wait3A_1009] : memref<10240x8xf32, #tpu.memory_space<vmem_shared>> -> memref<64x8xf32, #tpu.memory_space<vmem_shared>>
    tpu.wait_dma2 semaphore(%arg18 : memref<!tpu.dma_semaphore, #tpu.memory_space<semaphore_mem>>) src(%dma_wait3A_1010 : memref<64x8xf32, #tpu.memory_space<vmem_shared>>) dst(%dma_wait3A_1008 : memref<64x8xf32, #tpu.memory_space<hbm>>)
    %add3A_1011 = arith.constant 512 : i32
    %add3A_1012 = arith.addi %mul3A_2, %add3A_1011 : i32
    %add3A_1013 = arith.constant 512 : i32
    %add3A_1014 = arith.addi %mul3A_2, %add3A_1013 : i32
    %dma_wait3A_1015 = arith.constant 0 : i32
    %dma_wait3A_1016 = tpu.memref_slice %arg7[%arg0, %add3A_1014, %dma_wait3A_1015] : memref<2x10240x128xf32, #tpu.memory_space<hbm>> -> memref<1x64x128xf32, #tpu.memory_space<hbm>>
    %dma_wait3A_1017 = tpu.memref_squeeze %dma_wait3A_1016 : memref<1x64x128xf32, #tpu.memory_space<hbm>> -> memref<64x128xf32, #tpu.memory_space<hbm>>
    %dma_wait3A_1018 = arith.constant 0 : i32
    %dma_wait3A_1019 = tpu.memref_slice %arg9[%add3A_1012, %dma_wait3A_1018] : memref<10240x128xf32, #tpu.memory_space<vmem_shared>> -> memref<64x128xf32, #tpu.memory_space<vmem_shared>>
    tpu.wait_dma2 semaphore(%arg18 : memref<!tpu.dma_semaphore, #tpu.memory_space<semaphore_mem>>) src(%dma_wait3A_1019 : memref<64x128xf32, #tpu.memory_space<vmem_shared>>) dst(%dma_wait3A_1017 : memref<64x128xf32, #tpu.memory_space<hbm>>)
    %add3A_1020 = arith.constant 512 : i32
    %add3A_1021 = arith.addi %mul3A_2, %add3A_1020 : i32
    %add3A_1022 = arith.constant 512 : i32
    %add3A_1023 = arith.addi %mul3A_2, %add3A_1022 : i32
    %dma_wait3A_1024 = arith.constant 0 : i32
    %dma_wait3A_1025 = tpu.memref_slice %arg8[%arg0, %add3A_1023, %dma_wait3A_1024] : memref<2x10240x8xf32, #tpu.memory_space<hbm>> -> memref<1x64x8xf32, #tpu.memory_space<hbm>>
    %dma_wait3A_1026 = tpu.memref_squeeze %dma_wait3A_1025 : memref<1x64x8xf32, #tpu.memory_space<hbm>> -> memref<64x8xf32, #tpu.memory_space<hbm>>
    %dma_wait3A_1027 = arith.constant 0 : i32
    %dma_wait3A_1028 = tpu.memref_slice %arg10[%add3A_1021, %dma_wait3A_1027] : memref<10240x8xf32, #tpu.memory_space<vmem_shared>> -> memref<64x8xf32, #tpu.memory_space<vmem_shared>>
    tpu.wait_dma2 semaphore(%arg18 : memref<!tpu.dma_semaphore, #tpu.memory_space<semaphore_mem>>) src(%dma_wait3A_1028 : memref<64x8xf32, #tpu.memory_space<vmem_shared>>) dst(%dma_wait3A_1026 : memref<64x8xf32, #tpu.memory_space<hbm>>)
    %add3A_1029 = arith.constant 576 : i32
    %add3A_1030 = arith.addi %mul3A_2, %add3A_1029 : i32
    %add3A_1031 = arith.constant 576 : i32
    %add3A_1032 = arith.addi %mul3A_2, %add3A_1031 : i32
    %dma_wait3A_1033 = arith.constant 0 : i32
    %dma_wait3A_1034 = tpu.memref_slice %arg7[%arg0, %add3A_1032, %dma_wait3A_1033] : memref<2x10240x128xf32, #tpu.memory_space<hbm>> -> memref<1x64x128xf32, #tpu.memory_space<hbm>>
    %dma_wait3A_1035 = tpu.memref_squeeze %dma_wait3A_1034 : memref<1x64x128xf32, #tpu.memory_space<hbm>> -> memref<64x128xf32, #tpu.memory_space<hbm>>
    %dma_wait3A_1036 = arith.constant 0 : i32
    %dma_wait3A_1037 = tpu.memref_slice %arg9[%add3A_1030, %dma_wait3A_1036] : memref<10240x128xf32, #tpu.memory_space<vmem_shared>> -> memref<64x128xf32, #tpu.memory_space<vmem_shared>>
    tpu.wait_dma2 semaphore(%arg18 : memref<!tpu.dma_semaphore, #tpu.memory_space<semaphore_mem>>) src(%dma_wait3A_1037 : memref<64x128xf32, #tpu.memory_space<vmem_shared>>) dst(%dma_wait3A_1035 : memref<64x128xf32, #tpu.memory_space<hbm>>)
    %add3A_1038 = arith.constant 576 : i32
    %add3A_1039 = arith.addi %mul3A_2, %add3A_1038 : i32
    %add3A_1040 = arith.constant 576 : i32
    %add3A_1041 = arith.addi %mul3A_2, %add3A_1040 : i32
    %dma_wait3A_1042 = arith.constant 0 : i32
    %dma_wait3A_1043 = tpu.memref_slice %arg8[%arg0, %add3A_1041, %dma_wait3A_1042] : memref<2x10240x8xf32, #tpu.memory_space<hbm>> -> memref<1x64x8xf32, #tpu.memory_space<hbm>>
    %dma_wait3A_1044 = tpu.memref_squeeze %dma_wait3A_1043 : memref<1x64x8xf32, #tpu.memory_space<hbm>> -> memref<64x8xf32, #tpu.memory_space<hbm>>
    %dma_wait3A_1045 = arith.constant 0 : i32
    %dma_wait3A_1046 = tpu.memref_slice %arg10[%add3A_1039, %dma_wait3A_1045] : memref<10240x8xf32, #tpu.memory_space<vmem_shared>> -> memref<64x8xf32, #tpu.memory_space<vmem_shared>>
    tpu.wait_dma2 semaphore(%arg18 : memref<!tpu.dma_semaphore, #tpu.memory_space<semaphore_mem>>) src(%dma_wait3A_1046 : memref<64x8xf32, #tpu.memory_space<vmem_shared>>) dst(%dma_wait3A_1044 : memref<64x8xf32, #tpu.memory_space<hbm>>)
    return
  }
}

module attributes {stable_mosaic.version = 14 : i64} {
  func.func @_merge_body(%arg0: i32, %arg1: memref<2x1000x128xf32, #tpu.memory_space<vmem>>, %arg2: memref<2x1000x8xf32, #tpu.memory_space<vmem>>, %arg3: memref<1000x128xf32, #tpu.memory_space<vmem>>) attributes {dimension_semantics = [#tpu.dimension_semantics<arbitrary>], iteration_bounds = array<i64: 10>, scalar_prefetch = 0 : i64, scratch_operands = 0 : i64, tpu.core_type = #tpu.core_type<tc>, window_params = [{transform_indices = @transform_0, window_bounds = array<i64: 2, 1000, 128>}, {transform_indices = @transform_1, window_bounds = array<i64: 2, 1000, 8>}, {transform_indices = @transform_2, window_bounds = array<i64: 1000, 128>}]} {
    %get3A = arith.constant 0 : index
    %get3A_0 = arith.constant 0 : index
    %get3A_1 = arith.constant 0 : index
    %get3A_2 = vector.load %arg1[%get3A, %get3A_0, %get3A_1] : memref<2x1000x128xf32, #tpu.memory_space<vmem>>, vector<1x1000x128xf32>
    %get3A_3 = vector.shape_cast %get3A_2 : vector<1x1000x128xf32> to vector<1000x128xf32>
    %get3A_4 = arith.constant 1 : index
    %get3A_5 = arith.constant 0 : index
    %get3A_6 = arith.constant 0 : index
    %get3A_7 = vector.load %arg1[%get3A_4, %get3A_5, %get3A_6] : memref<2x1000x128xf32, #tpu.memory_space<vmem>>, vector<1x1000x128xf32>
    %get3A_8 = vector.shape_cast %get3A_7 : vector<1x1000x128xf32> to vector<1000x128xf32>
    %add3A = arith.addf %get3A_3, %get3A_8 : vector<1000x128xf32>
    %get3A_9 = arith.constant 0 : index
    %get3A_10 = arith.constant 0 : index
    %get3A_11 = arith.constant 0 : index
    %get3A_12 = vector.load %arg2[%get3A_9, %get3A_10, %get3A_11] : memref<2x1000x8xf32, #tpu.memory_space<vmem>>, vector<1x1000x1xf32>
    %get3A_13 = vector.shape_cast %get3A_12 : vector<1x1000x1xf32> to vector<1000x1xf32>
    %get3A_14 = arith.constant 1 : index
    %get3A_15 = arith.constant 0 : index
    %get3A_16 = arith.constant 0 : index
    %get3A_17 = vector.load %arg2[%get3A_14, %get3A_15, %get3A_16] : memref<2x1000x8xf32, #tpu.memory_space<vmem>>, vector<1x1000x1xf32>
    %get3A_18 = vector.shape_cast %get3A_17 : vector<1x1000x1xf32> to vector<1000x1xf32>
    %add3A_19 = arith.addf %get3A_13, %get3A_18 : vector<1000x1xf32>
    %max3A = arith.constant 1.000000e+00 : f32
    %max3A_20 = vector.broadcast %max3A : f32 to vector<1000x1xf32>
    %max3A_21 = arith.maximumf %add3A_19, %max3A_20 : vector<1000x1xf32>
    %div3A = vector.broadcast %max3A_21 : vector<1000x1xf32> to vector<1000x128xf32>
    %div3A_22 = arith.divf %add3A, %div3A : vector<1000x128xf32>
    %swap3A = arith.constant 0 : index
    %swap3A_23 = arith.constant 0 : index
    %swap3A_24 = vector.load %arg3[%swap3A, %swap3A_23] : memref<1000x128xf32, #tpu.memory_space<vmem>>, vector<1000x128xf32>
    tpu.vector_store %arg3[%swap3A, %swap3A_23], %div3A_22 {strides = array<i32>} : memref<1000x128xf32, #tpu.memory_space<vmem>>, vector<1000x128xf32>,
    return
  }
  func.func @transform_0(%arg0: i32) -> (i32, i32, i32) {
    %c0_i32 = arith.constant 0 : i32
    %c0_i32_0 = arith.constant 0 : i32
    %c0_i32_1 = arith.constant 0 : i32
    return %c0_i32, %arg0, %c0_i32_0 : i32, i32, i32
  }
  func.func @transform_1(%arg0: i32) -> (i32, i32, i32) {
    %c0_i32 = arith.constant 0 : i32
    %c0_i32_0 = arith.constant 0 : i32
    %c0_i32_1 = arith.constant 0 : i32
    return %c0_i32, %arg0, %c0_i32_0 : i32, i32, i32
  }
  func.func @transform_2(%arg0: i32) -> (i32, i32) {
    %c0_i32 = arith.constant 0 : i32
    %c0_i32_0 = arith.constant 0 : i32
    return %arg0, %c0_i32 : i32, i32
  }
}

</mosaic_0001>

<sc_bundles>
// kernel: kernel.4.cloned.1.call-start
scs
__scs_entry_jumppad:
0x0: {  	(pc) =	sbr.rel $0x88, $3  }
0x1: {  	(tag) =	ssettag $0x0;
	lr =	simm.s32 $0x1  }
0x2: {  	[smem:$0x3F9F] =	sst lr;
	_ =	strace $0xD0000000  }
0x3: {  	_ = 	snop  }
0x4: {  	_ = 	snop  }
0x5: {  	_ = 	snop  }
0x6: {  	_ = 	snop  }
0x7: {  	_ = 	snop  }
__scs_overlays_trampoline_lowered:
0x8: {  	[smem:$0x3FAE] =	sst s0  }
0x9: {  	[smem:$0x3FAF] =	sst s1  }
0xa: {  	[smem:$0x3FB0] =	sst s2  }
0xb: {  	[smem:$0x3FB1] =	sst s3  }
0xc: {  	[smem:$0x3FB2] =	sst s4  }
0xd: {  	[smem:$0x3FB3] =	sst s5  }
0xe: {  	[smem:$0x3FB4] =	sst s6  }
0xf: {  	[smem:$0x3FB5] =	sst s7  }
0x10: {  	[smem:$0x3FB6] =	sst s8  }
0x11: {  	[smem:$0x3FB7] =	sst s9;
	s0 =	simm.s32 @!p0 $0x0  }
0x12: {  	s1 =	sld [smem:$0x3F9D];
	s0 =	simm.s32 @p0 $0x1  }
0x13: {  	[smem:$0x3FB8] =	sst s0;
	s0 =	simm.s32 @!p1 $0x0  }
0x14: {  	s2 =	sld [smem:$0x3F9C];
	s0 =	simm.s32 @p1 $0x1  }
0x15: {  	[smem:$0x3FB9] =	sst s0;
	s0 =	simm.s32 @!p2 $0x0  }
0x16: {  	s3 =	sld [smem:$0x3FDB];
	s0 =	simm.s32 @p2 $0x1  }
0x17: {  	s4 =	simm.s32 $0x1BF5;
	[smem:$0x3FBB] =	sst s0  }
0x18: {  	s0 =	sld [smem:$0x3F9E];
	_ =	swait.ge [sflag:s4], $0x0  }
0x19: {  	s7 =	sld [smem:$0x3F9F]  }
0x1a: {  	s8 =	sadd.s32 $0xFFFFE003, lr  }
0x1b: {  	s9 =	sadd.s32 $0xFFFFFEF7, lr;
	s5 =	simm.s32 $0xFFFFFFFF;
	p2 =	slt.u32 s8, $0xFFFFF086  }
0x1c: {  	p1 =	slt.u32 s9, $0xF7A;
	s5 =	simm.s32 @!p2 $0x0  }
0x1d: {  	s5 =	simm.s32 @p1 $0x1;
	p0 =	seq.s32 s7, s2  }
0x1e: {  	s7 =	smul.u32 @!p0 $0xF7A, s2;
	p2 =	seq.s32 @!p0 s5, $0x0  }
0x1f: {  	s9 =	smul.u32 $0xF7A, s1;
	s8 =	simm.s32 @!p0 $0x1BF5;
	p2 =	por !p2, p0  }
0x20: {  	[sflag:s8] =	ssyncset.s32 @!p0 $0xFFFFF086;
	s6 =	sadd.s32 @!p0 s3, s7;
	s7 =	simm.s32 @!p0 $0x108  }
0x21: {  	s3 =	sadd.s32 s3, s9;
	s6 =	sadd.s32 @!p0 $0x88, s6;
	s7 =	simm.s32 @p2 $0x1082  }
0x22: {  	[simem:s7], [sflag:s8] =	dma.local @!p0 [hbm:s6], $0xF7A  }
0x23: {  	s9 =	sor.u32 $0xD0000000, s2;
	s6 =	simm.s32 $0x108;
	_ =	swait.ge @!p0 [sflag:s8], $0x0  }
0x24: {  	s3 =	sadd.s32 $0x88, s3;
	s6 =	simm.s32 @!p1 $0x1082;
	[sflag:s4] =	ssyncset.s32 $0xFFFFF086  }
0x25: {  	[simem:s6], [sflag:s4] =	dma.local [hbm:s3], $0xF7A  }
0x26: {  	[smem:$0x3F9F] =	sst s1;
	(tag) =	ssettag s2;
	_ =	strace s9  }
0x27: {  	s1 =	sld [smem:$0x3FAF]  }
0x28: {  	s2 =	sld [smem:$0x3FB0]  }
0x29: {  	s4 =	sld [smem:$0x3FB2]  }
0x2a: {  	p0 =	seq.s32 s5, $0x0;
	s5 =	sld [smem:$0x3FB3]  }
0x2b: {  	s6 =	sld [smem:$0x3FB4]  }
0x2c: {  	s7 =	sld [smem:$0x3FB5]  }
0x2d: {  	s3 =	simm.s32 $0x108;
	s8 =	sld [smem:$0x3FB6]  }
0x2e: {  	s3 =	simm.s32 @!p0 $0x1082;
	s9 =	sld [smem:$0x3FB7]  }
0x2f: {  	lr =	sadd.s32 s0, s3;
	s0 =	sld [smem:$0x3FAE]  }
0x30: {  	s3 =	sld [smem:$0x3FB1]  }
0x31: {  	[smem:$0x3FBA] =	sst s10  }
0x32: {  	s10 =	sld [smem:$0x3FB8];
	_ =	sdelay $0x3  }
0x33: {  	p0 =	seq.s32 s10, $0x1;
	s10 =	sld [smem:$0x3FBA];
	_ =	sdelay $0x3  }
0x34: {  	[smem:$0x3FBA] =	sst s10  }
0x35: {  	s10 =	sld [smem:$0x3FB9];
	_ =	sdelay $0x3  }
0x36: {  	p1 =	seq.s32 s10, $0x1;
	s10 =	sld [smem:$0x3FBA];
	_ =	sdelay $0x3  }
0x37: {  	[smem:$0x3FBA] =	sst s10  }
0x38: {  	s10 =	sld [smem:$0x3FBB]  }
0x39: {  	_ = 	snop;
	(pc) =	sbr.ind lr, $3  }
0x3a: {  	_ = 	snop  }
0x3b: {  	_ = 	snop  }
0x3c: {  	p2 =	seq.s32 s10, $0x1;
	s10 =	sld [smem:$0x3FBA]  }
0x3d: {  	_ =	shalt  }
0x3e: {  	_ =	shalt  }
0x3f: {  	_ =	shalt  }
0x40: {  	_ =	shalt  }
0x41: {  	_ =	shalt  }
0x42: {  	_ =	shalt  }
0x43: {  	_ =	shalt  }
0x44: {  	_ =	shalt  }
0x45: {  	_ =	shalt  }
0x46: {  	_ =	shalt  }
0x47: {  	_ =	shalt  }
0x48: {  	_ =	shalt  }
0x49: {  	_ =	shalt  }
0x4a: {  	_ =	shalt  }
0x4b: {  	_ =	shalt  }
0x4c: {  	_ =	shalt  }
0x4d: {  	_ =	shalt  }
0x4e: {  	_ =	shalt  }
0x4f: {  	_ =	shalt  }
0x50: {  	_ =	shalt  }
0x51: {  	_ =	shalt  }
0x52: {  	_ =	shalt  }
0x53: {  	_ =	shalt  }
0x54: {  	_ =	shalt  }
0x55: {  	_ =	shalt  }
0x56: {  	_ =	shalt  }
0x57: {  	_ =	shalt  }
0x58: {  	_ =	shalt  }
0x59: {  	_ =	shalt  }
0x5a: {  	_ =	shalt  }
0x5b: {  	_ =	shalt  }
0x5c: {  	_ =	shalt  }
0x5d: {  	_ =	shalt  }
0x5e: {  	_ =	shalt  }
0x5f: {  	_ =	shalt  }
0x60: {  	_ =	shalt  }
0x61: {  	_ =	shalt  }
0x62: {  	_ =	shalt  }
0x63: {  	_ =	shalt  }
0x64: {  	_ =	shalt  }
0x65: {  	_ =	shalt  }
0x66: {  	_ =	shalt  }
0x67: {  	_ =	shalt  }
0x68: {  	_ =	shalt  }
0x69: {  	_ =	shalt  }
0x6a: {  	_ =	shalt  }
0x6b: {  	_ =	shalt  }
0x6c: {  	_ =	shalt  }
0x6d: {  	_ =	shalt  }
0x6e: {  	_ =	shalt  }
0x6f: {  	_ =	shalt  }
0x70: {  	_ =	shalt  }
0x71: {  	_ =	shalt  }
0x72: {  	_ =	shalt  }
0x73: {  	_ =	shalt  }
0x74: {  	_ =	shalt  }
0x75: {  	_ =	shalt  }
0x76: {  	_ =	shalt  }
0x77: {  	_ =	shalt  }
0x78: {  	_ =	shalt  }
0x79: {  	_ =	shalt  }
0x7a: {  	_ =	shalt  }
0x7b: {  	_ =	shalt  }
0x7c: {  	_ =	shalt  }
0x7d: {  	_ =	shalt  }
0x7e: {  	_ =	shalt  }
0x7f: {  	_ =	shalt  }
0x80: {  	_ =	shalt  }
0x81: {  	_ =	shalt  }
0x82: {  	_ =	shalt  }
0x83: {  	_ =	shalt  }
0x84: {  	_ =	shalt  }
0x85: {  	_ =	shalt  }
0x86: {  	_ =	shalt  }
0x87: {  	_ =	shalt  }
.Lfunc_end0:
.L_simem_size_0:
called_computation_lowered:
.L_overlay_start_0:
0x88: {  	s2 =	sld [smem:$0x3FD9]  }
0x89: {  	s3 =	sld [smem:$0x3FFE];
	_ =	sdelay $0x1  }
0x8a: {  	s1 =	srdreg.scid  }
0x8b: {  	s0 =	sand.u32 $0x1, s1  }
0x8c: {  	s17 =	sshll.u32 s0, $0xA;
	s2 =	sadd.s32 s3, s2  }
0x8d: {  	s2 =	sadd.s32 s2, s17  }
0x8e: {  	[smem:$0x3FC6] =	sst s2  }
0x8f: {  	_ = 	snop  }
0x90: {  	s2 =	sld [smem:$0x3FC9]  }
0x91: {  	s18 =	sld [smem:$0x3FC8]  }
0x92: {  	s4 =	sld [smem:$0x3FD0];
	(tm) =	ssettm $0x1  }
0x93: {  	s5 =	sld [smem:$0x3FFB];
	_ =	sdelay $0x3  }
0x94: {  	_ =	strace s5  }
0x95: {  	s5 =	sld [smem:$0x3FFC];
	_ =	sdelay $0x3  }
0x96: {  	_ =	strace s5  }
0x97: {  	s5 =	sld [smem:$0x3FFD];
	_ =	sdelay $0x3  }
0x98: {  	_ =	strace s5  }
0x99: {  	_ =	strace $0x8FFFFFFF  }
0x9a: {  	s19 =	sld [smem:$0x3FDB];
	_ =	sdelay $0x1  }
0x9b: {  	s6 =	simm.s32 $_scs_section_size  }
0x9c: {  	s7 =	simm.s32 $_size__tile_overlayer_lowered;
	s8 =	simm.s32 $_tile_overlayer_lowered  }
0x9d: {  	s22 =	simm.s32 $0x1BFF;
	s21 =	sshll.u32 s8, $0x1;
	s5 =	sadd.s32 s6, s19  }
0x9e: {  	s9 =	simm.s32 $0x0;
	s20 =	sshll.u32 s7, $0x1;
	s7 =	sadd.s32 s21, s5  }
0x9f: {  	[timem:s9], [sflag:s22] =	dma.local [hbm:s7], s20  }
0xa0: {  	_ =	swait.ge [sflag:s22], s20  }
0xa1: {  	s6 =	ssub.s32 $0x0, s20;
	[sflag:s22] =	ssyncset.done $0x0  }
0xa2: {  	[sflag:s22] =	ssyncadd.s32 s6;
	_ =	sdelay $0x1  }
0xa3: {  	s23 =	simm.s32 $0x1B8B  }
0xa4: {  	_ =	swait.ge [sflag:s23], $0x1  }
0xa5: {  	[sflag:s23] =	ssyncset.done $0x0  }
0xa6: {  	s25 =	simm.s32 $0x1B8E;
	s24 =	sld [smem:$0x3FFE];
	[sflag:s23] =	ssyncadd.s32 $0xFFFFFFFF  }
0xa7: {  	s26 =	simm.s32 $execute0_lowered;
	[smem:$0x3FD2] =	sst s25  }
0xa8: {  	s7 =	sshll.u32 s26, $0x1;
	_ =	strace $0x80000046;
	[dreg:$0x1] =	wrdreg $0xFFFFFFFF  }
0xa9: {  	s28 =	simm.s32 $_size_execute0_lowered;
	s5 =	sadd.s32 s5, s7;
	[dreg:$0x0] =	wrdreg $0x0  }
0xaa: {  	s7 =	sshll.u32 s28, $0x1;
	[dreg:$0x2] =	wrdreg s5  }
0xab: {  	[dreg:$0x3] =	wrdreg s7  }
0xac: {  	[dreg:$0x4] =	wrdreg $0xC0  }
0xad: {  	_ =	task [dreg:s9], $0x5FFFF  }
0xae: {  	[dreg:$0x1] =	wrdreg $0xFFFFFFFF  }
0xaf: {  	[dreg:$0x0] =	wrdreg $0x60  }
0xb0: {  	[dreg:$0x2] =	wrdreg s2  }
0xb1: {  	[dreg:$0x3] =	wrdreg s18  }
0xb2: {  	[dreg:$0x4] =	wrdreg s24  }
0xb3: {  	[dreg:$0x5] =	wrdreg s4  }
0xb4: {  	[dreg:$0x6] =	wrdreg $0x0  }
0xb5: {  	[dreg:$0x7] =	wrdreg $0x140000  }
0xb6: {  	[dreg:$0x8] =	wrdreg $0x9  }
0xb7: {  	_ =	task.clear_ibuf [dreg:s9], $0x9FFFF;
	_ =	strace $0x90000046  }
0xb8: {  	s29 =	simm.s32 $0x9;
	_ =	strace $0x80000048  }
0xb9: {  	_ =	swait.ge [sflag:s29], $0x1  }
0xba: {  	[sflag:s29] =	ssyncadd.s32 $0xFFFFFFFF  }
0xbb: {  	_ =	strace $0x90000048  }
0xbc: {  	_ =	sfence  }
0xbd: {  	s30 =	sld [smem:$0x0];
	_ =	sdelay $0x2  }
0xbe: {  	s31 =	sshll.u32 s1, $0xD;
	s1 =	sshrl.u32 s1, $0x2  }
0xbf: {  	s3 =	sand.u32 $0x4000, s31;
	s1 =	sadd.s32 s1, s30  }
0xc0: {  	s0 =	sor.u32 s3, s0;
	s1 =	sshll.u32 s1, $0x11  }
0xc1: {  	s0 =	sor.u32 s1, s0  }
0xc2: {  	s0 =	sadd.s32 $0x8F2B, s0  }
0xc3: {  	[sflag:s0] =	ssyncadd.remote.s32 $0x1  }
0xc4: {  	_ =	sfence.sel $0xFFFF  }
0xc5: {  	[dreg:$0x0] =	wrdreg $0xFFFFFFFF;
	(pc) =	sbr.abs _section_cstart, $3  }
0xc6: {  	[dreg:$0x1] =	wrdreg $0xFFFFFFFF  }
0xc7: {  	_ =	task.clear_ibuf [dreg:s9], $0x2FFFF;
	_ =	strace $0x9FFFFFFF  }
0xc8: {  	(tm) =	ssettm $0x7FFFFFFF  }
0xc9: {  	_ =	shalt  }
tec
execute0_lowered:
.L_overlay_start_1:
0x0: {  	(tag) =	ssettag $0x1  }
0x1: {  	s0 =	srdreg.scid  }
0x2: {  	s23 =	rddreg [dreg:$0x2];
	s19 =	stileid.u32;
	s1 =	simm.s32 $0x0  }
0x3: {  	s28 =	sand.u32 $0x1, s0;
	s2 =	smul.u32 $0x280, s19;
	[smem:$0x7FF] =	sst s1  }
0x4: {  	s24 =	sadd.s32 $0xE00, s23;
	s0 =	ssub.s32 $0x2, s28;
	s11 =	smul.u32 $0x140000, s28  }
0x5: {  	s3 =	sshrl.u32 s0, $0x1;
	s12 =	sor.u32 $0x40, s2;
	s13 =	sadd.s32 $0x80, s2  }
0x6: {  	s10 =	sadd.s32 $0xC0, s2;
	s16 =	sadd.s32 $0x100, s2;
	s0 =	ssub.s32 s0, s3  }
0x7: {  	s9 =	sadd.s32 $0x140, s2;
	s7 =	sshll.u32 s12, $0x7;
	[smem:$0x7EC] =	sst s0  }
0x8: {  	s15 =	sadd.s32 $0x180, s2;
	s5 =	sshll.u32 s13, $0x7;
	[smem:$0x7D8] =	sst s7  }
0x9: {  	s17 =	sadd.s32 $0x1C0, s2;
	s6 =	sshll.u32 s10, $0x7;
	[smem:$0x7D9] =	sst s5  }
0xa: {  	s18 =	sadd.s32 $0x200, s2;
	s4 =	sshll.u32 s16, $0x7;
	[smem:$0x7DB] =	sst s6  }
0xb: {  	s20 =	sadd.s32 $0x240, s2;
	s8 =	sshll.u32 s9, $0x7;
	[smem:$0x7DC] =	sst s4  }
0xc: {  	s2 =	sshll.u32 s28, $0x4;
	s3 =	smul.u32 $0x14000, s19;
	[smem:$0x7DE] =	sst s8  }
0xd: {  	s21 =	sadd.s32 s11, s7;
	s22 =	sadd.s32 s11, s5;
	s14 =	sadd.s32 s11, s6  }
0xe: {  	s7 =	sshll.u32 s15, $0x7;
	[smem:$0x7D7] =	sst s3;
	s26 =	sshrl.u32 s14, $0x3  }
0xf: {  	s0 =	sadd.s32 s3, s11;
	[smem:$0x7E1] =	sst s7;
	s5 =	sadd.s32 s24, s26  }
0x10: {  	s0 =	sshrl.u32 s0, $0x3;
	s26 =	sshll.u32 s18, $0x7;
	[dreg:$0xe] =	wrdreg s5  }
0x11: {  	s6 =	sadd.s32 s11, s4;
	s0 =	sadd.s32 s24, s0;
	[smem:$0x7E6] =	sst s26  }
0x12: {  	s25 =	sshrl.u32 s22, $0x3;
	[dreg:$0xb] =	wrdreg s0;
	s0 =	sshrl.u32 s21, $0x3  }
0x13: {  	s21 =	sadd.s32 s11, s7;
	s7 =	rddreg [dreg:$0x3];
	s0 =	sadd.s32 s24, s0  }
0x14: {  	s8 =	sadd.s32 s11, s8;
	[dreg:$0xc] =	wrdreg s0;
	s0 =	sadd.s32 s24, s25  }
0x15: {  	s4 =	sadd.s32 s11, s26;
	s25 =	sshll.u32 s17, $0x7;
	[dreg:$0xd] =	wrdreg s0  }
0x16: {  	s22 =	sshrl.u32 s21, $0x3;
	s21 =	sshll.u32 s20, $0x7;
	[smem:$0x7E4] =	sst s25  }
0x17: {  	s5 =	sadd.s32 s11, s21;
	s0 =	sshrl.u32 s6, $0x3;
	s6 =	rddreg [dreg:$0x0]  }
0x18: {  	s3 =	sadd.s32 s11, s25;
	s11 =	rddreg [dreg:$0x4];
	s0 =	sadd.s32 s24, s0  }
0x19: {  	s29 =	sor.u32 s19, s2;
	s14 =	sshrl.u32 s8, $0x3;
	[dreg:$0xf] =	wrdreg s0  }
0x1a: {  	s26 =	smul.u32 $0x2700, s19;
	s0 =	sadd.s32 s24, s14;
	s14 =	rddreg [dreg:$0x5]  }
0x1b: {  	s19 =	smul.u32 $0x1400, s19;
	[dreg:$0x10] =	wrdreg s0;
	s0 =	sadd.s32 s24, s22  }
0x1c: {  	s25 =	smul.u32 $0x27000, s28;
	[dreg:$0x11] =	wrdreg s0;
	s0 =	sshrl.u32 s3, $0x3  }
0x1d: {  	s22 =	sshrl.u32 s5, $0x3;
	s3 =	sshrl.u32 s4, $0x3;
	s0 =	sadd.s32 s24, s0  }
0x1e: {  	s8 =	sadd.s32 s24, s3;
	s24 =	sadd.s32 s24, s22;
	[dreg:$0x12] =	wrdreg s0  }
0x1f: {  	s3 =	smul.u32 $0x2700, s29;
	[dreg:$0x13] =	wrdreg s8;
	s0 =	sadd.s32 s26, s25  }
0x20: {  	[dreg:$0x14] =	wrdreg s24;
	s8 =	smul.u32 $0x27000, s29;
	s22 =	sadd.s32 $0x1C0, s0  }
0x21: {  	_ =	strace $0x80000047;
	s25 =	sadd.s32 $0x180, s0;
	s4 =	sshll.u32 s22, $0x4  }
0x22: {  	s26 =	sadd.s32 $0x140, s0;
	s30 =	sshll.u32 s25, $0x4;
	s5 =	sadd.s32 s4, s6  }
0x23: {  	s24 =	sshll.u32 s26, $0x4;
	s31 =	sadd.s32 s30, s6;
	[dreg:$0x7] =	wrdreg s5  }
0x24: {  	s30 =	sor.u32 $0x40, s3;
	[dreg:$0x8] =	wrdreg s31;
	s5 =	sadd.s32 s6, s8  }
0x25: {  	s2 =	sadd.s32 s24, s6;
	s31 =	sshll.u32 s30, $0x4;
	[dreg:$0x15] =	wrdreg s5  }
0x26: {  	s8 =	sadd.s32 s6, s31;
	s31 =	sor.u32 $0x80, s3;
	s5 =	smul.u32 $0x14000, s28  }
0x27: {  	[dreg:$0x16] =	wrdreg s8;
	s8 =	sor.u32 $0xC0, s3;
	s28 =	sshll.u32 s31, $0x4  }
0x28: {  	[dreg:$0x9] =	wrdreg s2;
	s24 =	sshll.u32 s8, $0x4;
	s3 =	sadd.s32 s6, s28  }
0x29: {  	s4 =	sadd.s32 s19, s5;
	s19 =	sadd.s32 s19, s14;
	[dreg:$0x17] =	wrdreg s3  }
0x2a: {  	s2 =	sadd.s32 s6, s24;
	[smem:$0x7F2] =	sst s19  }
0x2b: {  	s24 =	sshll.u32 s29, $0x6;
	s3 =	sadd.s32 $0x100, s0;
	[dreg:$0x18] =	wrdreg s2  }
0x2c: {  	s4 =	sshrl.u32 s4, $0x3;
	[dreg:$0x19] =	wrdreg s3;
	s0 =	sshll.u32 s3, $0x4  }
0x2d: {  	s3 =	sadd.s32 s7, s4;
	s2 =	sshrl.u32 s5, $0x3;
	s4 =	sadd.s32 s7, s12  }
0x2e: {  	s28 =	sadd.s32 $0x4DA00, s24;
	[dreg:$0x1b] =	wrdreg s3;
	s3 =	sadd.s32 s2, s4  }
0x2f: {  	s24 =	sshll.u32 s28, $0x4;
	s0 =	sadd.s32 s0, s6;
	[dreg:$0x1c] =	wrdreg s3  }
0x30: {  	s5 =	sadd.s32 s7, s13;
	s24 =	sadd.s32 s6, s24;
	[dreg:$0xa] =	wrdreg s0  }
0x31: {  	s6 =	sadd.s32 s2, s5;
	s5 =	sadd.s32 s7, s9;
	[dreg:$0x1a] =	wrdreg s24  }
0x32: {  	[dreg:$0x1d] =	wrdreg s6;
	s6 =	sadd.s32 s2, s5  }
0x33: {  	s24 =	sadd.s32 s7, s10;
	s5 =	sadd.s32 s7, s18;
	[smem:$0x7CF] =	sst s6  }
0x34: {  	s3 =	sadd.s32 s2, s24;
	s6 =	sadd.s32 s2, s5;
	s5 =	sld [smem:$0x7D8]  }
0x35: {  	s4 =	sadd.s32 s7, s16;
	[dreg:$0x1e] =	wrdreg s3  }
0x36: {  	s3 =	sadd.s32 s2, s4;
	[smem:$0x7D2] =	sst s6  }
0x37: {  	s6 =	sshll.u32 s12, $0x3;
	s12 =	sshll.u32 s13, $0x3;
	s13 =	rddreg [dreg:$0x1]  }
0x38: {  	s24 =	sadd.s32 s7, s15;
	[dreg:$0x1f] =	wrdreg s3  }
0x39: {  	s3 =	sadd.s32 s2, s24;
	s0 =	sadd.s32 s12, s14;
	s12 =	sld [smem:$0x7DE]  }
0x3a: {  	s24 =	sadd.s32 $0xA00, s23;
	[smem:$0x7D0] =	sst s3  }
0x3b: {  	s4 =	sadd.s32 s7, s17;
	[smem:$0x7D4] =	sst s24  }
0x3c: {  	s7 =	sadd.s32 s7, s20;
	s3 =	sadd.s32 s2, s4;
	s4 =	sld [smem:$0x7D7]  }
0x3d: {  	s2 =	sadd.s32 s2, s7;
	s7 =	sld [smem:$0x7D9]  }
0x3e: {  	[smem:$0x7DA] =	sst s0  }
0x3f: {  	[smem:$0x7D1] =	sst s3  }
0x40: {  	[smem:$0x7D3] =	sst s2  }
0x41: {  	s2 =	sadd.s32 $0x800, s23;
	s3 =	sadd.s32 $0x600, s23;
	s23 =	sld [smem:$0x7DB]  }
0x42: {  	s24 =	sshll.u32 s10, $0x3;
	s10 =	sshll.u32 s16, $0x3;
	[smem:$0x7D5] =	sst s2  }
0x43: {  	s0 =	sadd.s32 s10, s14;
	[smem:$0x7D6] =	sst s3  }
0x44: {  	[smem:$0x7DD] =	sst s0  }
0x45: {  	s0 =	sadd.s32 s12, s11;
	s12 =	sld [smem:$0x7E4];
	s3 =	sadd.s32 s4, s11  }
0x46: {  	s4 =	sadd.s32 s5, s11;
	s2 =	sadd.s32 s7, s11;
	s7 =	sld [smem:$0x7DC]  }
0x47: {  	s5 =	sadd.s32 s6, s14;
	[smem:$0x7DF] =	sst s0;
	s16 =	smov.u32 s2  }
0x48: {  	s2 =	sshll.u32 s9, $0x3;
	s9 =	smov.u32 s3;
	s3 =	sld [smem:$0x7E6]  }
0x49: {  	s10 =	sshll.u32 s15, $0x3;
	s15 =	smov.u32 s5;
	[smem:$0x7F1] =	sst s9  }
0x4a: {  	[smem:$0x7F4] =	sst s15  }
0x4b: {  	s6 =	sadd.s32 s23, s11;
	s23 =	sadd.s32 s24, s14;
	[smem:$0x7F5] =	sst s16  }
0x4c: {  	s5 =	sshll.u32 s18, $0x3;
	s0 =	sadd.s32 s2, s14;
	[smem:$0x7F7] =	sst s23  }
0x4d: {  	s18 =	sshll.u32 s20, $0x3;
	s2 =	sshll.u32 s17, $0x3;
	[smem:$0x7E0] =	sst s0  }
0x4e: {  	s17 =	smov.u32 s6;
	s24 =	sadd.s32 s7, s11;
	s7 =	sld [smem:$0x7E1]  }
0x4f: {  	s20 =	sshrl.u32 s30, $0x3;
	s30 =	sadd.s32 s18, s14;
	[smem:$0x7F6] =	sst s17  }
0x50: {  	[smem:$0x7FD] =	sst s30  }
0x51: {  	p0 =	slt.u32 s29, $0x18;
	s6 =	sadd.s32 s2, s14;
	[smem:$0x7F8] =	sst s24  }
0x52: {  	s26 =	sshrl.u32 s26, $0x3;
	[smem:$0x7F9] =	sst s6;
	s0 =	sadd.s32 s7, s11  }
0x53: {  	[smem:$0x7E2] =	sst s0;
	s0 =	sadd.s32 s10, s14;
	s10 =	sadd.s32 s5, s14  }
0x54: {  	s5 =	sadd.s32 s21, s11;
	s21 =	sadd.s32 s13, s20;
	s20 =	sld [smem:$0x7EC]  }
0x55: {  	s2 =	sshrl.u32 s31, $0x3;
	s31 =	simm.s32 $0xC;
	[smem:$0x7E3] =	sst s0  }
0x56: {  	s7 =	smul.u32 $0x4E0, s29;
	s29 =	simm.s32 $0x8;
	[smem:$0x7E8] =	sst s21  }
0x57: {  	s0 =	sadd.s32 s12, s11;
	s12 =	sadd.s32 s3, s11;
	[smem:$0x7FB] =	sst s10  }
0x58: {  	s3 =	sshrl.u32 s8, $0x3;
	s8 =	smov.u32 s4;
	[smem:$0x7FC] =	sst s5  }
0x59: {  	s4 =	sshrl.u32 s28, $0x3;
	s21 =	sshrl.u32 s22, $0x3;
	[smem:$0x7E5] =	sst s0  }
0x5a: {  	s22 =	sshrl.u32 s25, $0x3;
	s28 =	simm.s32 $0x4;
	[smem:$0x7F3] =	sst s8  }
0x5b: {  	s0 =	sadd.s32 s13, s7;
	s7 =	sadd.s32 s13, s3;
	[smem:$0x7FA] =	sst s12  }
0x5c: {  	s18 =	sadd.s32 s13, s4;
	s25 =	sadd.s32 s22, s13;
	[smem:$0x7E7] =	sst s0  }
0x5d: {  	s3 =	simm.s32 $0x15400;
	s22 =	simm.s32 $0xA;
	[smem:$0x7EA] =	sst s7  }
0x5e: {  	s4 =	simm.s32 $0x0;
	s0 =	sadd.s32 s13, s2;
	[smem:$0x7EB] =	sst s18  }
0x5f: {  	[smem:$0x7EF] =	sst s25;
	s2 =	simm.s32 $0xE;
	s7 =	simm.s32 $0xD  }
0x60: {  	s18 =	simm.s32 $0x40;
	[smem:$0x7E9] =	sst s0;
	s0 =	smax.u32 s20, $0x1  }
0x61: {  	s25 =	simm.s32 $0x7;
	[smem:$0x7ED] =	sst s0;
	s0 =	sadd.s32 s21, s13  }
0x62: {  	s20 =	simm.s32 $0x1D500;
	[smem:$0x7EE] =	sst s0;
	s0 =	sadd.s32 s26, s13  }
0x63: {  	s21 =	simm.s32 $0x9;
	s26 =	simm.s32 $0xB;
	[smem:$0x7F0] =	sst s0  }
.LBB2_1:
0x64: {  	s0 =	sld [smem:$0x7D4];
	_ =	sdelay $0x1  }
0x65: {  	[smem:$0x7CE] =	sst s4  }
0x66: {  	[tilespmem:s3], [sflag:$0xE] =	stream.linear.gather [hbm4b:s0+s1], $0x2000, $0x38;
	[tilespmem:$0x1D900] =	vst v63  }
0x67: {  	_ =	swait.ge [sflag:s2], $0x2000  }
0x68: {  	s0 =	sld [smem:$0x7D5]  }
0x69: {  	[sflag:s2] =	ssyncset.done $0x0  }
0x6a: {  	s4 =	simm.s32 $0x1D700;
	[sflag:s2] =	ssyncadd.s32 $0xFFFFE000  }
0x6b: {  	[tilespmem:s4], [sflag:$0xE] =	stream.linear.gather [hbm4b:s0+s1], $0x200, $0x38;
	[tilespmem:$0x1D900] =	vst v63  }
0x6c: {  	_ =	swait.ge [sflag:s2], $0x200  }
0x6d: {  	s0 =	sld [smem:$0x7D6]  }
0x6e: {  	[sflag:s2] =	ssyncset.done $0x0  }
0x6f: {  	[sflag:s2] =	ssyncadd.s32 $0xFFFFFE00  }
0x70: {  	[tilespmem:s20], [sflag:$0xE] =	stream.linear.gather [hbm4b:s0+s1], $0x200, $0x38;
	[tilespmem:$0x1D900] =	vst v63  }
0x71: {  	_ =	swait.ge [sflag:s2], $0x200  }
0x72: {  	[sflag:s2] =	ssyncset.done $0x0  }
0x73: {  	[sflag:s2] =	ssyncadd.s32 $0xFFFFFE00  }
0x74: {  	[spmem:s9] =	stream.linear.scatter [tilespmem:s3], [sflag:$0xD], $0x2000, $0x38;
	[tilespmem:$0x1D900] =	vst v63  }
0x75: {  	_ = 	snop  }
0x76: {  	[spmem:s19] =	stream.linear.scatter [tilespmem:s4], [sflag:$0xD], $0x200, $0x38;
	[tilespmem:$0x1D900] =	vst v63  }
0x77: {  	_ = 	snop  }
0x78: {  	[spmem:s8] =	stream.linear.scatter [tilespmem:s3], [sflag:$0xD], $0x2000, $0x38;
	[tilespmem:$0x1D900] =	vst v63  }
0x79: {  	_ = 	snop  }
0x7a: {  	[spmem:s15] =	stream.linear.scatter [tilespmem:s4], [sflag:$0xD], $0x200, $0x38;
	[tilespmem:$0x1D900] =	vst v63  }
0x7b: {  	s9 =	sld [smem:$0x7DA]  }
0x7c: {  	[spmem:s16] =	stream.linear.scatter [tilespmem:s3], [sflag:$0xD], $0x2000, $0x38;
	[tilespmem:$0x1D900] =	vst v63  }
0x7d: {  	_ = 	snop  }
0x7e: {  	[spmem:s9] =	stream.linear.scatter [tilespmem:s4], [sflag:$0xD], $0x200, $0x38;
	[tilespmem:$0x1D900] =	vst v63  }
0x7f: {  	_ = 	snop  }
0x80: {  	[spmem:s17] =	stream.linear.scatter [tilespmem:s3], [sflag:$0xD], $0x2000, $0x38;
	[tilespmem:$0x1D900] =	vst v63  }
0x81: {  	_ = 	snop  }
0x82: {  	[spmem:s23] =	stream.linear.scatter [tilespmem:s4], [sflag:$0xD], $0x200, $0x38;
	[tilespmem:$0x1D900] =	vst v63  }
0x83: {  	s15 =	sld [smem:$0x7DD]  }
0x84: {  	[spmem:s24] =	stream.linear.scatter [tilespmem:s3], [sflag:$0xD], $0x2000, $0x38;
	[tilespmem:$0x1D900] =	vst v63  }
0x85: {  	s16 =	sld [smem:$0x7DF]  }
0x86: {  	[spmem:s15] =	stream.linear.scatter [tilespmem:s4], [sflag:$0xD], $0x200, $0x38;
	[tilespmem:$0x1D900] =	vst v63  }
0x87: {  	s17 =	sld [smem:$0x7E0]  }
0x88: {  	[spmem:s16] =	stream.linear.scatter [tilespmem:s3], [sflag:$0xD], $0x2000, $0x38;
	[tilespmem:$0x1D900] =	vst v63  }
0x89: {  	s19 =	sld [smem:$0x7E2]  }
0x8a: {  	[spmem:s17] =	stream.linear.scatter [tilespmem:s4], [sflag:$0xD], $0x200, $0x38;
	[tilespmem:$0x1D900] =	vst v63  }
0x8b: {  	s23 =	sld [smem:$0x7E3]  }
0x8c: {  	[spmem:s19] =	stream.linear.scatter [tilespmem:s3], [sflag:$0xD], $0x2000, $0x38;
	[tilespmem:$0x1D900] =	vst v63  }
0x8d: {  	s24 =	sld [smem:$0x7E5]  }
0x8e: {  	[spmem:s23] =	stream.linear.scatter [tilespmem:s4], [sflag:$0xD], $0x200, $0x38;
	[tilespmem:$0x1D900] =	vst v63  }
0x8f: {  	_ = 	snop  }
0x90: {  	[spmem:s24] =	stream.linear.scatter [tilespmem:s3], [sflag:$0xD], $0x2000, $0x38;
	[tilespmem:$0x1D900] =	vst v63  }
0x91: {  	_ = 	snop  }
0x92: {  	[spmem:s6] =	stream.linear.scatter [tilespmem:s4], [sflag:$0xD], $0x200, $0x38;
	[tilespmem:$0x1D900] =	vst v63  }
0x93: {  	_ = 	snop  }
0x94: {  	[spmem:s12] =	stream.linear.scatter [tilespmem:s3], [sflag:$0xD], $0x2000, $0x38;
	[tilespmem:$0x1D900] =	vst v63  }
0x95: {  	_ = 	snop  }
0x96: {  	[spmem:s10] =	stream.linear.scatter [tilespmem:s4], [sflag:$0xD], $0x200, $0x38;
	[tilespmem:$0x1D900] =	vst v63  }
0x97: {  	_ = 	snop  }
0x98: {  	[spmem:s5] =	stream.linear.scatter [tilespmem:s3], [sflag:$0xD], $0x2000, $0x38;
	[tilespmem:$0x1D900] =	vst v63  }
0x99: {  	_ = 	snop  }
0x9a: {  	[spmem:s30] =	stream.linear.scatter [tilespmem:s4], [sflag:$0xD], $0x200, $0x38;
	[tilespmem:$0x1D900] =	vst v63  }
0x9b: {  	_ =	swait.ge [sflag:s7], $0x2000  }
0x9c: {  	[sflag:s7] =	ssyncset.done $0x0  }
0x9d: {  	[sflag:s7] =	ssyncadd.s32 $0xFFFFE000  }
0x9e: {  	_ =	swait.ge [sflag:s7], $0x200  }
0x9f: {  	[sflag:s7] =	ssyncset.done $0x0  }
0xa0: {  	[sflag:s7] =	ssyncadd.s32 $0xFFFFFE00  }
0xa1: {  	_ =	swait.ge [sflag:s7], $0x2000  }
0xa2: {  	[sflag:s7] =	ssyncset.done $0x0  }
0xa3: {  	[sflag:s7] =	ssyncadd.s32 $0xFFFFE000  }
0xa4: {  	_ =	swait.ge [sflag:s7], $0x200  }
0xa5: {  	[sflag:s7] =	ssyncset.done $0x0  }
0xa6: {  	[sflag:s7] =	ssyncadd.s32 $0xFFFFFE00  }
0xa7: {  	_ =	swait.ge [sflag:s7], $0x2000  }
0xa8: {  	[sflag:s7] =	ssyncset.done $0x0  }
0xa9: {  	[sflag:s7] =	ssyncadd.s32 $0xFFFFE000  }
0xaa: {  	_ =	swait.ge [sflag:s7], $0x200  }
0xab: {  	[sflag:s7] =	ssyncset.done $0x0  }
0xac: {  	[sflag:s7] =	ssyncadd.s32 $0xFFFFFE00  }
0xad: {  	_ =	swait.ge [sflag:s7], $0x2000  }
0xae: {  	[sflag:s7] =	ssyncset.done $0x0  }
0xaf: {  	[sflag:s7] =	ssyncadd.s32 $0xFFFFE000  }
0xb0: {  	_ =	swait.ge [sflag:s7], $0x200  }
0xb1: {  	[sflag:s7] =	ssyncset.done $0x0  }
0xb2: {  	[sflag:s7] =	ssyncadd.s32 $0xFFFFFE00  }
0xb3: {  	_ =	swait.ge [sflag:s7], $0x2000  }
0xb4: {  	[sflag:s7] =	ssyncset.done $0x0  }
0xb5: {  	[sflag:s7] =	ssyncadd.s32 $0xFFFFE000  }
0xb6: {  	_ =	swait.ge [sflag:s7], $0x200  }
0xb7: {  	[sflag:s7] =	ssyncset.done $0x0  }
0xb8: {  	[sflag:s7] =	ssyncadd.s32 $0xFFFFFE00  }
0xb9: {  	_ =	swait.ge [sflag:s7], $0x2000  }
0xba: {  	[sflag:s7] =	ssyncset.done $0x0  }
0xbb: {  	[sflag:s7] =	ssyncadd.s32 $0xFFFFE000  }
0xbc: {  	_ =	swait.ge [sflag:s7], $0x200  }
0xbd: {  	[sflag:s7] =	ssyncset.done $0x0  }
0xbe: {  	[sflag:s7] =	ssyncadd.s32 $0xFFFFFE00  }
0xbf: {  	_ =	swait.ge [sflag:s7], $0x2000  }
0xc0: {  	[sflag:s7] =	ssyncset.done $0x0  }
0xc1: {  	[sflag:s7] =	ssyncadd.s32 $0xFFFFE000  }
0xc2: {  	_ =	swait.ge [sflag:s7], $0x200  }
0xc3: {  	[sflag:s7] =	ssyncset.done $0x0  }
0xc4: {  	[sflag:s7] =	ssyncadd.s32 $0xFFFFFE00  }
0xc5: {  	_ =	swait.ge [sflag:s7], $0x2000  }
0xc6: {  	[sflag:s7] =	ssyncset.done $0x0  }
0xc7: {  	[sflag:s7] =	ssyncadd.s32 $0xFFFFE000  }
0xc8: {  	_ =	swait.ge [sflag:s7], $0x200  }
0xc9: {  	[sflag:s7] =	ssyncset.done $0x0  }
0xca: {  	[sflag:s7] =	ssyncadd.s32 $0xFFFFFE00  }
0xcb: {  	_ =	swait.ge [sflag:s7], $0x2000  }
0xcc: {  	[sflag:s7] =	ssyncset.done $0x0  }
0xcd: {  	[sflag:s7] =	ssyncadd.s32 $0xFFFFE000  }
0xce: {  	_ =	swait.ge [sflag:s7], $0x200  }
0xcf: {  	[sflag:s7] =	ssyncset.done $0x0  }
0xd0: {  	[sflag:s7] =	ssyncadd.s32 $0xFFFFFE00  }
0xd1: {  	_ =	swait.ge [sflag:s7], $0x2000  }
0xd2: {  	[sflag:s7] =	ssyncset.done $0x0  }
0xd3: {  	[sflag:s7] =	ssyncadd.s32 $0xFFFFE000  }
0xd4: {  	_ =	swait.ge [sflag:s7], $0x200  }
0xd5: {  	[sflag:s7] =	ssyncset.done $0x0;
	s6 =	rddreg [dreg:$0x15]  }
0xd6: {  	[sflag:s7] =	ssyncadd.s32 $0xFFFFFE00;
	s7 =	sld [smem:$0x7E7]  }
0xd7: {  	[tilespmem:s3], [sflag:$0x1] =	stream.linear.gather [hbm4b:s6+s1], $0x2000, $0x38;
	[tilespmem:$0x1D900] =	vst v63  }
0xd8: {  	s8 =	simm.s32 $0x1D400;
	s15 =	rddreg [dreg:$0x16]  }
0xd9: {  	[tilespmem:s8], [sflag:$0x5] =	stream.linear.gather [hbm4b:s7+s1], $0x40, $0x38;
	[tilespmem:$0x1D900] =	vst v63  }
0xda: {  	s9 =	simm.s32 $0x17400;
	s16 =	sld [smem:$0x7E8]  }
0xdb: {  	[tilespmem:s9], [sflag:$0x2] =	stream.linear.gather [hbm4b:s15+s1], $0x2000, $0x38;
	[tilespmem:$0x1D900] =	vst v63  }
0xdc: {  	s17 =	rddreg [dreg:$0x17];
	s15 =	simm.s32 $0x1D440  }
0xdd: {  	[tilespmem:s15], [sflag:$0x6] =	stream.linear.gather [hbm4b:s16+s1], $0x40, $0x38;
	[tilespmem:$0x1D900] =	vst v63  }
0xde: {  	s19 =	sld [smem:$0x7E9];
	s16 =	simm.s32 $0x19400  }
0xdf: {  	[tilespmem:s16], [sflag:$0x3] =	stream.linear.gather [hbm4b:s17+s1], $0x2000, $0x38;
	[tilespmem:$0x1D900] =	vst v63  }
0xe0: {  	s23 =	rddreg [dreg:$0x18];
	s17 =	simm.s32 $0x1D480  }
0xe1: {  	[tilespmem:s17], [sflag:$0x7] =	stream.linear.gather [hbm4b:s19+s1], $0x40, $0x38;
	[tilespmem:$0x1D900] =	vst v63  }
0xe2: {  	s24 =	sld [smem:$0x7EA];
	s19 =	simm.s32 $0x1B400  }
0xe3: {  	[tilespmem:s19], [sflag:$0x4] =	stream.linear.gather [hbm4b:s23+s1], $0x2000, $0x38;
	[tilespmem:$0x1D900] =	vst v63  }
0xe4: {  	s4 =	simm.s32 $0x1D4C0  }
0xe5: {  	[tilespmem:s4], [sflag:$0x8] =	stream.linear.gather [hbm4b:s24+s1], $0x40, $0x38;
	[tilespmem:$0x1D900] =	vst v63  }
0xe6: {  	s6 =	simm.s32 $0x1;
	[bflag:$0x0] =	sbarrier.arrive $0xFFFF  }
0xe7: {  	_ =	swait.ge [sflag:s6], $0x2000  }
0xe8: {  	[sflag:s6] =	ssyncset.done $0x0  }
0xe9: {  	s7 =	simm.s32 $0x5;
	[sflag:s6] =	ssyncadd.s32 $0xFFFFE000  }
0xea: {  	_ =	swait.ge [sflag:s7], $0x40  }
0xeb: {  	[sflag:s7] =	ssyncset.done $0x0  }
0xec: {  	[sflag:s7] =	ssyncadd.s32 $0xFFFFFFC0  }
0xed: {  	[spmem:s14] =	stream.indirect.scatter.add.f32 [tilespmem:s20], [sflag:$0x9], $0x8, s8, s18, $0xb8;
	[tilespmem:$0x1D900] =	vst v63  }
0xee: {  	_ = 	snop  }
0xef: {  	[spmem:s11] =	stream.indirect.scatter.add.f32 [tilespmem:s3], [sflag:$0xE], $0x80, s8, s18, $0xb8;
	[tilespmem:$0x1D900] =	vst v63  }
0xf0: {  	_ =	swait.ge [sflag:s2], $0x2000  }
0xf1: {  	[sflag:s2] =	ssyncset.done $0x0  }
0xf2: {  	[sflag:s2] =	ssyncadd.s32 $0xFFFFE000  }
0xf3: {  	_ =	swait.ge [sflag:s21], $0x200  }
0xf4: {  	s10 =	rddreg [dreg:$0xa]  }
0xf5: {  	s7 =	simm.s32 $0x15400;
	[sflag:s21] =	ssyncset.done $0x0;
	s12 =	rddreg [dreg:$0x19]  }
0xf6: {  	[sflag:s21] =	ssyncadd.s32 $0xFFFFFE00;
	s0 =	sadd.s32 $0x0, s10;
	s23 =	sshrl.u32 s12, $0x3  }
0xf7: {  	[tilespmem:s7], [sflag:$0x1] =	stream.linear.gather [hbm4b:s0+s1], $0x2000, $0x38;
	[tilespmem:$0x1D900] =	vst v63  }
0xf8: {  	s3 =	simm.s32 $0x2;
	s24 =	sadd.s32 s13, s23  }
0xf9: {  	[tilespmem:s8], [sflag:$0x5] =	stream.linear.gather [hbm4b:s24+s1], $0x40, $0x38;
	[tilespmem:$0x1D900] =	vst v63  }
0xfa: {  	_ =	swait.ge [sflag:s3], $0x2000  }
0xfb: {  	[sflag:s3] =	ssyncset.done $0x0  }
0xfc: {  	s5 =	simm.s32 $0x6;
	[sflag:s3] =	ssyncadd.s32 $0xFFFFE000  }
0xfd: {  	_ =	swait.ge [sflag:s5], $0x40  }
0xfe: {  	[sflag:s5] =	ssyncset.done $0x0  }
0xff: {  	[sflag:s5] =	ssyncadd.s32 $0xFFFFFFC0  }
0x100: {  	[spmem:s14] =	stream.indirect.scatter.add.f32 [tilespmem:s20], [sflag:$0xA], $0x8, s15, s18, $0xb8;
	[tilespmem:$0x1D900] =	vst v63  }
0x101: {  	_ = 	snop  }
0x102: {  	[spmem:s11] =	stream.indirect.scatter.add.f32 [tilespmem:s9], [sflag:$0xE], $0x80, s15, s18, $0xb8;
	[tilespmem:$0x1D900] =	vst v63  }
0x103: {  	_ =	swait.ge [sflag:s2], $0x2000  }
0x104: {  	[sflag:s2] =	ssyncset.done $0x0  }
0x105: {  	[sflag:s2] =	ssyncadd.s32 $0xFFFFE000  }
0x106: {  	_ =	swait.ge [sflag:s22], $0x200  }
0x107: {  	s6 =	rddreg [dreg:$0x9];
	[sflag:s22] =	ssyncset.done $0x0  }
0x108: {  	s10 =	sld [smem:$0x7F0];
	[sflag:s22] =	ssyncadd.s32 $0xFFFFFE00;
	s0 =	sadd.s32 $0x0, s6  }
0x109: {  	[tilespmem:s9], [sflag:$0x2] =	stream.linear.gather [hbm4b:s0+s1], $0x2000, $0x38;
	[tilespmem:$0x1D900] =	vst v63  }
0x10a: {  	s21 =	simm.s32 $0x3  }
0x10b: {  	[tilespmem:s15], [sflag:$0x6] =	stream.linear.gather [hbm4b:s10+s1], $0x40, $0x38;
	[tilespmem:$0x1D900] =	vst v63  }
0x10c: {  	_ =	swait.ge [sflag:s21], $0x2000  }
0x10d: {  	[sflag:s21] =	ssyncset.done $0x0  }
0x10e: {  	[sflag:s21] =	ssyncadd.s32 $0xFFFFE000  }
0x10f: {  	_ =	swait.ge [sflag:s25], $0x40  }
0x110: {  	[sflag:s25] =	ssyncset.done $0x0  }
0x111: {  	[sflag:s25] =	ssyncadd.s32 $0xFFFFFFC0  }
0x112: {  	[spmem:s14] =	stream.indirect.scatter.add.f32 [tilespmem:s20], [sflag:$0xB], $0x8, s17, s18, $0xb8;
	[tilespmem:$0x1D900] =	vst v63  }
0x113: {  	_ = 	snop  }
0x114: {  	[spmem:s11] =	stream.indirect.scatter.add.f32 [tilespmem:s16], [sflag:$0xE], $0x80, s17, s18, $0xb8;
	[tilespmem:$0x1D900] =	vst v63  }
0x115: {  	_ =	swait.ge [sflag:s2], $0x2000  }
0x116: {  	[sflag:s2] =	ssyncset.done $0x0  }
0x117: {  	[sflag:s2] =	ssyncadd.s32 $0xFFFFE000  }
0x118: {  	_ =	swait.ge [sflag:s26], $0x200  }
0x119: {  	s22 =	rddreg [dreg:$0x8];
	[sflag:s26] =	ssyncset.done $0x0  }
0x11a: {  	s23 =	sld [smem:$0x7EF];
	[sflag:s26] =	ssyncadd.s32 $0xFFFFFE00;
	s0 =	sadd.s32 $0x0, s22  }
0x11b: {  	[tilespmem:s16], [sflag:$0x3] =	stream.linear.gather [hbm4b:s0+s1], $0x2000, $0x38;
	[tilespmem:$0x1D900] =	vst v63  }
0x11c: {  	_ = 	snop  }
0x11d: {  	[tilespmem:s17], [sflag:$0x7] =	stream.linear.gather [hbm4b:s23+s1], $0x40, $0x38;
	[tilespmem:$0x1D900] =	vst v63  }
0x11e: {  	_ =	swait.ge [sflag:s28], $0x2000  }
0x11f: {  	[sflag:s28] =	ssyncset.done $0x0  }
0x120: {  	[sflag:s28] =	ssyncadd.s32 $0xFFFFE000  }
0x121: {  	_ =	swait.ge [sflag:s29], $0x40  }
0x122: {  	[sflag:s29] =	ssyncset.done $0x0  }
0x123: {  	[sflag:s29] =	ssyncadd.s32 $0xFFFFFFC0  }
0x124: {  	[spmem:s14] =	stream.indirect.scatter.add.f32 [tilespmem:s20], [sflag:$0xC], $0x8, s4, s18, $0xb8;
	[tilespmem:$0x1D900] =	vst v63  }
0x125: {  	_ = 	snop  }
0x126: {  	[spmem:s11] =	stream.indirect.scatter.add.f32 [tilespmem:s19], [sflag:$0xE], $0x80, s4, s18, $0xb8;
	[tilespmem:$0x1D900] =	vst v63  }
0x127: {  	_ =	swait.ge [sflag:s2], $0x2000  }
0x128: {  	[sflag:s2] =	ssyncset.done $0x0  }
0x129: {  	[sflag:s2] =	ssyncadd.s32 $0xFFFFE000  }
0x12a: {  	_ =	swait.ge [sflag:s31], $0x200  }
0x12b: {  	s24 =	rddreg [dreg:$0x7];
	[sflag:s31] =	ssyncset.done $0x0  }
0x12c: {  	[sflag:s31] =	ssyncadd.s32 $0xFFFFFE00;
	s0 =	sadd.s32 $0x0, s24  }
0x12d: {  	[tilespmem:s19], [sflag:$0x4] =	stream.linear.gather [hbm4b:s0+s1], $0x2000, $0x38;
	[tilespmem:$0x1D900] =	vst v63  }
0x12e: {  	s0 =	sld [smem:$0x7EE]  }
0x12f: {  	s30 =	simm.s32 $0x1000;
	s3 =	sadd.s32 $0x100, s12  }
0x130: {  	s5 =	simm.s32 $0x1D400;
	s10 =	sadd.s32 $0x20, s10;
	s4 =	sadd.s32 $0x20, s23  }
0x131: {  	s23 =	simm.s32 $0x9;
	s24 =	simm.s32 $0xA;
	s12 =	sadd.s32 $0x20, s0  }
.LBB2_2:
0x132: {  	s21 =	simm.s32 $0x1D4C0;
	s8 =	simm.s32 $0x1  }
0x133: {  	[tilespmem:s21], [sflag:$0x8] =	stream.linear.gather [hbm4b:s0+s1], $0x40, $0x38;
	[tilespmem:$0x1D900] =	vst v63  }
0x134: {  	_ =	swait.ge [sflag:s8], $0x2000  }
0x135: {  	[sflag:s8] =	ssyncset.done $0x0  }
0x136: {  	s22 =	simm.s32 $0x5;
	[sflag:s8] =	ssyncadd.s32 $0xFFFFE000  }
0x137: {  	_ =	swait.ge [sflag:s22], $0x40  }
0x138: {  	[sflag:s22] =	ssyncset.done $0x0  }
0x139: {  	[sflag:s22] =	ssyncadd.s32 $0xFFFFFFC0  }
0x13a: {  	[spmem:s14] =	stream.indirect.scatter.add.f32 [tilespmem:s20], [sflag:$0x9], $0x8, s5, s18, $0xb8;
	[tilespmem:$0x1D900] =	vst v63  }
0x13b: {  	_ = 	snop  }
0x13c: {  	[spmem:s11] =	stream.indirect.scatter.add.f32 [tilespmem:s7], [sflag:$0xE], $0x80, s5, s18, $0xb8;
	[tilespmem:$0x1D900] =	vst v63  }
0x13d: {  	_ =	swait.ge [sflag:s2], $0x2000  }
0x13e: {  	[sflag:s2] =	ssyncset.done $0x0  }
0x13f: {  	[sflag:s2] =	ssyncadd.s32 $0xFFFFE000  }
0x140: {  	_ =	swait.ge [sflag:s23], $0x200  }
0x141: {  	s6 =	smov.u32 s30;
	s5 =	rddreg [dreg:$0xa];
	[sflag:s23] =	ssyncset.done $0x0  }
0x142: {  	s22 =	sshrl.u32 s3, $0x3;
	[sflag:s23] =	ssyncadd.s32 $0xFFFFFE00;
	s8 =	sadd.s32 s6, s5  }
0x143: {  	[tilespmem:s7], [sflag:$0x1] =	stream.linear.gather [hbm4b:s8+s1], $0x2000, $0x38;
	[tilespmem:$0x1D900] =	vst v63  }
0x144: {  	s22 =	sadd.s32 s13, s22;
	s5 =	simm.s32 $0x1D400  }
0x145: {  	[tilespmem:s5], [sflag:$0x5] =	stream.linear.gather [hbm4b:s22+s1], $0x40, $0x38;
	[tilespmem:$0x1D900] =	vst v63  }
0x146: {  	s22 =	simm.s32 $0x2  }
0x147: {  	_ =	swait.ge [sflag:s22], $0x2000  }
0x148: {  	[sflag:s22] =	ssyncset.done $0x0  }
0x149: {  	[sflag:s22] =	ssyncadd.s32 $0xFFFFE000;
	s22 =	simm.s32 $0x6  }
0x14a: {  	_ =	swait.ge [sflag:s22], $0x40  }
0x14b: {  	[sflag:s22] =	ssyncset.done $0x0  }
0x14c: {  	[sflag:s22] =	ssyncadd.s32 $0xFFFFFFC0  }
0x14d: {  	[spmem:s14] =	stream.indirect.scatter.add.f32 [tilespmem:s20], [sflag:$0xA], $0x8, s15, s18, $0xb8;
	[tilespmem:$0x1D900] =	vst v63  }
0x14e: {  	_ = 	snop  }
0x14f: {  	[spmem:s11] =	stream.indirect.scatter.add.f32 [tilespmem:s9], [sflag:$0xE], $0x80, s15, s18, $0xb8;
	[tilespmem:$0x1D900] =	vst v63  }
0x150: {  	_ =	swait.ge [sflag:s2], $0x2000  }
0x151: {  	[sflag:s2] =	ssyncset.done $0x0  }
0x152: {  	[sflag:s2] =	ssyncadd.s32 $0xFFFFE000  }
0x153: {  	_ =	swait.ge [sflag:s24], $0x200  }
0x154: {  	s22 =	rddreg [dreg:$0x9];
	[sflag:s24] =	ssyncset.done $0x0  }
0x155: {  	[sflag:s24] =	ssyncadd.s32 $0xFFFFFE00;
	s8 =	sadd.s32 s6, s22  }
0x156: {  	[tilespmem:s9], [sflag:$0x2] =	stream.linear.gather [hbm4b:s8+s1], $0x2000, $0x38;
	[tilespmem:$0x1D900] =	vst v63  }
0x157: {  	s22 =	simm.s32 $0x3  }
0x158: {  	[tilespmem:s15], [sflag:$0x6] =	stream.linear.gather [hbm4b:s10+s1], $0x40, $0x38;
	[tilespmem:$0x1D900] =	vst v63  }
0x159: {  	_ =	swait.ge [sflag:s22], $0x2000  }
0x15a: {  	[sflag:s22] =	ssyncset.done $0x0  }
0x15b: {  	[sflag:s22] =	ssyncadd.s32 $0xFFFFE000  }
0x15c: {  	_ =	swait.ge [sflag:s25], $0x40  }
0x15d: {  	[sflag:s25] =	ssyncset.done $0x0  }
0x15e: {  	[sflag:s25] =	ssyncadd.s32 $0xFFFFFFC0  }
0x15f: {  	[spmem:s14] =	stream.indirect.scatter.add.f32 [tilespmem:s20], [sflag:$0xB], $0x8, s17, s18, $0xb8;
	[tilespmem:$0x1D900] =	vst v63  }
0x160: {  	_ = 	snop  }
0x161: {  	[spmem:s11] =	stream.indirect.scatter.add.f32 [tilespmem:s16], [sflag:$0xE], $0x80, s17, s18, $0xb8;
	[tilespmem:$0x1D900] =	vst v63  }
0x162: {  	_ =	swait.ge [sflag:s2], $0x2000  }
0x163: {  	[sflag:s2] =	ssyncset.done $0x0  }
0x164: {  	[sflag:s2] =	ssyncadd.s32 $0xFFFFE000  }
0x165: {  	_ =	swait.ge [sflag:s26], $0x200  }
0x166: {  	s22 =	rddreg [dreg:$0x8];
	[sflag:s26] =	ssyncset.done $0x0  }
0x167: {  	[sflag:s26] =	ssyncadd.s32 $0xFFFFFE00;
	s8 =	sadd.s32 s6, s22  }
0x168: {  	[tilespmem:s16], [sflag:$0x3] =	stream.linear.gather [hbm4b:s8+s1], $0x2000, $0x38;
	[tilespmem:$0x1D900] =	vst v63  }
0x169: {  	_ = 	snop  }
0x16a: {  	[tilespmem:s17], [sflag:$0x7] =	stream.linear.gather [hbm4b:s4+s1], $0x40, $0x38;
	[tilespmem:$0x1D900] =	vst v63  }
0x16b: {  	_ =	swait.ge [sflag:s28], $0x2000  }
0x16c: {  	[sflag:s28] =	ssyncset.done $0x0  }
0x16d: {  	[sflag:s28] =	ssyncadd.s32 $0xFFFFE000  }
0x16e: {  	_ =	swait.ge [sflag:s29], $0x40  }
0x16f: {  	[sflag:s29] =	ssyncset.done $0x0  }
0x170: {  	[sflag:s29] =	ssyncadd.s32 $0xFFFFFFC0  }
0x171: {  	[spmem:s14] =	stream.indirect.scatter.add.f32 [tilespmem:s20], [sflag:$0xC], $0x8, s21, s18, $0xb8;
	[tilespmem:$0x1D900] =	vst v63  }
0x172: {  	_ = 	snop  }
0x173: {  	[spmem:s11] =	stream.indirect.scatter.add.f32 [tilespmem:s19], [sflag:$0xE], $0x80, s21, s18, $0xb8;
	[tilespmem:$0x1D900] =	vst v63  }
0x174: {  	p1 =	sne.s32 s30, $0x26000;
	_ =	swait.ge [sflag:s2], $0x2000  }
0x175: {  	s30 =	sadd.s32 $0x1000, s30;
	s0 =	smov.u32 s12;
	[sflag:s2] =	ssyncset.done $0x0  }
.Ltmp0:
0x176: {  	s12 =	sadd.s32 $0x20, s12;
	[sflag:s2] =	ssyncadd.s32 $0xFFFFE000;
	(pc) =	sbr.rel @p1 .LBB2_2-.Ltmp0, $4  }
0x177: {  	s3 =	sadd.s32 $0x100, s3;
	s10 =	sadd.s32 $0x20, s10;
	_ =	swait.ge [sflag:s31], $0x200  }
0x178: {  	s22 =	simm.s32 $0x1D4C0;
	s21 =	rddreg [dreg:$0x7];
	[sflag:s31] =	ssyncset.done $0x0  }
0x179: {  	s4 =	sadd.s32 $0x20, s4;
	[sflag:s31] =	ssyncadd.s32 $0xFFFFFE00;
	s6 =	sadd.s32 s6, s21  }
0x17a: {  	[tilespmem:s19], [sflag:$0x4] =	stream.linear.gather [hbm4b:s6+s1], $0x2000, $0x38;
	[tilespmem:$0x1D900] =	vst v63  }
0x17b: {  	[tilespmem:s22], [sflag:$0x8] =	stream.linear.gather [hbm4b:s0+s1], $0x40, $0x38;
	[tilespmem:$0x1D900] =	vst v63  }
0x17c: {  	s6 =	simm.s32 $0x1  }
0x17d: {  	_ =	swait.ge [sflag:s6], $0x2000  }
0x17e: {  	[sflag:s6] =	ssyncset.done $0x0  }
0x17f: {  	s7 =	simm.s32 $0x5;
	[sflag:s6] =	ssyncadd.s32 $0xFFFFE000  }
0x180: {  	_ =	swait.ge [sflag:s7], $0x40  }
0x181: {  	[sflag:s7] =	ssyncset.done $0x0  }
0x182: {  	s8 =	simm.s32 $0x2;
	[sflag:s7] =	ssyncadd.s32 $0xFFFFFFC0  }
0x183: {  	_ =	swait.ge [sflag:s8], $0x2000  }
0x184: {  	[sflag:s8] =	ssyncset.done $0x0  }
0x185: {  	s9 =	simm.s32 $0x6;
	[sflag:s8] =	ssyncadd.s32 $0xFFFFE000  }
0x186: {  	_ =	swait.ge [sflag:s9], $0x40  }
0x187: {  	[sflag:s9] =	ssyncset.done $0x0  }
0x188: {  	s10 =	simm.s32 $0x3;
	[sflag:s9] =	ssyncadd.s32 $0xFFFFFFC0  }
0x189: {  	_ =	swait.ge [sflag:s10], $0x2000  }
0x18a: {  	[sflag:s10] =	ssyncset.done $0x0  }
0x18b: {  	[sflag:s10] =	ssyncadd.s32 $0xFFFFE000  }
0x18c: {  	_ =	swait.ge [sflag:s25], $0x40  }
0x18d: {  	[sflag:s25] =	ssyncset.done $0x0  }
0x18e: {  	[sflag:s25] =	ssyncadd.s32 $0xFFFFFFC0  }
0x18f: {  	_ =	swait.ge [sflag:s28], $0x2000  }
0x190: {  	[sflag:s28] =	ssyncset.done $0x0  }
0x191: {  	[sflag:s28] =	ssyncadd.s32 $0xFFFFE000  }
0x192: {  	_ =	swait.ge [sflag:s29], $0x40  }
0x193: {  	s0 =	simm.s32 @!p0 $0x0;
	[sflag:s29] =	ssyncset.done $0x0;
	s4 =	rddreg [dreg:$0x1a]  }
0x194: {  	s3 =	simm.s32 @!p0 $0x15400;
	s5 =	sld [smem:$0x7EB];
	[sflag:s29] =	ssyncadd.s32 $0xFFFFFFC0  }
0x195: {  	[tilespmem:s3], [sflag:$0x1] =	stream.linear.gather @!p0 [hbm4b:s4+s0], $0x2000, $0x38;
	[tilespmem:$0x1D900] =	vst v63  }
0x196: {  	s4 =	simm.s32 @!p0 $0x1D400  }
0x197: {  	[tilespmem:s4], [sflag:$0x5] =	stream.linear.gather @!p0 [hbm4b:s5+s0], $0x40, $0x38;
	[tilespmem:$0x1D900] =	vst v63  }
0x198: {  	s0 =	simm.s32 @!p0 $0x1  }
0x199: {  	_ =	swait.ge @!p0 [sflag:s0], $0x2000  }
0x19a: {  	[sflag:s0] =	ssyncset.done @!p0 $0x0  }
0x19b: {  	[sflag:s0] =	ssyncadd.s32 @!p0 $0xFFFFE000;
	s0 =	simm.s32 @!p0 $0x5  }
0x19c: {  	_ =	swait.ge @!p0 [sflag:s0], $0x40  }
0x19d: {  	[sflag:s0] =	ssyncset.done @!p0 $0x0  }
0x19e: {  	s6 =	simm.s32 @!p0 $0x1D500;
	[sflag:s0] =	ssyncadd.s32 @!p0 $0xFFFFFFC0;
	s0 =	simm.s32 @!p0 $0x40  }
0x19f: {  	[spmem:s14] =	stream.indirect.scatter.add.f32 @!p0 [tilespmem:s6], [sflag:$0x9], $0x8, s4, s0, $0xb8;
	[tilespmem:$0x1D900] =	vst v63  }
0x1a0: {  	_ = 	snop  }
0x1a1: {  	[spmem:s11] =	stream.indirect.scatter.add.f32 @!p0 [tilespmem:s3], [sflag:$0xE], $0x80, s4, s0, $0xb8;
	[tilespmem:$0x1D900] =	vst v63  }
0x1a2: {  	s0 =	simm.s32 @!p0 $0xE  }
0x1a3: {  	_ =	swait.ge @!p0 [sflag:s0], $0x2000  }
0x1a4: {  	[sflag:s0] =	ssyncset.done @!p0 $0x0  }
0x1a5: {  	[sflag:s0] =	ssyncadd.s32 @!p0 $0xFFFFE000;
	s0 =	simm.s32 @!p0 $0x9  }
0x1a6: {  	_ =	swait.ge @!p0 [sflag:s0], $0x200  }
0x1a7: {  	[sflag:s0] =	ssyncset.done @!p0 $0x0  }
0x1a8: {  	[sflag:s0] =	ssyncadd.s32 @!p0 $0xFFFFFE00  }
0x1a9: {  	[bflag:$0x0] =	sbarrier.arrive $0xFFFF  }
0x1aa: {  	s9 =	sld [smem:$0x7F1]  }
0x1ab: {  	s12 =	stileid.u32  }
0x1ac: {  	s0 =	sshll.u32 s12, $0x6  }
0x1ad: {  	s0 =	sor.u32 $0x1C0D, s0;
	s16 =	rddreg [dreg:$0xb];
	s15 =	sshrl.u32 s9, $0x3  }
0x1ae: {  	[hbm:s16], [sflag:s0] =	dma.local [spmem:s15], $0x400  }
0x1af: {  	s19 =	sld [smem:$0x7F2];
	_ =	sdelay $0x2  }
0x1b0: {  	s4 =	rddreg [dreg:$0x1b];
	s17 =	sshrl.u32 s19, $0x3  }
0x1b1: {  	[hbm:s4], [sflag:s0] =	dma.local [spmem:s17], $0x40  }
0x1b2: {  	s8 =	sld [smem:$0x7F3];
	_ =	sdelay $0x2  }
0x1b3: {  	s4 =	rddreg [dreg:$0xc];
	s21 =	sshrl.u32 s8, $0x3  }
0x1b4: {  	[hbm:s4], [sflag:s0] =	dma.local [spmem:s21], $0x400  }
0x1b5: {  	s15 =	sld [smem:$0x7F4];
	_ =	sdelay $0x2  }
0x1b6: {  	s4 =	rddreg [dreg:$0x1c];
	s22 =	sshrl.u32 s15, $0x3  }
0x1b7: {  	[hbm:s4], [sflag:s0] =	dma.local [spmem:s22], $0x40  }
0x1b8: {  	s16 =	sld [smem:$0x7F5];
	_ =	sdelay $0x2  }
0x1b9: {  	s4 =	rddreg [dreg:$0xd];
	s23 =	sshrl.u32 s16, $0x3  }
0x1ba: {  	[hbm:s4], [sflag:s0] =	dma.local [spmem:s23], $0x400  }
0x1bb: {  	s3 =	sld [smem:$0x7DA];
	_ =	sdelay $0x2  }
0x1bc: {  	s4 =	rddreg [dreg:$0x1d];
	s3 =	sshrl.u32 s3, $0x3  }
0x1bd: {  	[hbm:s4], [sflag:s0] =	dma.local [spmem:s3], $0x40  }
0x1be: {  	s17 =	sld [smem:$0x7F6];
	_ =	sdelay $0x2  }
0x1bf: {  	s4 =	rddreg [dreg:$0xe];
	s24 =	sshrl.u32 s17, $0x3  }
0x1c0: {  	[hbm:s4], [sflag:s0] =	dma.local [spmem:s24], $0x400  }
0x1c1: {  	s23 =	sld [smem:$0x7F7];
	_ =	sdelay $0x2  }
0x1c2: {  	s4 =	rddreg [dreg:$0x1e];
	s5 =	sshrl.u32 s23, $0x3  }
0x1c3: {  	[hbm:s4], [sflag:s0] =	dma.local [spmem:s5], $0x40  }
0x1c4: {  	s24 =	sld [smem:$0x7F8];
	_ =	sdelay $0x2  }
0x1c5: {  	s4 =	rddreg [dreg:$0xf];
	s6 =	sshrl.u32 s24, $0x3  }
0x1c6: {  	[hbm:s4], [sflag:s0] =	dma.local [spmem:s6], $0x400  }
0x1c7: {  	s3 =	sld [smem:$0x7DD];
	_ =	sdelay $0x2  }
0x1c8: {  	s4 =	rddreg [dreg:$0x1f];
	s3 =	sshrl.u32 s3, $0x3  }
0x1c9: {  	[hbm:s4], [sflag:s0] =	dma.local [spmem:s3], $0x40  }
0x1ca: {  	s3 =	sld [smem:$0x7DF];
	_ =	sdelay $0x2  }
0x1cb: {  	s4 =	rddreg [dreg:$0x10];
	s3 =	sshrl.u32 s3, $0x3  }
0x1cc: {  	[hbm:s4], [sflag:s0] =	dma.local [spmem:s3], $0x400  }
0x1cd: {  	s3 =	sld [smem:$0x7E0]  }
0x1ce: {  	s4 =	sld [smem:$0x7CF];
	_ =	sdelay $0x1  }
0x1cf: {  	s3 =	sshrl.u32 s3, $0x3  }
0x1d0: {  	[hbm:s4], [sflag:s0] =	dma.local [spmem:s3], $0x40  }
0x1d1: {  	s3 =	sld [smem:$0x7E2];
	_ =	sdelay $0x2  }
0x1d2: {  	s4 =	rddreg [dreg:$0x11];
	s3 =	sshrl.u32 s3, $0x3  }
0x1d3: {  	[hbm:s4], [sflag:s0] =	dma.local [spmem:s3], $0x400  }
0x1d4: {  	s3 =	sld [smem:$0x7E3]  }
0x1d5: {  	s4 =	sld [smem:$0x7D0];
	_ =	sdelay $0x1  }
0x1d6: {  	s3 =	sshrl.u32 s3, $0x3  }
0x1d7: {  	[hbm:s4], [sflag:s0] =	dma.local [spmem:s3], $0x40  }
0x1d8: {  	s3 =	sld [smem:$0x7E5];
	_ =	sdelay $0x2  }
0x1d9: {  	s4 =	rddreg [dreg:$0x12];
	s3 =	sshrl.u32 s3, $0x3  }
0x1da: {  	[hbm:s4], [sflag:s0] =	dma.local [spmem:s3], $0x400  }
0x1db: {  	s6 =	sld [smem:$0x7F9]  }
0x1dc: {  	s4 =	sld [smem:$0x7D1];
	_ =	sdelay $0x1  }
0x1dd: {  	s7 =	sshrl.u32 s6, $0x3  }
0x1de: {  	[hbm:s4], [sflag:s0] =	dma.local [spmem:s7], $0x40  }
0x1df: {  	s12 =	sld [smem:$0x7FA];
	_ =	sdelay $0x2  }
0x1e0: {  	s4 =	rddreg [dreg:$0x13];
	s10 =	sshrl.u32 s12, $0x3  }
0x1e1: {  	[hbm:s4], [sflag:s0] =	dma.local [spmem:s10], $0x400  }
0x1e2: {  	s10 =	sld [smem:$0x7FB]  }
0x1e3: {  	s4 =	sld [smem:$0x7D2];
	_ =	sdelay $0x1  }
0x1e4: {  	s21 =	sshrl.u32 s10, $0x3  }
0x1e5: {  	[hbm:s4], [sflag:s0] =	dma.local [spmem:s21], $0x40  }
0x1e6: {  	s5 =	sld [smem:$0x7FC];
	_ =	sdelay $0x2  }
0x1e7: {  	s4 =	rddreg [dreg:$0x14];
	s22 =	sshrl.u32 s5, $0x3  }
0x1e8: {  	[hbm:s4], [sflag:s0] =	dma.local [spmem:s22], $0x400  }
0x1e9: {  	s30 =	sld [smem:$0x7FD]  }
0x1ea: {  	s4 =	sld [smem:$0x7D3];
	_ =	sdelay $0x1  }
0x1eb: {  	s7 =	sshrl.u32 s30, $0x3  }
0x1ec: {  	[hbm:s4], [sflag:s0] =	dma.local [spmem:s7], $0x40  }
0x1ed: {  	s7 =	simm.s32 $0xD  }
0x1ee: {  	_ =	swait.ge [sflag:s7], $0x400  }
0x1ef: {  	[sflag:s7] =	ssyncset.done $0x0  }
0x1f0: {  	[sflag:s7] =	ssyncadd.s32 $0xFFFFFC00  }
0x1f1: {  	_ =	swait.ge [sflag:s7], $0x40  }
0x1f2: {  	[sflag:s7] =	ssyncset.done $0x0  }
0x1f3: {  	[sflag:s7] =	ssyncadd.s32 $0xFFFFFFC0  }
0x1f4: {  	_ =	swait.ge [sflag:s7], $0x400  }
0x1f5: {  	[sflag:s7] =	ssyncset.done $0x0  }
0x1f6: {  	[sflag:s7] =	ssyncadd.s32 $0xFFFFFC00  }
0x1f7: {  	_ =	swait.ge [sflag:s7], $0x40  }
0x1f8: {  	[sflag:s7] =	ssyncset.done $0x0  }
0x1f9: {  	[sflag:s7] =	ssyncadd.s32 $0xFFFFFFC0  }
0x1fa: {  	_ =	swait.ge [sflag:s7], $0x400  }
0x1fb: {  	[sflag:s7] =	ssyncset.done $0x0  }
0x1fc: {  	[sflag:s7] =	ssyncadd.s32 $0xFFFFFC00  }
0x1fd: {  	_ =	swait.ge [sflag:s7], $0x40  }
0x1fe: {  	[sflag:s7] =	ssyncset.done $0x0  }
0x1ff: {  	[sflag:s7] =	ssyncadd.s32 $0xFFFFFFC0  }
0x200: {  	_ =	swait.ge [sflag:s7], $0x400  }
0x201: {  	[sflag:s7] =	ssyncset.done $0x0  }
0x202: {  	[sflag:s7] =	ssyncadd.s32 $0xFFFFFC00  }
0x203: {  	_ =	swait.ge [sflag:s7], $0x40  }
0x204: {  	[sflag:s7] =	ssyncset.done $0x0  }
0x205: {  	[sflag:s7] =	ssyncadd.s32 $0xFFFFFFC0  }
0x206: {  	_ =	swait.ge [sflag:s7], $0x400  }
0x207: {  	[sflag:s7] =	ssyncset.done $0x0  }
0x208: {  	[sflag:s7] =	ssyncadd.s32 $0xFFFFFC00  }
0x209: {  	_ =	swait.ge [sflag:s7], $0x40  }
0x20a: {  	[sflag:s7] =	ssyncset.done $0x0  }
0x20b: {  	[sflag:s7] =	ssyncadd.s32 $0xFFFFFFC0  }
0x20c: {  	_ =	swait.ge [sflag:s7], $0x400  }
0x20d: {  	[sflag:s7] =	ssyncset.done $0x0  }
0x20e: {  	[sflag:s7] =	ssyncadd.s32 $0xFFFFFC00  }
0x20f: {  	_ =	swait.ge [sflag:s7], $0x40  }
0x210: {  	[sflag:s7] =	ssyncset.done $0x0  }
0x211: {  	[sflag:s7] =	ssyncadd.s32 $0xFFFFFFC0  }
0x212: {  	_ =	swait.ge [sflag:s7], $0x400  }
0x213: {  	[sflag:s7] =	ssyncset.done $0x0  }
0x214: {  	[sflag:s7] =	ssyncadd.s32 $0xFFFFFC00  }
0x215: {  	_ =	swait.ge [sflag:s7], $0x40  }
0x216: {  	[sflag:s7] =	ssyncset.done $0x0  }
0x217: {  	[sflag:s7] =	ssyncadd.s32 $0xFFFFFFC0  }
0x218: {  	_ =	swait.ge [sflag:s7], $0x400  }
0x219: {  	[sflag:s7] =	ssyncset.done $0x0  }
0x21a: {  	[sflag:s7] =	ssyncadd.s32 $0xFFFFFC00  }
0x21b: {  	_ =	swait.ge [sflag:s7], $0x40  }
0x21c: {  	[sflag:s7] =	ssyncset.done $0x0  }
0x21d: {  	[sflag:s7] =	ssyncadd.s32 $0xFFFFFFC0  }
0x21e: {  	_ =	swait.ge [sflag:s7], $0x400  }
0x21f: {  	[sflag:s7] =	ssyncset.done $0x0  }
0x220: {  	[sflag:s7] =	ssyncadd.s32 $0xFFFFFC00  }
0x221: {  	_ =	swait.ge [sflag:s7], $0x40  }
0x222: {  	[sflag:s7] =	ssyncset.done $0x0  }
0x223: {  	[sflag:s7] =	ssyncadd.s32 $0xFFFFFFC0  }
0x224: {  	_ =	swait.ge [sflag:s7], $0x400  }
0x225: {  	[sflag:s7] =	ssyncset.done $0x0  }
0x226: {  	[sflag:s7] =	ssyncadd.s32 $0xFFFFFC00  }
0x227: {  	_ =	swait.ge [sflag:s7], $0x40  }
0x228: {  	s21 =	sld [smem:$0x7CE]  }
0x229: {  	s22 =	sld [smem:$0x7ED];
	_ =	sdelay $0x1  }
0x22a: {  	s4 =	sadd.s32 $0x1, s21  }
0x22b: {  	p1 =	sne.s32 s4, s22  }
.Ltmp1:
0x22c: {  	_ = 	snop;
	(pc) =	sbr.rel @p1 .LBB2_1-.Ltmp1, $3  }
0x22d: {  	_ =	sdelay $0x1  }
0x22e: {  	s3 =	simm.s32 $0x15400;
	[sflag:s7] =	ssyncset.done $0x0  }
0x22f: {  	[sflag:s7] =	ssyncadd.s32 $0xFFFFFFC0;
	s21 =	simm.s32 $0x9;
	s22 =	simm.s32 $0xA  }
0x230: {  	_ =	sfence.sel $0x180000  }
0x231: {  	[bflag:$0x0] =	sbarrier.arrive $0xFFFF  }
0x232: {  	_ =	strace $0x90000047  }
0x233: {  	s0 =	stileid.u32;
	[bflag:$0x2] =	sbarrier.arrive $0xFFFF  }
0x234: {  	p0 =	sne.s32 s0, $0x0;
	s0 =	rddreg [dreg:$0x6]  }
0x235: {  	s0 =	sadd.s32 @!p0 $0x100000, s0  }
0x236: {  	[sflag:s0] =	ssyncadd.tile.s32 @!p0 $0x1;
	_ =	shalt  }
.Lfunc_end2:
_tile_overlayer_lowered:
.L_overlay_start_2:
0x237: {  	(tag) =	ssettag $0x2  }
0x238: {  	s0 =	rddreg [dreg:$0x0];
	s2 =	stileid.u32  }
0x239: {  	s1 =	rddreg [dreg:$0x1];
	p0 =	sne.s32 s2, $0x0  }
0x23a: {  	s3 =	rddreg [dreg:$0x2];
	[bflag:$0x3] =	sbarrier.arrive $0xFFFF;
	s2 =	simm.s32 @!p0 $0x1C0E  }
0x23b: {  	[timem:s3], [sflag:s2] =	dma.local @!p0 [hbm:s0], s1  }
0x23c: {  	s0 =	simm.s32 @!p0 $0xE  }
0x23d: {  	_ =	swait.ge @!p0 [sflag:s0], s1  }
0x23e: {  	s1 =	ssub.s32 @!p0 $0x0, s1;
	[sflag:s0] =	ssyncset.done @!p0 $0x0  }
0x23f: {  	[sflag:s0] =	ssyncadd.s32 @!p0 s1  }
0x240: {  	[bflag:$0x3] =	sbarrier.arrive $0xFFFF  }
0x241: {  	_ =	shalt  }

</sc_bundles>
